<compile_context>
chip_gen: v7x
topology: tpu7x:2x2x1
jax: 0.10.2.dev20260603
libtpu: 0.0.44.dev20260713+nightly
codegen_flags: <defaults>
</compile_context>

<pallas_src>
import functools

import jax
import jax.numpy as jnp
from jax import lax
from jax.experimental import pallas as pl
from jax.experimental.pallas import tpu as pltpu
from jax.experimental.pallas import tpu_sc as plsc

B = 16384
FIELD = 26
EMB = 16
V = 26 * 40000
D = FIELD * EMB
DH = D // 2
NUMF = 13
EPS = 1e-5

NC, NS = 2, 16
NW = NC * NS
N_IDX = B * FIELD
PER_W = N_IDX // NW
K = 128
NSTREAM = PER_W // K

NB = 4
MB = NB * K
NMACRO = NSTREAM // NB
SAMP_W = B // NW

TCOL = V // 128
GB = 8
CTC = 16 * GB
NCHUNK = (TCOL + CTC - 1) // CTC
NROW8 = NCHUNK * GB * 2048

_sc_mesh = plsc.VectorSubcoreMesh(core_axis_name="c", subcore_axis_name="s")


def _trans_body(in_ref, out_ref):
    x = in_ref[...]
    for g in range(GB):
        xg = x[:, g * 16:(g + 1) * 16].reshape(2, 128, 128)
        out_ref[:, g] = jnp.swapaxes(xg, 1, 2)


def _tc_transpose(tq):
    return pl.pallas_call(
        _trans_body,
        grid=(NCHUNK,),
        in_specs=[pl.BlockSpec((2, CTC, 8, 128), lambda i: (0, i, 0, 0))],
        out_specs=pl.BlockSpec((2, GB, 128, 128), lambda i: (0, i, 0, 0)),
        out_shape=jax.ShapeDtypeStruct((2, NCHUNK * GB, 128, 128), jnp.float32),
    )(tq)


@functools.partial(
    pl.kernel,
    out_type=(
        jax.ShapeDtypeStruct((N_IDX, 8), jnp.float32),
        jax.ShapeDtypeStruct((N_IDX, 8), jnp.float32),
        jax.ShapeDtypeStruct((B,), jnp.float32),
    ),
    mesh=_sc_mesh,
    compiler_params=pltpu.CompilerParams(use_tc_tiling_on_sc=False,
                                        needs_layout_passes=False),
    scratch_types=[
        pltpu.VMEM((NSTREAM, K), jnp.int32),
        pltpu.VMEM((NSTREAM, K), jnp.int32),
        pltpu.VMEM((2, MB, 8), jnp.float32),
        pltpu.VMEM((2, MB, 8), jnp.float32),
        pltpu.VMEM((PER_W,), jnp.float32),
        pltpu.VMEM((SAMP_W,), jnp.float32),
        pltpu.SemaphoreType.DMA,
        pltpu.SemaphoreType.DMA,
        pltpu.SemaphoreType.DMA,
    ],
)
def _sc_gather(idx_hbm, rdx_hbm, half_hbm, first_hbm, lo_out, hi_out,
               fsum_out, idx_v, rdx_v, rows_lo, rows_hi, fst_v, fsum_v,
               rsem0, rsem1, fsem):
    wid = lax.axis_index("s") * NC + lax.axis_index("c")
    row0 = wid * NSTREAM
    base = wid * PER_W
    rsem = (rsem0, rsem1)
    pltpu.sync_copy(idx_hbm.at[pl.ds(row0, NSTREAM)], idx_v)
    pltpu.sync_copy(rdx_hbm.at[pl.ds(row0, NSTREAM)], rdx_v)

    def fire(m, p):
        for b in range(NB):
            j = m * NB + b
            pltpu.async_copy(half_hbm.at[0].at[rdx_v.at[j]],
                             rows_lo.at[p].at[pl.ds(b * K, K)], rsem[p])
            pltpu.async_copy(half_hbm.at[1].at[rdx_v.at[j]],
                             rows_hi.at[p].at[pl.ds(b * K, K)], rsem[p])
            pltpu.async_copy(first_hbm.at[idx_v.at[j]],
                             fst_v.at[pl.ds((m * NB + b) * K, K)], fsem)

    def drain(m, p):
        for b in range(NB):
            j = m * NB + b
            pltpu.make_async_copy(half_hbm.at[0].at[rdx_v.at[j]],
                                  rows_lo.at[p].at[pl.ds(b * K, K)],
                                  rsem[p]).wait()
            pltpu.make_async_copy(half_hbm.at[1].at[rdx_v.at[j]],
                                  rows_hi.at[p].at[pl.ds(b * K, K)],
                                  rsem[p]).wait()

    def write(m, p):
        pltpu.sync_copy(rows_lo.at[p], lo_out.at[pl.ds(base + m * MB, MB)])
        pltpu.sync_copy(rows_hi.at[p], hi_out.at[pl.ds(base + m * MB, MB)])

    fire(0, 0)

    def body(i, carry):
        mm = 2 * i
        fire(mm + 1, 1)
        drain(mm, 0)
        write(mm, 0)

        @pl.when(i < NMACRO // 2 - 1)
        def _():
            fire(mm + 2, 0)

        drain(mm + 1, 1)
        write(mm + 1, 1)
        return carry

    lax.fori_loop(0, NMACRO // 2, body, 0)

    def fdrain(j, carry):
        pltpu.make_async_copy(first_hbm.at[idx_v.at[j]],
                              fst_v.at[pl.ds(j * K, K)], fsem).wait()
        return carry

    lax.fori_loop(0, NSTREAM, fdrain, 0)

    iota16 = lax.iota(jnp.int32, 16)

    def fsum_body(g, carry):
        acc = jnp.zeros((16,), jnp.float32)
        for f in range(FIELD):
            ridx = (g * 16 + iota16) * FIELD + f
            acc = acc + plsc.load_gather(fst_v, [ridx])
        fsum_v[pl.ds(g * 16, 16)] = acc
        return carry

    lax.fori_loop(0, SAMP_W // 16, fsum_body, 0)
    pltpu.sync_copy(fsum_v, fsum_out.at[pl.ds(wid * SAMP_W, SAMP_W)])


def _mlp_body(lo_ref, hi_ref, x2_ref, fsum_ref, slo_ref, shi_ref,
              w1lo_ref, w1hi_ref, w1b_ref, b1_ref, g1_ref, be1_ref,
              w2_ref, b2_ref, g2_ref, be2_ref,
              w3_ref, b3_ref, g3_ref, be3_ref, bias_ref, out_ref):
    xlo = lo_ref[...]
    xhi = hi_ref[...]
    inv = 1.0 / jnp.sqrt(1.0 + EPS)
    sumvec = (jnp.dot(xlo, slo_ref[...], preferred_element_type=jnp.float32)
              + jnp.dot(xhi, shi_ref[...], preferred_element_type=jnp.float32))
    sq = jnp.sum(xlo * xlo, axis=1) + jnp.sum(xhi * xhi, axis=1)
    fm2 = 0.5 * (jnp.sum(sumvec * sumvec, axis=1) - sq)
    h = (jnp.dot(xlo, w1lo_ref[...], preferred_element_type=jnp.float32)
         + jnp.dot(xhi, w1hi_ref[...], preferred_element_type=jnp.float32)
         + jnp.dot(x2_ref[...], w1b_ref[...], preferred_element_type=jnp.float32)
         + b1_ref[...])
    h = jnp.maximum(h * (g1_ref[...] * inv) + be1_ref[...], 0.0)
    h = jnp.dot(h, w2_ref[...], preferred_element_type=jnp.float32) + b2_ref[...]
    h = jnp.maximum(h * (g2_ref[...] * inv) + be2_ref[...], 0.0)
    h = jnp.dot(h, w3_ref[...], preferred_element_type=jnp.float32) + b3_ref[...]
    h = jnp.maximum(h * (g3_ref[...] * inv) + be3_ref[...], 0.0)
    logit = fsum_ref[...] + fm2 + jnp.sum(h, axis=1) + bias_ref[0]
    out_ref[...] = jax.nn.sigmoid(logit)


def _mlp(xlo, xhi, x2, fsum, slo, shi, w1lo, w1hi, w1b, b1, g1, be1,
         w2, b2, g2, be2, w3, b3, g3, be3, bias):
    bs = 4096
    grid = (B // bs,)
    full = lambda shape: pl.BlockSpec(shape, lambda i: tuple(0 for _ in shape))
    return pl.pallas_call(
        _mlp_body,
        grid=grid,
        in_specs=[
            pl.BlockSpec((bs, DH), lambda i: (i, 0)),
            pl.BlockSpec((bs, DH), lambda i: (i, 0)),
            pl.BlockSpec((bs, NUMF), lambda i: (i, 0)),
            pl.BlockSpec((bs,), lambda i: (i,)),
            full(slo.shape), full(shi.shape), full(w1lo.shape),
            full(w1hi.shape), full(w1b.shape), full(b1.shape),
            full(g1.shape), full(be1.shape), full(w2.shape), full(b2.shape),
            full(g2.shape), full(be2.shape), full(w3.shape), full(b3.shape),
            full(g3.shape), full(be3.shape), full(bias.shape),
        ],
        out_specs=pl.BlockSpec((bs,), lambda i: (i,)),
        out_shape=jax.ShapeDtypeStruct((B,), jnp.float32),
    )(xlo, xhi, x2, fsum, slo, shi, w1lo, w1hi, w1b, b1, g1, be1,
      w2, b2, g2, be2, w3, b3, g3, be3, bias)


def kernel(train_x1, train_x2, fm_first_w, fm_second_w, bias,
           W1, b1, g1, be1, W2, b2, g2, be2, W3, b3, g3, be3):
    idx = train_x1.reshape(N_IDX // K, K)
    rdx = (idx >> 11) * 2048 + (idx & 127) * 16 + ((idx >> 7) & 15)
    tq = fm_second_w.T.reshape(2, 8, TCOL, 128).transpose(0, 2, 1, 3)
    half = _tc_transpose(tq).reshape(2, NROW8, 8)
    emb_lo, emb_hi, fsum = _sc_gather(idx, rdx, half, fm_first_w.T.reshape(V))
    xlo = emb_lo.reshape(B, DH)
    xhi = emb_hi.reshape(B, DH)
    eye = jnp.eye(EMB, dtype=jnp.float32)
    slo = jnp.tile(eye[:8], (FIELD, 1))
    shi = jnp.tile(eye[8:], (FIELD, 1))
    perm_lo = (jnp.arange(FIELD)[:, None] * EMB + jnp.arange(8)).reshape(-1)
    w1lo = W1[perm_lo]
    w1hi = W1[perm_lo + 8]
    return _mlp(xlo, xhi, train_x2, fsum, slo, shi, w1lo, w1hi, W1[D:],
                b1, g1, be1, W2, b2, g2, be2, W3, b3, g3, be3, bias)

# --- scband reference (transcript-rebuilt; emitter-appended) ---
"""Pipeline reference for scband-de-fm-nu-53068615910202 (READ-ONLY COPY).

The authoritative reference and input builder live on the scoring server;
editing this copy changes nothing except your own understanding.
"""

import jax, jax.numpy as jnp
import numpy as np

B = 16384
FIELD = 26
NUMF = 13
EMB = 16
V = 26 * 40000
LAYERS = [12, 8, 4]
EPS = 1e-5


def setup_inputs(seed: int = 0) -> dict:
    key = jax.random.key(seed)
    ks = jax.random.split(key, 16)
    stdv = float(np.sqrt(0.2 / FIELD))
    inp = {}
    inp["train_x1"] = jax.random.randint(ks[0], (B, FIELD), 0, V, dtype=jnp.int32)
    inp["train_x2"] = jax.random.normal(ks[1], (B, NUMF), dtype=jnp.float32)
    inp["fm_first_w"] = jax.random.normal(ks[2], (V, 1), dtype=jnp.float32) * stdv
    inp["fm_second_w"] = jax.random.normal(ks[3], (V, EMB), dtype=jnp.float32) * stdv
    inp["bias"] = jax.random.normal(ks[4], (1,), dtype=jnp.float32)
    dims = [FIELD * EMB + NUMF] + LAYERS
    for i in range(3):
        inp["W%d" % (i + 1)] = jax.random.normal(ks[5 + i], (dims[i], dims[i + 1]), dtype=jnp.float32) * float(np.sqrt(1.0 / dims[i]))
        inp["b%d" % (i + 1)] = jnp.zeros((dims[i + 1],), dtype=jnp.float32)
        inp["g%d" % (i + 1)] = jnp.ones((dims[i + 1],), dtype=jnp.float32)
        inp["be%d" % (i + 1)] = jnp.zeros((dims[i + 1],), dtype=jnp.float32)
    return inp


def _bn_eval(x, g, be):
    # BatchNorm1d in eval mode with running_mean=0, running_var=1
    return g * (x / jnp.sqrt(1.0 + EPS)) + be


def reference(train_x1, train_x2, fm_first_w, fm_second_w, bias,
              W1, b1, g1, be1, W2, b2, g2, be2, W3, b3, g3, be3):
    num_item = train_x1.shape[0]
    x1 = train_x1.reshape(num_item * FIELD)
    # fm first order: embedding lookup [B*F, 1] -> [B, F]
    fm_first = jnp.take(fm_first_w, x1, axis=0).reshape(num_item, -1)
    # fm second order embedding: [B, F, EMB]
    fm_sec_emb = jnp.take(fm_second_w, x1, axis=0).reshape(num_item, FIELD, -1)
    fm_sum_sec_emb = jnp.sum(fm_sec_emb, axis=1)
    fm_sum_sec_emb_squ = fm_sum_sec_emb * fm_sum_sec_emb
    fm_sec_emb_squ = fm_sec_emb * fm_sec_emb
    fm_sec_emb_squ_sum = jnp.sum(fm_sec_emb_squ, axis=1)
    fm_second = (fm_sum_sec_emb_squ - fm_sec_emb_squ_sum) * 0.5
    # deep part (dropout = identity in eval)
    deep_emb = fm_sec_emb.reshape(num_item, -1)
    deep_data = jnp.concatenate((deep_emb, train_x2), axis=1)
    x_deep = jax.nn.relu(_bn_eval(deep_data @ W1 + b1, g1, be1))
    x_deep = jax.nn.relu(_bn_eval(x_deep @ W2 + b2, g2, be2))
    x_deep = jax.nn.relu(_bn_eval(x_deep @ W3 + b3, g3, be3))
    total_sum = jax.nn.sigmoid(jnp.sum(fm_first, axis=1) + jnp.sum(fm_second, axis=1) + jnp.sum(x_deep, axis=1) + bias[0])
    return total_sum


if False:  # reference __main__ guard neutralized (emitter)
    out = reference(**setup_inputs())
    print(out.shape, out.dtype)

if __name__ == "__main__":
    import jax
    _d = setup_inputs()
    print(jax.jit(kernel)(*tuple(_d.values())))

</pallas_src>

<mosaic_0001>
#map = affine_map<(d0, d1) -> (0, 0)>
#map1 = affine_map<(d0, d1) -> (0, 0, 0)>
#map2 = affine_map<(d0, d1) -> (0)>
module attributes {stable_mosaic.version = 14 : i64} {
  func.func @_sc_gather(%arg0: i32, %arg1: i32, %arg2: memref<3328x128xi32, #tpu.memory_space<hbm>>, %arg3: memref<3328x128xi32, #tpu.memory_space<hbm>>, %arg4: memref<2x1048576x8xf32, #tpu.memory_space<hbm>>, %arg5: memref<1040000xf32, #tpu.memory_space<hbm>>, %arg6: memref<425984x8xf32, #tpu.memory_space<hbm>>, %arg7: memref<425984x8xf32, #tpu.memory_space<hbm>>, %arg8: memref<16384xf32, #tpu.memory_space<hbm>>, %arg9: memref<104x128xi32, #tpu.memory_space<vmem>>, %arg10: memref<104x128xi32, #tpu.memory_space<vmem>>, %arg11: memref<2x512x8xf32, #tpu.memory_space<vmem>>, %arg12: memref<2x512x8xf32, #tpu.memory_space<vmem>>, %arg13: memref<13312xf32, #tpu.memory_space<vmem>>, %arg14: memref<512xf32, #tpu.memory_space<vmem>>, %arg15: memref<!tpu.dma_semaphore, #tpu.memory_space<semaphore_mem>>, %arg16: memref<!tpu.dma_semaphore, #tpu.memory_space<semaphore_mem>>, %arg17: memref<!tpu.dma_semaphore, #tpu.memory_space<semaphore_mem>>) attributes {dimension_semantics = [#tpu.dimension_semantics<core_parallel>, #tpu.dimension_semantics<subcore_parallel>], iteration_bounds = array<i64: 2, 16>, scalar_prefetch = 0 : i64, scratch_operands = 9 : i64, tpu.core_type = #tpu.core_type<sc_vector_subcore>, window_params = [{transform_indices = #map}, {transform_indices = #map}, {transform_indices = #map1}, {transform_indices = #map2}, {transform_indices = #map}, {transform_indices = #map}, {transform_indices = #map2}]} {
    %mul3A = arith.constant 2 : i32
    %mul3A_0 = arith.muli %arg1, %mul3A : i32
    %add3A = arith.addi %mul3A_0, %arg0 : i32
    %mul3A_1 = arith.constant 104 : i32
    %mul3A_2 = arith.muli %add3A, %mul3A_1 : i32
    %mul3A_3 = arith.constant 13312 : i32
    %mul3A_4 = arith.muli %add3A, %mul3A_3 : i32
    "tpu.region"() ({
      %run_scoped3A = tpu.sem_alloc : memref<!tpu.dma_semaphore, #tpu.memory_space<semaphore_mem>>
      %dma_start3A_215 = arith.constant 0 : i32
      %dma_start3A_216 = tpu.memref_slice %arg2[%mul3A_2, %dma_start3A_215] : memref<3328x128xi32, #tpu.memory_space<hbm>> -> memref<104x128xi32, #tpu.memory_space<hbm>>
      %dma_start3A_217 = arith.constant 0 : i32
      %dma_start3A_218 = tpu.memref_slice %arg2[%mul3A_2, %dma_start3A_217] : memref<3328x128xi32, #tpu.memory_space<hbm>> -> memref<104x128xi32, #tpu.memory_space<hbm>>
      tpu.enqueue_dma source(%dma_start3A_218 : memref<104x128xi32, #tpu.memory_space<hbm>>) target(%arg9 : memref<104x128xi32, #tpu.memory_space<vmem>>) target_semaphore(%run_scoped3A : memref<!tpu.dma_semaphore, #tpu.memory_space<semaphore_mem>>)
      %dma_wait3A = arith.constant 0 : i32
      %dma_wait3A_219 = tpu.memref_slice %arg2[%mul3A_2, %dma_wait3A] : memref<3328x128xi32, #tpu.memory_space<hbm>> -> memref<104x128xi32, #tpu.memory_space<hbm>>
      %dma_wait3A_220 = arith.constant 0 : i32
      %dma_wait3A_221 = tpu.memref_slice %arg2[%mul3A_2, %dma_wait3A_220] : memref<3328x128xi32, #tpu.memory_space<hbm>> -> memref<104x128xi32, #tpu.memory_space<hbm>>
      tpu.wait_dma2 semaphore(%run_scoped3A : memref<!tpu.dma_semaphore, #tpu.memory_space<semaphore_mem>>) src(%dma_wait3A_221 : memref<104x128xi32, #tpu.memory_space<hbm>>) dst(%arg9 : memref<104x128xi32, #tpu.memory_space<vmem>>)
      tpu.yield
    }) : () -> ()
    "tpu.region"() ({
      %run_scoped3A = tpu.sem_alloc : memref<!tpu.dma_semaphore, #tpu.memory_space<semaphore_mem>>
      %dma_start3A_215 = arith.constant 0 : i32
      %dma_start3A_216 = tpu.memref_slice %arg3[%mul3A_2, %dma_start3A_215] : memref<3328x128xi32, #tpu.memory_space<hbm>> -> memref<104x128xi32, #tpu.memory_space<hbm>>
      %dma_start3A_217 = arith.constant 0 : i32
      %dma_start3A_218 = tpu.memref_slice %arg3[%mul3A_2, %dma_start3A_217] : memref<3328x128xi32, #tpu.memory_space<hbm>> -> memref<104x128xi32, #tpu.memory_space<hbm>>
      tpu.enqueue_dma source(%dma_start3A_218 : memref<104x128xi32, #tpu.memory_space<hbm>>) target(%arg10 : memref<104x128xi32, #tpu.memory_space<vmem>>) target_semaphore(%run_scoped3A : memref<!tpu.dma_semaphore, #tpu.memory_space<semaphore_mem>>)
      %dma_wait3A = arith.constant 0 : i32
      %dma_wait3A_219 = tpu.memref_slice %arg3[%mul3A_2, %dma_wait3A] : memref<3328x128xi32, #tpu.memory_space<hbm>> -> memref<104x128xi32, #tpu.memory_space<hbm>>
      %dma_wait3A_220 = arith.constant 0 : i32
      %dma_wait3A_221 = tpu.memref_slice %arg3[%mul3A_2, %dma_wait3A_220] : memref<3328x128xi32, #tpu.memory_space<hbm>> -> memref<104x128xi32, #tpu.memory_space<hbm>>
      tpu.wait_dma2 semaphore(%run_scoped3A : memref<!tpu.dma_semaphore, #tpu.memory_space<semaphore_mem>>) src(%dma_wait3A_221 : memref<104x128xi32, #tpu.memory_space<hbm>>) dst(%arg10 : memref<104x128xi32, #tpu.memory_space<vmem>>)
      tpu.yield
    }) : () -> ()
    %dma_start3A = arith.constant 0 : i32
    %dma_start3A_5 = arith.constant 0 : i32
    %dma_start3A_6 = arith.constant 0 : i32
    %dma_start3A_7 = arith.constant 0 : i32
    %dma_start3A_8 = arith.constant 0 : i32
    %dma_start3A_9 = tpu.memref_slice %arg11[%dma_start3A_6, %dma_start3A_7, %dma_start3A_8] : memref<2x512x8xf32, #tpu.memory_space<vmem>> -> memref<1x512x8xf32, #tpu.memory_space<vmem>>
    %dma_start3A_10 = tpu.memref_squeeze %dma_start3A_9 : memref<1x512x8xf32, #tpu.memory_space<vmem>> -> memref<512x8xf32, #tpu.memory_space<vmem>>
    %dma_start3A_11 = arith.constant 0 : i32
    %dma_start3A_12 = arith.constant 0 : i32
    %dma_start3A_13 = tpu.memref_slice %dma_start3A_10[%dma_start3A_11, %dma_start3A_12] : memref<512x8xf32, #tpu.memory_space<vmem>> -> memref<128x8xf32, #tpu.memory_space<vmem>>
    %dma_start3A_14 = arith.constant 0 : i32
    %dma_start3A_15 = tpu.memref_slice %arg10[%dma_start3A_5, %dma_start3A_14] : memref<104x128xi32, #tpu.memory_space<vmem>> -> memref<1x128xi32, #tpu.memory_space<vmem>>
    %dma_start3A_16 = tpu.memref_squeeze %dma_start3A_15 : memref<1x128xi32, #tpu.memory_space<vmem>> -> memref<128xi32, #tpu.memory_space<vmem>>
    %dma_start3A_17 = arith.constant 0 : i32
    %dma_start3A_18 = arith.constant 0 : i32
    %dma_start3A_19 = tpu.memref_slice %arg4[%dma_start3A, %dma_start3A_17, %dma_start3A_18] : memref<2x1048576x8xf32, #tpu.memory_space<hbm>> -> memref<1x1048576x8xf32, #tpu.memory_space<hbm>>
    %dma_start3A_20 = tpu.memref_squeeze %dma_start3A_19 : memref<1x1048576x8xf32, #tpu.memory_space<hbm>> -> memref<1048576x8xf32, #tpu.memory_space<hbm>>
    %dma_start3A_21 = arith.constant 0 : i32
    %dma_start3A_22 = arith.constant 0 : i32
    %dma_start3A_23 = tpu.memref_slice %dma_start3A_20[%dma_start3A_21, %dma_start3A_22] : memref<1048576x8xf32, #tpu.memory_space<hbm>> -> memref<1048576x8xf32, #tpu.memory_space<hbm>>
    tpu.enqueue_indirect_dma source(%dma_start3A_23 : memref<1048576x8xf32, #tpu.memory_space<hbm>>) target(%dma_start3A_13 : memref<128x8xf32, #tpu.memory_space<vmem>>) offsets(%dma_start3A_16 : memref<128xi32, #tpu.memory_space<vmem>>) semaphore(%arg15 : memref<!tpu.dma_semaphore, #tpu.memory_space<semaphore_mem>>)
    %dma_start3A_24 = arith.constant 1 : i32
    %dma_start3A_25 = arith.constant 0 : i32
    %dma_start3A_26 = arith.constant 0 : i32
    %dma_start3A_27 = arith.constant 0 : i32
    %dma_start3A_28 = arith.constant 0 : i32
    %dma_start3A_29 = tpu.memref_slice %arg12[%dma_start3A_26, %dma_start3A_27, %dma_start3A_28] : memref<2x512x8xf32, #tpu.memory_space<vmem>> -> memref<1x512x8xf32, #tpu.memory_space<vmem>>
    %dma_start3A_30 = tpu.memref_squeeze %dma_start3A_29 : memref<1x512x8xf32, #tpu.memory_space<vmem>> -> memref<512x8xf32, #tpu.memory_space<vmem>>
    %dma_start3A_31 = arith.constant 0 : i32
    %dma_start3A_32 = arith.constant 0 : i32
    %dma_start3A_33 = tpu.memref_slice %dma_start3A_30[%dma_start3A_31, %dma_start3A_32] : memref<512x8xf32, #tpu.memory_space<vmem>> -> memref<128x8xf32, #tpu.memory_space<vmem>>
    %dma_start3A_34 = arith.constant 0 : i32
    %dma_start3A_35 = tpu.memref_slice %arg10[%dma_start3A_25, %dma_start3A_34] : memref<104x128xi32, #tpu.memory_space<vmem>> -> memref<1x128xi32, #tpu.memory_space<vmem>>
    %dma_start3A_36 = tpu.memref_squeeze %dma_start3A_35 : memref<1x128xi32, #tpu.memory_space<vmem>> -> memref<128xi32, #tpu.memory_space<vmem>>
    %dma_start3A_37 = arith.constant 0 : i32
    %dma_start3A_38 = arith.constant 0 : i32
    %dma_start3A_39 = tpu.memref_slice %arg4[%dma_start3A_24, %dma_start3A_37, %dma_start3A_38] : memref<2x1048576x8xf32, #tpu.memory_space<hbm>> -> memref<1x1048576x8xf32, #tpu.memory_space<hbm>>
    %dma_start3A_40 = tpu.memref_squeeze %dma_start3A_39 : memref<1x1048576x8xf32, #tpu.memory_space<hbm>> -> memref<1048576x8xf32, #tpu.memory_space<hbm>>
    %dma_start3A_41 = arith.constant 0 : i32
    %dma_start3A_42 = arith.constant 0 : i32
    %dma_start3A_43 = tpu.memref_slice %dma_start3A_40[%dma_start3A_41, %dma_start3A_42] : memref<1048576x8xf32, #tpu.memory_space<hbm>> -> memref<1048576x8xf32, #tpu.memory_space<hbm>>
    tpu.enqueue_indirect_dma source(%dma_start3A_43 : memref<1048576x8xf32, #tpu.memory_space<hbm>>) target(%dma_start3A_33 : memref<128x8xf32, #tpu.memory_space<vmem>>) offsets(%dma_start3A_36 : memref<128xi32, #tpu.memory_space<vmem>>) semaphore(%arg15 : memref<!tpu.dma_semaphore, #tpu.memory_space<semaphore_mem>>)
    %dma_start3A_44 = arith.constant 0 : i32
    %dma_start3A_45 = arith.constant 0 : i32
    %dma_start3A_46 = tpu.memref_slice %arg13[%dma_start3A_45] : memref<13312xf32, #tpu.memory_space<vmem>> -> memref<128xf32, #tpu.memory_space<vmem>>
    %dma_start3A_47 = arith.constant 0 : i32
    %dma_start3A_48 = tpu.memref_slice %arg9[%dma_start3A_44, %dma_start3A_47] : memref<104x128xi32, #tpu.memory_space<vmem>> -> memref<1x128xi32, #tpu.memory_space<vmem>>
    %dma_start3A_49 = tpu.memref_squeeze %dma_start3A_48 : memref<1x128xi32, #tpu.memory_space<vmem>> -> memref<128xi32, #tpu.memory_space<vmem>>
    %dma_start3A_50 = arith.constant 0 : i32
    %dma_start3A_51 = tpu.memref_slice %arg5[%dma_start3A_50] : memref<1040000xf32, #tpu.memory_space<hbm>> -> memref<1040000xf32, #tpu.memory_space<hbm>>
    tpu.enqueue_indirect_dma source(%dma_start3A_51 : memref<1040000xf32, #tpu.memory_space<hbm>>) target(%dma_start3A_46 : memref<128xf32, #tpu.memory_space<vmem>>) offsets(%dma_start3A_49 : memref<128xi32, #tpu.memory_space<vmem>>) semaphore(%arg17 : memref<!tpu.dma_semaphore, #tpu.memory_space<semaphore_mem>>)
    %dma_start3A_52 = arith.constant 0 : i32
    %dma_start3A_53 = arith.constant 1 : i32
    %dma_start3A_54 = arith.constant 0 : i32
    %dma_start3A_55 = arith.constant 0 : i32
    %dma_start3A_56 = arith.constant 0 : i32
    %dma_start3A_57 = tpu.memref_slice %arg11[%dma_start3A_54, %dma_start3A_55, %dma_start3A_56] : memref<2x512x8xf32, #tpu.memory_space<vmem>> -> memref<1x512x8xf32, #tpu.memory_space<vmem>>
    %dma_start3A_58 = tpu.memref_squeeze %dma_start3A_57 : memref<1x512x8xf32, #tpu.memory_space<vmem>> -> memref<512x8xf32, #tpu.memory_space<vmem>>
    %dma_start3A_59 = arith.constant 128 : i32
    %dma_start3A_60 = arith.constant 0 : i32
    %dma_start3A_61 = tpu.memref_slice %dma_start3A_58[%dma_start3A_59, %dma_start3A_60] : memref<512x8xf32, #tpu.memory_space<vmem>> -> memref<128x8xf32, #tpu.memory_space<vmem>>
    %dma_start3A_62 = arith.constant 0 : i32
    %dma_start3A_63 = tpu.memref_slice %arg10[%dma_start3A_53, %dma_start3A_62] : memref<104x128xi32, #tpu.memory_space<vmem>> -> memref<1x128xi32, #tpu.memory_space<vmem>>
    %dma_start3A_64 = tpu.memref_squeeze %dma_start3A_63 : memref<1x128xi32, #tpu.memory_space<vmem>> -> memref<128xi32, #tpu.memory_space<vmem>>
    %dma_start3A_65 = arith.constant 0 : i32
    %dma_start3A_66 = arith.constant 0 : i32
    %dma_start3A_67 = tpu.memref_slice %arg4[%dma_start3A_52, %dma_start3A_65, %dma_start3A_66] : memref<2x1048576x8xf32, #tpu.memory_space<hbm>> -> memref<1x1048576x8xf32, #tpu.memory_space<hbm>>
    %dma_start3A_68 = tpu.memref_squeeze %dma_start3A_67 : memref<1x1048576x8xf32, #tpu.memory_space<hbm>> -> memref<1048576x8xf32, #tpu.memory_space<hbm>>
    %dma_start3A_69 = arith.constant 0 : i32
    %dma_start3A_70 = arith.constant 0 : i32
    %dma_start3A_71 = tpu.memref_slice %dma_start3A_68[%dma_start3A_69, %dma_start3A_70] : memref<1048576x8xf32, #tpu.memory_space<hbm>> -> memref<1048576x8xf32, #tpu.memory_space<hbm>>
    tpu.enqueue_indirect_dma source(%dma_start3A_71 : memref<1048576x8xf32, #tpu.memory_space<hbm>>) target(%dma_start3A_61 : memref<128x8xf32, #tpu.memory_space<vmem>>) offsets(%dma_start3A_64 : memref<128xi32, #tpu.memory_space<vmem>>) semaphore(%arg15 : memref<!tpu.dma_semaphore, #tpu.memory_space<semaphore_mem>>)
    %dma_start3A_72 = arith.constant 1 : i32
    %dma_start3A_73 = arith.constant 1 : i32
    %dma_start3A_74 = arith.constant 0 : i32
    %dma_start3A_75 = arith.constant 0 : i32
    %dma_start3A_76 = arith.constant 0 : i32
    %dma_start3A_77 = tpu.memref_slice %arg12[%dma_start3A_74, %dma_start3A_75, %dma_start3A_76] : memref<2x512x8xf32, #tpu.memory_space<vmem>> -> memref<1x512x8xf32, #tpu.memory_space<vmem>>
    %dma_start3A_78 = tpu.memref_squeeze %dma_start3A_77 : memref<1x512x8xf32, #tpu.memory_space<vmem>> -> memref<512x8xf32, #tpu.memory_space<vmem>>
    %dma_start3A_79 = arith.constant 128 : i32
    %dma_start3A_80 = arith.constant 0 : i32
    %dma_start3A_81 = tpu.memref_slice %dma_start3A_78[%dma_start3A_79, %dma_start3A_80] : memref<512x8xf32, #tpu.memory_space<vmem>> -> memref<128x8xf32, #tpu.memory_space<vmem>>
    %dma_start3A_82 = arith.constant 0 : i32
    %dma_start3A_83 = tpu.memref_slice %arg10[%dma_start3A_73, %dma_start3A_82] : memref<104x128xi32, #tpu.memory_space<vmem>> -> memref<1x128xi32, #tpu.memory_space<vmem>>
    %dma_start3A_84 = tpu.memref_squeeze %dma_start3A_83 : memref<1x128xi32, #tpu.memory_space<vmem>> -> memref<128xi32, #tpu.memory_space<vmem>>
    %dma_start3A_85 = arith.constant 0 : i32
    %dma_start3A_86 = arith.constant 0 : i32
    %dma_start3A_87 = tpu.memref_slice %arg4[%dma_start3A_72, %dma_start3A_85, %dma_start3A_86] : memref<2x1048576x8xf32, #tpu.memory_space<hbm>> -> memref<1x1048576x8xf32, #tpu.memory_space<hbm>>
    %dma_start3A_88 = tpu.memref_squeeze %dma_start3A_87 : memref<1x1048576x8xf32, #tpu.memory_space<hbm>> -> memref<1048576x8xf32, #tpu.memory_space<hbm>>
    %dma_start3A_89 = arith.constant 0 : i32
    %dma_start3A_90 = arith.constant 0 : i32
    %dma_start3A_91 = tpu.memref_slice %dma_start3A_88[%dma_start3A_89, %dma_start3A_90] : memref<1048576x8xf32, #tpu.memory_space<hbm>> -> memref<1048576x8xf32, #tpu.memory_space<hbm>>
    tpu.enqueue_indirect_dma source(%dma_start3A_91 : memref<1048576x8xf32, #tpu.memory_space<hbm>>) target(%dma_start3A_81 : memref<128x8xf32, #tpu.memory_space<vmem>>) offsets(%dma_start3A_84 : memref<128xi32, #tpu.memory_space<vmem>>) semaphore(%arg15 : memref<!tpu.dma_semaphore, #tpu.memory_space<semaphore_mem>>)
    %dma_start3A_92 = arith.constant 1 : i32
    %dma_start3A_93 = arith.constant 128 : i32
    %dma_start3A_94 = tpu.memref_slice %arg13[%dma_start3A_93] : memref<13312xf32, #tpu.memory_space<vmem>> -> memref<128xf32, #tpu.memory_space<vmem>>
    %dma_start3A_95 = arith.constant 0 : i32
    %dma_start3A_96 = tpu.memref_slice %arg9[%dma_start3A_92, %dma_start3A_95] : memref<104x128xi32, #tpu.memory_space<vmem>> -> memref<1x128xi32, #tpu.memory_space<vmem>>
    %dma_start3A_97 = tpu.memref_squeeze %dma_start3A_96 : memref<1x128xi32, #tpu.memory_space<vmem>> -> memref<128xi32, #tpu.memory_space<vmem>>
    %dma_start3A_98 = arith.constant 0 : i32
    %dma_start3A_99 = tpu.memref_slice %arg5[%dma_start3A_98] : memref<1040000xf32, #tpu.memory_space<hbm>> -> memref<1040000xf32, #tpu.memory_space<hbm>>
    tpu.enqueue_indirect_dma source(%dma_start3A_99 : memref<1040000xf32, #tpu.memory_space<hbm>>) target(%dma_start3A_94 : memref<128xf32, #tpu.memory_space<vmem>>) offsets(%dma_start3A_97 : memref<128xi32, #tpu.memory_space<vmem>>) semaphore(%arg17 : memref<!tpu.dma_semaphore, #tpu.memory_space<semaphore_mem>>)
    %dma_start3A_100 = arith.constant 0 : i32
    %dma_start3A_101 = arith.constant 2 : i32
    %dma_start3A_102 = arith.constant 0 : i32
    %dma_start3A_103 = arith.constant 0 : i32
    %dma_start3A_104 = arith.constant 0 : i32
    %dma_start3A_105 = tpu.memref_slice %arg11[%dma_start3A_102, %dma_start3A_103, %dma_start3A_104] : memref<2x512x8xf32, #tpu.memory_space<vmem>> -> memref<1x512x8xf32, #tpu.memory_space<vmem>>
    %dma_start3A_106 = tpu.memref_squeeze %dma_start3A_105 : memref<1x512x8xf32, #tpu.memory_space<vmem>> -> memref<512x8xf32, #tpu.memory_space<vmem>>
    %dma_start3A_107 = arith.constant 256 : i32
    %dma_start3A_108 = arith.constant 0 : i32
    %dma_start3A_109 = tpu.memref_slice %dma_start3A_106[%dma_start3A_107, %dma_start3A_108] : memref<512x8xf32, #tpu.memory_space<vmem>> -> memref<128x8xf32, #tpu.memory_space<vmem>>
    %dma_start3A_110 = arith.constant 0 : i32
    %dma_start3A_111 = tpu.memref_slice %arg10[%dma_start3A_101, %dma_start3A_110] : memref<104x128xi32, #tpu.memory_space<vmem>> -> memref<1x128xi32, #tpu.memory_space<vmem>>
    %dma_start3A_112 = tpu.memref_squeeze %dma_start3A_111 : memref<1x128xi32, #tpu.memory_space<vmem>> -> memref<128xi32, #tpu.memory_space<vmem>>
    %dma_start3A_113 = arith.constant 0 : i32
    %dma_start3A_114 = arith.constant 0 : i32
    %dma_start3A_115 = tpu.memref_slice %arg4[%dma_start3A_100, %dma_start3A_113, %dma_start3A_114] : memref<2x1048576x8xf32, #tpu.memory_space<hbm>> -> memref<1x1048576x8xf32, #tpu.memory_space<hbm>>
    %dma_start3A_116 = tpu.memref_squeeze %dma_start3A_115 : memref<1x1048576x8xf32, #tpu.memory_space<hbm>> -> memref<1048576x8xf32, #tpu.memory_space<hbm>>
    %dma_start3A_117 = arith.constant 0 : i32
    %dma_start3A_118 = arith.constant 0 : i32
    %dma_start3A_119 = tpu.memref_slice %dma_start3A_116[%dma_start3A_117, %dma_start3A_118] : memref<1048576x8xf32, #tpu.memory_space<hbm>> -> memref<1048576x8xf32, #tpu.memory_space<hbm>>
    tpu.enqueue_indirect_dma source(%dma_start3A_119 : memref<1048576x8xf32, #tpu.memory_space<hbm>>) target(%dma_start3A_109 : memref<128x8xf32, #tpu.memory_space<vmem>>) offsets(%dma_start3A_112 : memref<128xi32, #tpu.memory_space<vmem>>) semaphore(%arg15 : memref<!tpu.dma_semaphore, #tpu.memory_space<semaphore_mem>>)
    %dma_start3A_120 = arith.constant 1 : i32
    %dma_start3A_121 = arith.constant 2 : i32
    %dma_start3A_122 = arith.constant 0 : i32
    %dma_start3A_123 = arith.constant 0 : i32
    %dma_start3A_124 = arith.constant 0 : i32
    %dma_start3A_125 = tpu.memref_slice %arg12[%dma_start3A_122, %dma_start3A_123, %dma_start3A_124] : memref<2x512x8xf32, #tpu.memory_space<vmem>> -> memref<1x512x8xf32, #tpu.memory_space<vmem>>
    %dma_start3A_126 = tpu.memref_squeeze %dma_start3A_125 : memref<1x512x8xf32, #tpu.memory_space<vmem>> -> memref<512x8xf32, #tpu.memory_space<vmem>>
    %dma_start3A_127 = arith.constant 256 : i32
    %dma_start3A_128 = arith.constant 0 : i32
    %dma_start3A_129 = tpu.memref_slice %dma_start3A_126[%dma_start3A_127, %dma_start3A_128] : memref<512x8xf32, #tpu.memory_space<vmem>> -> memref<128x8xf32, #tpu.memory_space<vmem>>
    %dma_start3A_130 = arith.constant 0 : i32
    %dma_start3A_131 = tpu.memref_slice %arg10[%dma_start3A_121, %dma_start3A_130] : memref<104x128xi32, #tpu.memory_space<vmem>> -> memref<1x128xi32, #tpu.memory_space<vmem>>
    %dma_start3A_132 = tpu.memref_squeeze %dma_start3A_131 : memref<1x128xi32, #tpu.memory_space<vmem>> -> memref<128xi32, #tpu.memory_space<vmem>>
    %dma_start3A_133 = arith.constant 0 : i32
    %dma_start3A_134 = arith.constant 0 : i32
    %dma_start3A_135 = tpu.memref_slice %arg4[%dma_start3A_120, %dma_start3A_133, %dma_start3A_134] : memref<2x1048576x8xf32, #tpu.memory_space<hbm>> -> memref<1x1048576x8xf32, #tpu.memory_space<hbm>>
    %dma_start3A_136 = tpu.memref_squeeze %dma_start3A_135 : memref<1x1048576x8xf32, #tpu.memory_space<hbm>> -> memref<1048576x8xf32, #tpu.memory_space<hbm>>
    %dma_start3A_137 = arith.constant 0 : i32
    %dma_start3A_138 = arith.constant 0 : i32
    %dma_start3A_139 = tpu.memref_slice %dma_start3A_136[%dma_start3A_137, %dma_start3A_138] : memref<1048576x8xf32, #tpu.memory_space<hbm>> -> memref<1048576x8xf32, #tpu.memory_space<hbm>>
    tpu.enqueue_indirect_dma source(%dma_start3A_139 : memref<1048576x8xf32, #tpu.memory_space<hbm>>) target(%dma_start3A_129 : memref<128x8xf32, #tpu.memory_space<vmem>>) offsets(%dma_start3A_132 : memref<128xi32, #tpu.memory_space<vmem>>) semaphore(%arg15 : memref<!tpu.dma_semaphore, #tpu.memory_space<semaphore_mem>>)
    %dma_start3A_140 = arith.constant 2 : i32
    %dma_start3A_141 = arith.constant 256 : i32
    %dma_start3A_142 = tpu.memref_slice %arg13[%dma_start3A_141] : memref<13312xf32, #tpu.memory_space<vmem>> -> memref<128xf32, #tpu.memory_space<vmem>>
    %dma_start3A_143 = arith.constant 0 : i32
    %dma_start3A_144 = tpu.memref_slice %arg9[%dma_start3A_140, %dma_start3A_143] : memref<104x128xi32, #tpu.memory_space<vmem>> -> memref<1x128xi32, #tpu.memory_space<vmem>>
    %dma_start3A_145 = tpu.memref_squeeze %dma_start3A_144 : memref<1x128xi32, #tpu.memory_space<vmem>> -> memref<128xi32, #tpu.memory_space<vmem>>
    %dma_start3A_146 = arith.constant 0 : i32
    %dma_start3A_147 = tpu.memref_slice %arg5[%dma_start3A_146] : memref<1040000xf32, #tpu.memory_space<hbm>> -> memref<1040000xf32, #tpu.memory_space<hbm>>
    tpu.enqueue_indirect_dma source(%dma_start3A_147 : memref<1040000xf32, #tpu.memory_space<hbm>>) target(%dma_start3A_142 : memref<128xf32, #tpu.memory_space<vmem>>) offsets(%dma_start3A_145 : memref<128xi32, #tpu.memory_space<vmem>>) semaphore(%arg17 : memref<!tpu.dma_semaphore, #tpu.memory_space<semaphore_mem>>)
    %dma_start3A_148 = arith.constant 0 : i32
    %dma_start3A_149 = arith.constant 3 : i32
    %dma_start3A_150 = arith.constant 0 : i32
    %dma_start3A_151 = arith.constant 0 : i32
    %dma_start3A_152 = arith.constant 0 : i32
    %dma_start3A_153 = tpu.memref_slice %arg11[%dma_start3A_150, %dma_start3A_151, %dma_start3A_152] : memref<2x512x8xf32, #tpu.memory_space<vmem>> -> memref<1x512x8xf32, #tpu.memory_space<vmem>>
    %dma_start3A_154 = tpu.memref_squeeze %dma_start3A_153 : memref<1x512x8xf32, #tpu.memory_space<vmem>> -> memref<512x8xf32, #tpu.memory_space<vmem>>
    %dma_start3A_155 = arith.constant 384 : i32
    %dma_start3A_156 = arith.constant 0 : i32
    %dma_start3A_157 = tpu.memref_slice %dma_start3A_154[%dma_start3A_155, %dma_start3A_156] : memref<512x8xf32, #tpu.memory_space<vmem>> -> memref<128x8xf32, #tpu.memory_space<vmem>>
    %dma_start3A_158 = arith.constant 0 : i32
    %dma_start3A_159 = tpu.memref_slice %arg10[%dma_start3A_149, %dma_start3A_158] : memref<104x128xi32, #tpu.memory_space<vmem>> -> memref<1x128xi32, #tpu.memory_space<vmem>>
    %dma_start3A_160 = tpu.memref_squeeze %dma_start3A_159 : memref<1x128xi32, #tpu.memory_space<vmem>> -> memref<128xi32, #tpu.memory_space<vmem>>
    %dma_start3A_161 = arith.constant 0 : i32
    %dma_start3A_162 = arith.constant 0 : i32
    %dma_start3A_163 = tpu.memref_slice %arg4[%dma_start3A_148, %dma_start3A_161, %dma_start3A_162] : memref<2x1048576x8xf32, #tpu.memory_space<hbm>> -> memref<1x1048576x8xf32, #tpu.memory_space<hbm>>
    %dma_start3A_164 = tpu.memref_squeeze %dma_start3A_163 : memref<1x1048576x8xf32, #tpu.memory_space<hbm>> -> memref<1048576x8xf32, #tpu.memory_space<hbm>>
    %dma_start3A_165 = arith.constant 0 : i32
    %dma_start3A_166 = arith.constant 0 : i32
    %dma_start3A_167 = tpu.memref_slice %dma_start3A_164[%dma_start3A_165, %dma_start3A_166] : memref<1048576x8xf32, #tpu.memory_space<hbm>> -> memref<1048576x8xf32, #tpu.memory_space<hbm>>
    tpu.enqueue_indirect_dma source(%dma_start3A_167 : memref<1048576x8xf32, #tpu.memory_space<hbm>>) target(%dma_start3A_157 : memref<128x8xf32, #tpu.memory_space<vmem>>) offsets(%dma_start3A_160 : memref<128xi32, #tpu.memory_space<vmem>>) semaphore(%arg15 : memref<!tpu.dma_semaphore, #tpu.memory_space<semaphore_mem>>)
    %dma_start3A_168 = arith.constant 1 : i32
    %dma_start3A_169 = arith.constant 3 : i32
    %dma_start3A_170 = arith.constant 0 : i32
    %dma_start3A_171 = arith.constant 0 : i32
    %dma_start3A_172 = arith.constant 0 : i32
    %dma_start3A_173 = tpu.memref_slice %arg12[%dma_start3A_170, %dma_start3A_171, %dma_start3A_172] : memref<2x512x8xf32, #tpu.memory_space<vmem>> -> memref<1x512x8xf32, #tpu.memory_space<vmem>>
    %dma_start3A_174 = tpu.memref_squeeze %dma_start3A_173 : memref<1x512x8xf32, #tpu.memory_space<vmem>> -> memref<512x8xf32, #tpu.memory_space<vmem>>
    %dma_start3A_175 = arith.constant 384 : i32
    %dma_start3A_176 = arith.constant 0 : i32
    %dma_start3A_177 = tpu.memref_slice %dma_start3A_174[%dma_start3A_175, %dma_start3A_176] : memref<512x8xf32, #tpu.memory_space<vmem>> -> memref<128x8xf32, #tpu.memory_space<vmem>>
    %dma_start3A_178 = arith.constant 0 : i32
    %dma_start3A_179 = tpu.memref_slice %arg10[%dma_start3A_169, %dma_start3A_178] : memref<104x128xi32, #tpu.memory_space<vmem>> -> memref<1x128xi32, #tpu.memory_space<vmem>>
    %dma_start3A_180 = tpu.memref_squeeze %dma_start3A_179 : memref<1x128xi32, #tpu.memory_space<vmem>> -> memref<128xi32, #tpu.memory_space<vmem>>
    %dma_start3A_181 = arith.constant 0 : i32
    %dma_start3A_182 = arith.constant 0 : i32
    %dma_start3A_183 = tpu.memref_slice %arg4[%dma_start3A_168, %dma_start3A_181, %dma_start3A_182] : memref<2x1048576x8xf32, #tpu.memory_space<hbm>> -> memref<1x1048576x8xf32, #tpu.memory_space<hbm>>
    %dma_start3A_184 = tpu.memref_squeeze %dma_start3A_183 : memref<1x1048576x8xf32, #tpu.memory_space<hbm>> -> memref<1048576x8xf32, #tpu.memory_space<hbm>>
    %dma_start3A_185 = arith.constant 0 : i32
    %dma_start3A_186 = arith.constant 0 : i32
    %dma_start3A_187 = tpu.memref_slice %dma_start3A_184[%dma_start3A_185, %dma_start3A_186] : memref<1048576x8xf32, #tpu.memory_space<hbm>> -> memref<1048576x8xf32, #tpu.memory_space<hbm>>
    tpu.enqueue_indirect_dma source(%dma_start3A_187 : memref<1048576x8xf32, #tpu.memory_space<hbm>>) target(%dma_start3A_177 : memref<128x8xf32, #tpu.memory_space<vmem>>) offsets(%dma_start3A_180 : memref<128xi32, #tpu.memory_space<vmem>>) semaphore(%arg15 : memref<!tpu.dma_semaphore, #tpu.memory_space<semaphore_mem>>)
    %dma_start3A_188 = arith.constant 3 : i32
    %dma_start3A_189 = arith.constant 384 : i32
    %dma_start3A_190 = tpu.memref_slice %arg13[%dma_start3A_189] : memref<13312xf32, #tpu.memory_space<vmem>> -> memref<128xf32, #tpu.memory_space<vmem>>
    %dma_start3A_191 = arith.constant 0 : i32
    %dma_start3A_192 = tpu.memref_slice %arg9[%dma_start3A_188, %dma_start3A_191] : memref<104x128xi32, #tpu.memory_space<vmem>> -> memref<1x128xi32, #tpu.memory_space<vmem>>
    %dma_start3A_193 = tpu.memref_squeeze %dma_start3A_192 : memref<1x128xi32, #tpu.memory_space<vmem>> -> memref<128xi32, #tpu.memory_space<vmem>>
    %dma_start3A_194 = arith.constant 0 : i32
    %dma_start3A_195 = tpu.memref_slice %arg5[%dma_start3A_194] : memref<1040000xf32, #tpu.memory_space<hbm>> -> memref<1040000xf32, #tpu.memory_space<hbm>>
    tpu.enqueue_indirect_dma source(%dma_start3A_195 : memref<1040000xf32, #tpu.memory_space<hbm>>) target(%dma_start3A_190 : memref<128xf32, #tpu.memory_space<vmem>>) offsets(%dma_start3A_193 : memref<128xi32, #tpu.memory_space<vmem>>) semaphore(%arg17 : memref<!tpu.dma_semaphore, #tpu.memory_space<semaphore_mem>>)
    %scan3A = arith.constant 0 : i32
    %scan3A_196 = arith.constant 0 : i32
    %scan3A_197 = arith.constant 13 : i32
    %scan3A_198 = arith.addi %scan3A_196, %scan3A_197 : i32
    %scan3A_199 = arith.constant 1 : i32
    scf.for %scan3A_215 = %scan3A_196 to %scan3A_198 step %scan3A_199  : i32 {
      %mul3A_216 = arith.constant 2 : i32
      %mul3A_217 = arith.muli %mul3A_216, %scan3A_215 : i32
      %add3A_218 = arith.constant 1 : i32
      %add3A_219 = arith.addi %mul3A_217, %add3A_218 : i32
      %mul3A_220 = arith.constant 4 : i32
      %mul3A_221 = arith.muli %add3A_219, %mul3A_220 : i32
      %add3A_222 = arith.constant 0 : i32
      %add3A_223 = arith.addi %mul3A_221, %add3A_222 : i32
      %dma_start3A_224 = arith.constant 0 : i32
      %dma_start3A_225 = arith.constant 1 : i32
      %dma_start3A_226 = arith.constant 0 : i32
      %dma_start3A_227 = arith.constant 0 : i32
      %dma_start3A_228 = tpu.memref_slice %arg11[%dma_start3A_225, %dma_start3A_226, %dma_start3A_227] : memref<2x512x8xf32, #tpu.memory_space<vmem>> -> memref<1x512x8xf32, #tpu.memory_space<vmem>>
      %dma_start3A_229 = tpu.memref_squeeze %dma_start3A_228 : memref<1x512x8xf32, #tpu.memory_space<vmem>> -> memref<512x8xf32, #tpu.memory_space<vmem>>
      %dma_start3A_230 = arith.constant 0 : i32
      %dma_start3A_231 = arith.constant 0 : i32
      %dma_start3A_232 = tpu.memref_slice %dma_start3A_229[%dma_start3A_230, %dma_start3A_231] : memref<512x8xf32, #tpu.memory_space<vmem>> -> memref<128x8xf32, #tpu.memory_space<vmem>>
      %dma_start3A_233 = arith.constant 0 : i32
      %dma_start3A_234 = tpu.memref_slice %arg10[%add3A_223, %dma_start3A_233] : memref<104x128xi32, #tpu.memory_space<vmem>> -> memref<1x128xi32, #tpu.memory_space<vmem>>
      %dma_start3A_235 = tpu.memref_squeeze %dma_start3A_234 : memref<1x128xi32, #tpu.memory_space<vmem>> -> memref<128xi32, #tpu.memory_space<vmem>>
      %dma_start3A_236 = arith.constant 0 : i32
      %dma_start3A_237 = arith.constant 0 : i32
      %dma_start3A_238 = tpu.memref_slice %arg4[%dma_start3A_224, %dma_start3A_236, %dma_start3A_237] : memref<2x1048576x8xf32, #tpu.memory_space<hbm>> -> memref<1x1048576x8xf32, #tpu.memory_space<hbm>>
      %dma_start3A_239 = tpu.memref_squeeze %dma_start3A_238 : memref<1x1048576x8xf32, #tpu.memory_space<hbm>> -> memref<1048576x8xf32, #tpu.memory_space<hbm>>
      %dma_start3A_240 = arith.constant 0 : i32
      %dma_start3A_241 = arith.constant 0 : i32
      %dma_start3A_242 = tpu.memref_slice %dma_start3A_239[%dma_start3A_240, %dma_start3A_241] : memref<1048576x8xf32, #tpu.memory_space<hbm>> -> memref<1048576x8xf32, #tpu.memory_space<hbm>>
      tpu.enqueue_indirect_dma source(%dma_start3A_242 : memref<1048576x8xf32, #tpu.memory_space<hbm>>) target(%dma_start3A_232 : memref<128x8xf32, #tpu.memory_space<vmem>>) offsets(%dma_start3A_235 : memref<128xi32, #tpu.memory_space<vmem>>) semaphore(%arg16 : memref<!tpu.dma_semaphore, #tpu.memory_space<semaphore_mem>>)
      %dma_start3A_243 = arith.constant 1 : i32
      %dma_start3A_244 = arith.constant 1 : i32
      %dma_start3A_245 = arith.constant 0 : i32
      %dma_start3A_246 = arith.constant 0 : i32
      %dma_start3A_247 = tpu.memref_slice %arg12[%dma_start3A_244, %dma_start3A_245, %dma_start3A_246] : memref<2x512x8xf32, #tpu.memory_space<vmem>> -> memref<1x512x8xf32, #tpu.memory_space<vmem>>
      %dma_start3A_248 = tpu.memref_squeeze %dma_start3A_247 : memref<1x512x8xf32, #tpu.memory_space<vmem>> -> memref<512x8xf32, #tpu.memory_space<vmem>>
      %dma_start3A_249 = arith.constant 0 : i32
      %dma_start3A_250 = arith.constant 0 : i32
      %dma_start3A_251 = tpu.memref_slice %dma_start3A_248[%dma_start3A_249, %dma_start3A_250] : memref<512x8xf32, #tpu.memory_space<vmem>> -> memref<128x8xf32, #tpu.memory_space<vmem>>
      %dma_start3A_252 = arith.constant 0 : i32
      %dma_start3A_253 = tpu.memref_slice %arg10[%add3A_223, %dma_start3A_252] : memref<104x128xi32, #tpu.memory_space<vmem>> -> memref<1x128xi32, #tpu.memory_space<vmem>>
      %dma_start3A_254 = tpu.memref_squeeze %dma_start3A_253 : memref<1x128xi32, #tpu.memory_space<vmem>> -> memref<128xi32, #tpu.memory_space<vmem>>
      %dma_start3A_255 = arith.constant 0 : i32
      %dma_start3A_256 = arith.constant 0 : i32
      %dma_start3A_257 = tpu.memref_slice %arg4[%dma_start3A_243, %dma_start3A_255, %dma_start3A_256] : memref<2x1048576x8xf32, #tpu.memory_space<hbm>> -> memref<1x1048576x8xf32, #tpu.memory_space<hbm>>
      %dma_start3A_258 = tpu.memref_squeeze %dma_start3A_257 : memref<1x1048576x8xf32, #tpu.memory_space<hbm>> -> memref<1048576x8xf32, #tpu.memory_space<hbm>>
      %dma_start3A_259 = arith.constant 0 : i32
      %dma_start3A_260 = arith.constant 0 : i32
      %dma_start3A_261 = tpu.memref_slice %dma_start3A_258[%dma_start3A_259, %dma_start3A_260] : memref<1048576x8xf32, #tpu.memory_space<hbm>> -> memref<1048576x8xf32, #tpu.memory_space<hbm>>
      tpu.enqueue_indirect_dma source(%dma_start3A_261 : memref<1048576x8xf32, #tpu.memory_space<hbm>>) target(%dma_start3A_251 : memref<128x8xf32, #tpu.memory_space<vmem>>) offsets(%dma_start3A_254 : memref<128xi32, #tpu.memory_space<vmem>>) semaphore(%arg16 : memref<!tpu.dma_semaphore, #tpu.memory_space<semaphore_mem>>)
      %mul3A_262 = arith.constant 4 : i32
      %mul3A_263 = arith.muli %add3A_219, %mul3A_262 : i32
      %add3A_264 = arith.constant 0 : i32
      %add3A_265 = arith.addi %mul3A_263, %add3A_264 : i32
      %mul3A_266 = arith.constant 128 : i32
      %mul3A_267 = arith.muli %add3A_265, %mul3A_266 : i32
      %dma_start3A_268 = tpu.memref_slice %arg13[%mul3A_267] : memref<13312xf32, #tpu.memory_space<vmem>> -> memref<128xf32, #tpu.memory_space<vmem>>
      %dma_start3A_269 = arith.constant 0 : i32
      %dma_start3A_270 = tpu.memref_slice %arg9[%add3A_223, %dma_start3A_269] : memref<104x128xi32, #tpu.memory_space<vmem>> -> memref<1x128xi32, #tpu.memory_space<vmem>>
      %dma_start3A_271 = tpu.memref_squeeze %dma_start3A_270 : memref<1x128xi32, #tpu.memory_space<vmem>> -> memref<128xi32, #tpu.memory_space<vmem>>
      %dma_start3A_272 = arith.constant 0 : i32
      %dma_start3A_273 = tpu.memref_slice %arg5[%dma_start3A_272] : memref<1040000xf32, #tpu.memory_space<hbm>> -> memref<1040000xf32, #tpu.memory_space<hbm>>
      tpu.enqueue_indirect_dma source(%dma_start3A_273 : memref<1040000xf32, #tpu.memory_space<hbm>>) target(%dma_start3A_268 : memref<128xf32, #tpu.memory_space<vmem>>) offsets(%dma_start3A_271 : memref<128xi32, #tpu.memory_space<vmem>>) semaphore(%arg17 : memref<!tpu.dma_semaphore, #tpu.memory_space<semaphore_mem>>)
      %mul3A_274 = arith.constant 4 : i32
      %mul3A_275 = arith.muli %add3A_219, %mul3A_274 : i32
      %add3A_276 = arith.constant 1 : i32
      %add3A_277 = arith.addi %mul3A_275, %add3A_276 : i32
      %dma_start3A_278 = arith.constant 0 : i32
      %dma_start3A_279 = arith.constant 1 : i32
      %dma_start3A_280 = arith.constant 0 : i32
      %dma_start3A_281 = arith.constant 0 : i32
      %dma_start3A_282 = tpu.memref_slice %arg11[%dma_start3A_279, %dma_start3A_280, %dma_start3A_281] : memref<2x512x8xf32, #tpu.memory_space<vmem>> -> memref<1x512x8xf32, #tpu.memory_space<vmem>>
      %dma_start3A_283 = tpu.memref_squeeze %dma_start3A_282 : memref<1x512x8xf32, #tpu.memory_space<vmem>> -> memref<512x8xf32, #tpu.memory_space<vmem>>
      %dma_start3A_284 = arith.constant 128 : i32
      %dma_start3A_285 = arith.constant 0 : i32
      %dma_start3A_286 = tpu.memref_slice %dma_start3A_283[%dma_start3A_284, %dma_start3A_285] : memref<512x8xf32, #tpu.memory_space<vmem>> -> memref<128x8xf32, #tpu.memory_space<vmem>>
      %dma_start3A_287 = arith.constant 0 : i32
      %dma_start3A_288 = tpu.memref_slice %arg10[%add3A_277, %dma_start3A_287] : memref<104x128xi32, #tpu.memory_space<vmem>> -> memref<1x128xi32, #tpu.memory_space<vmem>>
      %dma_start3A_289 = tpu.memref_squeeze %dma_start3A_288 : memref<1x128xi32, #tpu.memory_space<vmem>> -> memref<128xi32, #tpu.memory_space<vmem>>
      %dma_start3A_290 = arith.constant 0 : i32
      %dma_start3A_291 = arith.constant 0 : i32
      %dma_start3A_292 = tpu.memref_slice %arg4[%dma_start3A_278, %dma_start3A_290, %dma_start3A_291] : memref<2x1048576x8xf32, #tpu.memory_space<hbm>> -> memref<1x1048576x8xf32, #tpu.memory_space<hbm>>
      %dma_start3A_293 = tpu.memref_squeeze %dma_start3A_292 : memref<1x1048576x8xf32, #tpu.memory_space<hbm>> -> memref<1048576x8xf32, #tpu.memory_space<hbm>>
      %dma_start3A_294 = arith.constant 0 : i32
      %dma_start3A_295 = arith.constant 0 : i32
      %dma_start3A_296 = tpu.memref_slice %dma_start3A_293[%dma_start3A_294, %dma_start3A_295] : memref<1048576x8xf32, #tpu.memory_space<hbm>> -> memref<1048576x8xf32, #tpu.memory_space<hbm>>
      tpu.enqueue_indirect_dma source(%dma_start3A_296 : memref<1048576x8xf32, #tpu.memory_space<hbm>>) target(%dma_start3A_286 : memref<128x8xf32, #tpu.memory_space<vmem>>) offsets(%dma_start3A_289 : memref<128xi32, #tpu.memory_space<vmem>>) semaphore(%arg16 : memref<!tpu.dma_semaphore, #tpu.memory_space<semaphore_mem>>)
      %dma_start3A_297 = arith.constant 1 : i32
      %dma_start3A_298 = arith.constant 1 : i32
      %dma_start3A_299 = arith.constant 0 : i32
      %dma_start3A_300 = arith.constant 0 : i32
      %dma_start3A_301 = tpu.memref_slice %arg12[%dma_start3A_298, %dma_start3A_299, %dma_start3A_300] : memref<2x512x8xf32, #tpu.memory_space<vmem>> -> memref<1x512x8xf32, #tpu.memory_space<vmem>>
      %dma_start3A_302 = tpu.memref_squeeze %dma_start3A_301 : memref<1x512x8xf32, #tpu.memory_space<vmem>> -> memref<512x8xf32, #tpu.memory_space<vmem>>
      %dma_start3A_303 = arith.constant 128 : i32
      %dma_start3A_304 = arith.constant 0 : i32
      %dma_start3A_305 = tpu.memref_slice %dma_start3A_302[%dma_start3A_303, %dma_start3A_304] : memref<512x8xf32, #tpu.memory_space<vmem>> -> memref<128x8xf32, #tpu.memory_space<vmem>>
      %dma_start3A_306 = arith.constant 0 : i32
      %dma_start3A_307 = tpu.memref_slice %arg10[%add3A_277, %dma_start3A_306] : memref<104x128xi32, #tpu.memory_space<vmem>> -> memref<1x128xi32, #tpu.memory_space<vmem>>
      %dma_start3A_308 = tpu.memref_squeeze %dma_start3A_307 : memref<1x128xi32, #tpu.memory_space<vmem>> -> memref<128xi32, #tpu.memory_space<vmem>>
      %dma_start3A_309 = arith.constant 0 : i32
      %dma_start3A_310 = arith.constant 0 : i32
      %dma_start3A_311 = tpu.memref_slice %arg4[%dma_start3A_297, %dma_start3A_309, %dma_start3A_310] : memref<2x1048576x8xf32, #tpu.memory_space<hbm>> -> memref<1x1048576x8xf32, #tpu.memory_space<hbm>>
      %dma_start3A_312 = tpu.memref_squeeze %dma_start3A_311 : memref<1x1048576x8xf32, #tpu.memory_space<hbm>> -> memref<1048576x8xf32, #tpu.memory_space<hbm>>
      %dma_start3A_313 = arith.constant 0 : i32
      %dma_start3A_314 = arith.constant 0 : i32
      %dma_start3A_315 = tpu.memref_slice %dma_start3A_312[%dma_start3A_313, %dma_start3A_314] : memref<1048576x8xf32, #tpu.memory_space<hbm>> -> memref<1048576x8xf32, #tpu.memory_space<hbm>>
      tpu.enqueue_indirect_dma source(%dma_start3A_315 : memref<1048576x8xf32, #tpu.memory_space<hbm>>) target(%dma_start3A_305 : memref<128x8xf32, #tpu.memory_space<vmem>>) offsets(%dma_start3A_308 : memref<128xi32, #tpu.memory_space<vmem>>) semaphore(%arg16 : memref<!tpu.dma_semaphore, #tpu.memory_space<semaphore_mem>>)
      %mul3A_316 = arith.constant 4 : i32
      %mul3A_317 = arith.muli %add3A_219, %mul3A_316 : i32
      %add3A_318 = arith.constant 1 : i32
      %add3A_319 = arith.addi %mul3A_317, %add3A_318 : i32
      %mul3A_320 = arith.constant 128 : i32
      %mul3A_321 = arith.muli %add3A_319, %mul3A_320 : i32
      %dma_start3A_322 = tpu.memref_slice %arg13[%mul3A_321] : memref<13312xf32, #tpu.memory_space<vmem>> -> memref<128xf32, #tpu.memory_space<vmem>>
      %dma_start3A_323 = arith.constant 0 : i32
      %dma_start3A_324 = tpu.memref_slice %arg9[%add3A_277, %dma_start3A_323] : memref<104x128xi32, #tpu.memory_space<vmem>> -> memref<1x128xi32, #tpu.memory_space<vmem>>
      %dma_start3A_325 = tpu.memref_squeeze %dma_start3A_324 : memref<1x128xi32, #tpu.memory_space<vmem>> -> memref<128xi32, #tpu.memory_space<vmem>>
      %dma_start3A_326 = arith.constant 0 : i32
      %dma_start3A_327 = tpu.memref_slice %arg5[%dma_start3A_326] : memref<1040000xf32, #tpu.memory_space<hbm>> -> memref<1040000xf32, #tpu.memory_space<hbm>>
      tpu.enqueue_indirect_dma source(%dma_start3A_327 : memref<1040000xf32, #tpu.memory_space<hbm>>) target(%dma_start3A_322 : memref<128xf32, #tpu.memory_space<vmem>>) offsets(%dma_start3A_325 : memref<128xi32, #tpu.memory_space<vmem>>) semaphore(%arg17 : memref<!tpu.dma_semaphore, #tpu.memory_space<semaphore_mem>>)
      %mul3A_328 = arith.constant 4 : i32
      %mul3A_329 = arith.muli %add3A_219, %mul3A_328 : i32
      %add3A_330 = arith.constant 2 : i32
      %add3A_331 = arith.addi %mul3A_329, %add3A_330 : i32
      %dma_start3A_332 = arith.constant 0 : i32
      %dma_start3A_333 = arith.constant 1 : i32
      %dma_start3A_334 = arith.constant 0 : i32
      %dma_start3A_335 = arith.constant 0 : i32
      %dma_start3A_336 = tpu.memref_slice %arg11[%dma_start3A_333, %dma_start3A_334, %dma_start3A_335] : memref<2x512x8xf32, #tpu.memory_space<vmem>> -> memref<1x512x8xf32, #tpu.memory_space<vmem>>
      %dma_start3A_337 = tpu.memref_squeeze %dma_start3A_336 : memref<1x512x8xf32, #tpu.memory_space<vmem>> -> memref<512x8xf32, #tpu.memory_space<vmem>>
      %dma_start3A_338 = arith.constant 256 : i32
      %dma_start3A_339 = arith.constant 0 : i32
      %dma_start3A_340 = tpu.memref_slice %dma_start3A_337[%dma_start3A_338, %dma_start3A_339] : memref<512x8xf32, #tpu.memory_space<vmem>> -> memref<128x8xf32, #tpu.memory_space<vmem>>
      %dma_start3A_341 = arith.constant 0 : i32
      %dma_start3A_342 = tpu.memref_slice %arg10[%add3A_331, %dma_start3A_341] : memref<104x128xi32, #tpu.memory_space<vmem>> -> memref<1x128xi32, #tpu.memory_space<vmem>>
      %dma_start3A_343 = tpu.memref_squeeze %dma_start3A_342 : memref<1x128xi32, #tpu.memory_space<vmem>> -> memref<128xi32, #tpu.memory_space<vmem>>
      %dma_start3A_344 = arith.constant 0 : i32
      %dma_start3A_345 = arith.constant 0 : i32
      %dma_start3A_346 = tpu.memref_slice %arg4[%dma_start3A_332, %dma_start3A_344, %dma_start3A_345] : memref<2x1048576x8xf32, #tpu.memory_space<hbm>> -> memref<1x1048576x8xf32, #tpu.memory_space<hbm>>
      %dma_start3A_347 = tpu.memref_squeeze %dma_start3A_346 : memref<1x1048576x8xf32, #tpu.memory_space<hbm>> -> memref<1048576x8xf32, #tpu.memory_space<hbm>>
      %dma_start3A_348 = arith.constant 0 : i32
      %dma_start3A_349 = arith.constant 0 : i32
      %dma_start3A_350 = tpu.memref_slice %dma_start3A_347[%dma_start3A_348, %dma_start3A_349] : memref<1048576x8xf32, #tpu.memory_space<hbm>> -> memref<1048576x8xf32, #tpu.memory_space<hbm>>
      tpu.enqueue_indirect_dma source(%dma_start3A_350 : memref<1048576x8xf32, #tpu.memory_space<hbm>>) target(%dma_start3A_340 : memref<128x8xf32, #tpu.memory_space<vmem>>) offsets(%dma_start3A_343 : memref<128xi32, #tpu.memory_space<vmem>>) semaphore(%arg16 : memref<!tpu.dma_semaphore, #tpu.memory_space<semaphore_mem>>)
      %dma_start3A_351 = arith.constant 1 : i32
      %dma_start3A_352 = arith.constant 1 : i32
      %dma_start3A_353 = arith.constant 0 : i32
      %dma_start3A_354 = arith.constant 0 : i32
      %dma_start3A_355 = tpu.memref_slice %arg12[%dma_start3A_352, %dma_start3A_353, %dma_start3A_354] : memref<2x512x8xf32, #tpu.memory_space<vmem>> -> memref<1x512x8xf32, #tpu.memory_space<vmem>>
      %dma_start3A_356 = tpu.memref_squeeze %dma_start3A_355 : memref<1x512x8xf32, #tpu.memory_space<vmem>> -> memref<512x8xf32, #tpu.memory_space<vmem>>
      %dma_start3A_357 = arith.constant 256 : i32
      %dma_start3A_358 = arith.constant 0 : i32
      %dma_start3A_359 = tpu.memref_slice %dma_start3A_356[%dma_start3A_357, %dma_start3A_358] : memref<512x8xf32, #tpu.memory_space<vmem>> -> memref<128x8xf32, #tpu.memory_space<vmem>>
      %dma_start3A_360 = arith.constant 0 : i32
      %dma_start3A_361 = tpu.memref_slice %arg10[%add3A_331, %dma_start3A_360] : memref<104x128xi32, #tpu.memory_space<vmem>> -> memref<1x128xi32, #tpu.memory_space<vmem>>
      %dma_start3A_362 = tpu.memref_squeeze %dma_start3A_361 : memref<1x128xi32, #tpu.memory_space<vmem>> -> memref<128xi32, #tpu.memory_space<vmem>>
      %dma_start3A_363 = arith.constant 0 : i32
      %dma_start3A_364 = arith.constant 0 : i32
      %dma_start3A_365 = tpu.memref_slice %arg4[%dma_start3A_351, %dma_start3A_363, %dma_start3A_364] : memref<2x1048576x8xf32, #tpu.memory_space<hbm>> -> memref<1x1048576x8xf32, #tpu.memory_space<hbm>>
      %dma_start3A_366 = tpu.memref_squeeze %dma_start3A_365 : memref<1x1048576x8xf32, #tpu.memory_space<hbm>> -> memref<1048576x8xf32, #tpu.memory_space<hbm>>
      %dma_start3A_367 = arith.constant 0 : i32
      %dma_start3A_368 = arith.constant 0 : i32
      %dma_start3A_369 = tpu.memref_slice %dma_start3A_366[%dma_start3A_367, %dma_start3A_368] : memref<1048576x8xf32, #tpu.memory_space<hbm>> -> memref<1048576x8xf32, #tpu.memory_space<hbm>>
      tpu.enqueue_indirect_dma source(%dma_start3A_369 : memref<1048576x8xf32, #tpu.memory_space<hbm>>) target(%dma_start3A_359 : memref<128x8xf32, #tpu.memory_space<vmem>>) offsets(%dma_start3A_362 : memref<128xi32, #tpu.memory_space<vmem>>) semaphore(%arg16 : memref<!tpu.dma_semaphore, #tpu.memory_space<semaphore_mem>>)
      %mul3A_370 = arith.constant 4 : i32
      %mul3A_371 = arith.muli %add3A_219, %mul3A_370 : i32
      %add3A_372 = arith.constant 2 : i32
      %add3A_373 = arith.addi %mul3A_371, %add3A_372 : i32
      %mul3A_374 = arith.constant 128 : i32
      %mul3A_375 = arith.muli %add3A_373, %mul3A_374 : i32
      %dma_start3A_376 = tpu.memref_slice %arg13[%mul3A_375] : memref<13312xf32, #tpu.memory_space<vmem>> -> memref<128xf32, #tpu.memory_space<vmem>>
      %dma_start3A_377 = arith.constant 0 : i32
      %dma_start3A_378 = tpu.memref_slice %arg9[%add3A_331, %dma_start3A_377] : memref<104x128xi32, #tpu.memory_space<vmem>> -> memref<1x128xi32, #tpu.memory_space<vmem>>
      %dma_start3A_379 = tpu.memref_squeeze %dma_start3A_378 : memref<1x128xi32, #tpu.memory_space<vmem>> -> memref<128xi32, #tpu.memory_space<vmem>>
      %dma_start3A_380 = arith.constant 0 : i32
      %dma_start3A_381 = tpu.memref_slice %arg5[%dma_start3A_380] : memref<1040000xf32, #tpu.memory_space<hbm>> -> memref<1040000xf32, #tpu.memory_space<hbm>>
      tpu.enqueue_indirect_dma source(%dma_start3A_381 : memref<1040000xf32, #tpu.memory_space<hbm>>) target(%dma_start3A_376 : memref<128xf32, #tpu.memory_space<vmem>>) offsets(%dma_start3A_379 : memref<128xi32, #tpu.memory_space<vmem>>) semaphore(%arg17 : memref<!tpu.dma_semaphore, #tpu.memory_space<semaphore_mem>>)
      %mul3A_382 = arith.constant 4 : i32
      %mul3A_383 = arith.muli %add3A_219, %mul3A_382 : i32
      %add3A_384 = arith.constant 3 : i32
      %add3A_385 = arith.addi %mul3A_383, %add3A_384 : i32
      %dma_start3A_386 = arith.constant 0 : i32
      %dma_start3A_387 = arith.constant 1 : i32
      %dma_start3A_388 = arith.constant 0 : i32
      %dma_start3A_389 = arith.constant 0 : i32
      %dma_start3A_390 = tpu.memref_slice %arg11[%dma_start3A_387, %dma_start3A_388, %dma_start3A_389] : memref<2x512x8xf32, #tpu.memory_space<vmem>> -> memref<1x512x8xf32, #tpu.memory_space<vmem>>
      %dma_start3A_391 = tpu.memref_squeeze %dma_start3A_390 : memref<1x512x8xf32, #tpu.memory_space<vmem>> -> memref<512x8xf32, #tpu.memory_space<vmem>>
      %dma_start3A_392 = arith.constant 384 : i32
      %dma_start3A_393 = arith.constant 0 : i32
      %dma_start3A_394 = tpu.memref_slice %dma_start3A_391[%dma_start3A_392, %dma_start3A_393] : memref<512x8xf32, #tpu.memory_space<vmem>> -> memref<128x8xf32, #tpu.memory_space<vmem>>
      %dma_start3A_395 = arith.constant 0 : i32
      %dma_start3A_396 = tpu.memref_slice %arg10[%add3A_385, %dma_start3A_395] : memref<104x128xi32, #tpu.memory_space<vmem>> -> memref<1x128xi32, #tpu.memory_space<vmem>>
      %dma_start3A_397 = tpu.memref_squeeze %dma_start3A_396 : memref<1x128xi32, #tpu.memory_space<vmem>> -> memref<128xi32, #tpu.memory_space<vmem>>
      %dma_start3A_398 = arith.constant 0 : i32
      %dma_start3A_399 = arith.constant 0 : i32
      %dma_start3A_400 = tpu.memref_slice %arg4[%dma_start3A_386, %dma_start3A_398, %dma_start3A_399] : memref<2x1048576x8xf32, #tpu.memory_space<hbm>> -> memref<1x1048576x8xf32, #tpu.memory_space<hbm>>
      %dma_start3A_401 = tpu.memref_squeeze %dma_start3A_400 : memref<1x1048576x8xf32, #tpu.memory_space<hbm>> -> memref<1048576x8xf32, #tpu.memory_space<hbm>>
      %dma_start3A_402 = arith.constant 0 : i32
      %dma_start3A_403 = arith.constant 0 : i32
      %dma_start3A_404 = tpu.memref_slice %dma_start3A_401[%dma_start3A_402, %dma_start3A_403] : memref<1048576x8xf32, #tpu.memory_space<hbm>> -> memref<1048576x8xf32, #tpu.memory_space<hbm>>
      tpu.enqueue_indirect_dma source(%dma_start3A_404 : memref<1048576x8xf32, #tpu.memory_space<hbm>>) target(%dma_start3A_394 : memref<128x8xf32, #tpu.memory_space<vmem>>) offsets(%dma_start3A_397 : memref<128xi32, #tpu.memory_space<vmem>>) semaphore(%arg16 : memref<!tpu.dma_semaphore, #tpu.memory_space<semaphore_mem>>)
      %dma_start3A_405 = arith.constant 1 : i32
      %dma_start3A_406 = arith.constant 1 : i32
      %dma_start3A_407 = arith.constant 0 : i32
      %dma_start3A_408 = arith.constant 0 : i32
      %dma_start3A_409 = tpu.memref_slice %arg12[%dma_start3A_406, %dma_start3A_407, %dma_start3A_408] : memref<2x512x8xf32, #tpu.memory_space<vmem>> -> memref<1x512x8xf32, #tpu.memory_space<vmem>>
      %dma_start3A_410 = tpu.memref_squeeze %dma_start3A_409 : memref<1x512x8xf32, #tpu.memory_space<vmem>> -> memref<512x8xf32, #tpu.memory_space<vmem>>
      %dma_start3A_411 = arith.constant 384 : i32
      %dma_start3A_412 = arith.constant 0 : i32
      %dma_start3A_413 = tpu.memref_slice %dma_start3A_410[%dma_start3A_411, %dma_start3A_412] : memref<512x8xf32, #tpu.memory_space<vmem>> -> memref<128x8xf32, #tpu.memory_space<vmem>>
      %dma_start3A_414 = arith.constant 0 : i32
      %dma_start3A_415 = tpu.memref_slice %arg10[%add3A_385, %dma_start3A_414] : memref<104x128xi32, #tpu.memory_space<vmem>> -> memref<1x128xi32, #tpu.memory_space<vmem>>
      %dma_start3A_416 = tpu.memref_squeeze %dma_start3A_415 : memref<1x128xi32, #tpu.memory_space<vmem>> -> memref<128xi32, #tpu.memory_space<vmem>>
      %dma_start3A_417 = arith.constant 0 : i32
      %dma_start3A_418 = arith.constant 0 : i32
      %dma_start3A_419 = tpu.memref_slice %arg4[%dma_start3A_405, %dma_start3A_417, %dma_start3A_418] : memref<2x1048576x8xf32, #tpu.memory_space<hbm>> -> memref<1x1048576x8xf32, #tpu.memory_space<hbm>>
      %dma_start3A_420 = tpu.memref_squeeze %dma_start3A_419 : memref<1x1048576x8xf32, #tpu.memory_space<hbm>> -> memref<1048576x8xf32, #tpu.memory_space<hbm>>
      %dma_start3A_421 = arith.constant 0 : i32
      %dma_start3A_422 = arith.constant 0 : i32
      %dma_start3A_423 = tpu.memref_slice %dma_start3A_420[%dma_start3A_421, %dma_start3A_422] : memref<1048576x8xf32, #tpu.memory_space<hbm>> -> memref<1048576x8xf32, #tpu.memory_space<hbm>>
      tpu.enqueue_indirect_dma source(%dma_start3A_423 : memref<1048576x8xf32, #tpu.memory_space<hbm>>) target(%dma_start3A_413 : memref<128x8xf32, #tpu.memory_space<vmem>>) offsets(%dma_start3A_416 : memref<128xi32, #tpu.memory_space<vmem>>) semaphore(%arg16 : memref<!tpu.dma_semaphore, #tpu.memory_space<semaphore_mem>>)
      %mul3A_424 = arith.constant 4 : i32
      %mul3A_425 = arith.muli %add3A_219, %mul3A_424 : i32
      %add3A_426 = arith.constant 3 : i32
      %add3A_427 = arith.addi %mul3A_425, %add3A_426 : i32
      %mul3A_428 = arith.constant 128 : i32
      %mul3A_429 = arith.muli %add3A_427, %mul3A_428 : i32
      %dma_start3A_430 = tpu.memref_slice %arg13[%mul3A_429] : memref<13312xf32, #tpu.memory_space<vmem>> -> memref<128xf32, #tpu.memory_space<vmem>>
      %dma_start3A_431 = arith.constant 0 : i32
      %dma_start3A_432 = tpu.memref_slice %arg9[%add3A_385, %dma_start3A_431] : memref<104x128xi32, #tpu.memory_space<vmem>> -> memref<1x128xi32, #tpu.memory_space<vmem>>
      %dma_start3A_433 = tpu.memref_squeeze %dma_start3A_432 : memref<1x128xi32, #tpu.memory_space<vmem>> -> memref<128xi32, #tpu.memory_space<vmem>>
      %dma_start3A_434 = arith.constant 0 : i32
      %dma_start3A_435 = tpu.memref_slice %arg5[%dma_start3A_434] : memref<1040000xf32, #tpu.memory_space<hbm>> -> memref<1040000xf32, #tpu.memory_space<hbm>>
      tpu.enqueue_indirect_dma source(%dma_start3A_435 : memref<1040000xf32, #tpu.memory_space<hbm>>) target(%dma_start3A_430 : memref<128xf32, #tpu.memory_space<vmem>>) offsets(%dma_start3A_433 : memref<128xi32, #tpu.memory_space<vmem>>) semaphore(%arg17 : memref<!tpu.dma_semaphore, #tpu.memory_space<semaphore_mem>>)
      %mul3A_436 = arith.constant 4 : i32
      %mul3A_437 = arith.muli %mul3A_217, %mul3A_436 : i32
      %add3A_438 = arith.constant 0 : i32
      %add3A_439 = arith.addi %mul3A_437, %add3A_438 : i32
      %dma_wait3A = arith.constant 0 : i32
      %dma_wait3A_440 = arith.constant 0 : i32
      %dma_wait3A_441 = arith.constant 0 : i32
      %dma_wait3A_442 = arith.constant 0 : i32
      %dma_wait3A_443 = tpu.memref_slice %arg11[%dma_wait3A_440, %dma_wait3A_441, %dma_wait3A_442] : memref<2x512x8xf32, #tpu.memory_space<vmem>> -> memref<1x512x8xf32, #tpu.memory_space<vmem>>
      %dma_wait3A_444 = tpu.memref_squeeze %dma_wait3A_443 : memref<1x512x8xf32, #tpu.memory_space<vmem>> -> memref<512x8xf32, #tpu.memory_space<vmem>>
      %dma_wait3A_445 = arith.constant 0 : i32
      %dma_wait3A_446 = arith.constant 0 : i32
      %dma_wait3A_447 = tpu.memref_slice %dma_wait3A_444[%dma_wait3A_445, %dma_wait3A_446] : memref<512x8xf32, #tpu.memory_space<vmem>> -> memref<128x8xf32, #tpu.memory_space<vmem>>
      %dma_wait3A_448 = arith.constant 0 : i32
      %dma_wait3A_449 = tpu.memref_slice %arg10[%add3A_439, %dma_wait3A_448] : memref<104x128xi32, #tpu.memory_space<vmem>> -> memref<1x128xi32, #tpu.memory_space<vmem>>
      %dma_wait3A_450 = tpu.memref_squeeze %dma_wait3A_449 : memref<1x128xi32, #tpu.memory_space<vmem>> -> memref<128xi32, #tpu.memory_space<vmem>>
      %dma_wait3A_451 = arith.constant 0 : i32
      %dma_wait3A_452 = arith.constant 0 : i32
      %dma_wait3A_453 = tpu.memref_slice %arg4[%dma_wait3A, %dma_wait3A_451, %dma_wait3A_452] : memref<2x1048576x8xf32, #tpu.memory_space<hbm>> -> memref<1x1048576x8xf32, #tpu.memory_space<hbm>>
      %dma_wait3A_454 = tpu.memref_squeeze %dma_wait3A_453 : memref<1x1048576x8xf32, #tpu.memory_space<hbm>> -> memref<1048576x8xf32, #tpu.memory_space<hbm>>
      %dma_wait3A_455 = arith.constant 0 : i32
      %dma_wait3A_456 = arith.constant 0 : i32
      %dma_wait3A_457 = tpu.memref_slice %dma_wait3A_454[%dma_wait3A_455, %dma_wait3A_456] : memref<1048576x8xf32, #tpu.memory_space<hbm>> -> memref<1048576x8xf32, #tpu.memory_space<hbm>>
      tpu.wait_indirect_dma semaphore(%arg15 : memref<!tpu.dma_semaphore, #tpu.memory_space<semaphore_mem>>) src(%dma_wait3A_457 : memref<1048576x8xf32, #tpu.memory_space<hbm>>) dst(%dma_wait3A_447 : memref<128x8xf32, #tpu.memory_space<vmem>>)
      %dma_wait3A_458 = arith.constant 1 : i32
      %dma_wait3A_459 = arith.constant 0 : i32
      %dma_wait3A_460 = arith.constant 0 : i32
      %dma_wait3A_461 = arith.constant 0 : i32
      %dma_wait3A_462 = tpu.memref_slice %arg12[%dma_wait3A_459, %dma_wait3A_460, %dma_wait3A_461] : memref<2x512x8xf32, #tpu.memory_space<vmem>> -> memref<1x512x8xf32, #tpu.memory_space<vmem>>
      %dma_wait3A_463 = tpu.memref_squeeze %dma_wait3A_462 : memref<1x512x8xf32, #tpu.memory_space<vmem>> -> memref<512x8xf32, #tpu.memory_space<vmem>>
      %dma_wait3A_464 = arith.constant 0 : i32
      %dma_wait3A_465 = arith.constant 0 : i32
      %dma_wait3A_466 = tpu.memref_slice %dma_wait3A_463[%dma_wait3A_464, %dma_wait3A_465] : memref<512x8xf32, #tpu.memory_space<vmem>> -> memref<128x8xf32, #tpu.memory_space<vmem>>
      %dma_wait3A_467 = arith.constant 0 : i32
      %dma_wait3A_468 = tpu.memref_slice %arg10[%add3A_439, %dma_wait3A_467] : memref<104x128xi32, #tpu.memory_space<vmem>> -> memref<1x128xi32, #tpu.memory_space<vmem>>
      %dma_wait3A_469 = tpu.memref_squeeze %dma_wait3A_468 : memref<1x128xi32, #tpu.memory_space<vmem>> -> memref<128xi32, #tpu.memory_space<vmem>>
      %dma_wait3A_470 = arith.constant 0 : i32
      %dma_wait3A_471 = arith.constant 0 : i32
      %dma_wait3A_472 = tpu.memref_slice %arg4[%dma_wait3A_458, %dma_wait3A_470, %dma_wait3A_471] : memref<2x1048576x8xf32, #tpu.memory_space<hbm>> -> memref<1x1048576x8xf32, #tpu.memory_space<hbm>>
      %dma_wait3A_473 = tpu.memref_squeeze %dma_wait3A_472 : memref<1x1048576x8xf32, #tpu.memory_space<hbm>> -> memref<1048576x8xf32, #tpu.memory_space<hbm>>
      %dma_wait3A_474 = arith.constant 0 : i32
      %dma_wait3A_475 = arith.constant 0 : i32
      %dma_wait3A_476 = tpu.memref_slice %dma_wait3A_473[%dma_wait3A_474, %dma_wait3A_475] : memref<1048576x8xf32, #tpu.memory_space<hbm>> -> memref<1048576x8xf32, #tpu.memory_space<hbm>>
      tpu.wait_indirect_dma semaphore(%arg15 : memref<!tpu.dma_semaphore, #tpu.memory_space<semaphore_mem>>) src(%dma_wait3A_476 : memref<1048576x8xf32, #tpu.memory_space<hbm>>) dst(%dma_wait3A_466 : memref<128x8xf32, #tpu.memory_space<vmem>>)
      %mul3A_477 = arith.constant 4 : i32
      %mul3A_478 = arith.muli %mul3A_217, %mul3A_477 : i32
      %add3A_479 = arith.constant 1 : i32
      %add3A_480 = arith.addi %mul3A_478, %add3A_479 : i32
      %dma_wait3A_481 = arith.constant 0 : i32
      %dma_wait3A_482 = arith.constant 0 : i32
      %dma_wait3A_483 = arith.constant 0 : i32
      %dma_wait3A_484 = arith.constant 0 : i32
      %dma_wait3A_485 = tpu.memref_slice %arg11[%dma_wait3A_482, %dma_wait3A_483, %dma_wait3A_484] : memref<2x512x8xf32, #tpu.memory_space<vmem>> -> memref<1x512x8xf32, #tpu.memory_space<vmem>>
      %dma_wait3A_486 = tpu.memref_squeeze %dma_wait3A_485 : memref<1x512x8xf32, #tpu.memory_space<vmem>> -> memref<512x8xf32, #tpu.memory_space<vmem>>
      %dma_wait3A_487 = arith.constant 128 : i32
      %dma_wait3A_488 = arith.constant 0 : i32
      %dma_wait3A_489 = tpu.memref_slice %dma_wait3A_486[%dma_wait3A_487, %dma_wait3A_488] : memref<512x8xf32, #tpu.memory_space<vmem>> -> memref<128x8xf32, #tpu.memory_space<vmem>>
      %dma_wait3A_490 = arith.constant 0 : i32
      %dma_wait3A_491 = tpu.memref_slice %arg10[%add3A_480, %dma_wait3A_490] : memref<104x128xi32, #tpu.memory_space<vmem>> -> memref<1x128xi32, #tpu.memory_space<vmem>>
      %dma_wait3A_492 = tpu.memref_squeeze %dma_wait3A_491 : memref<1x128xi32, #tpu.memory_space<vmem>> -> memref<128xi32, #tpu.memory_space<vmem>>
      %dma_wait3A_493 = arith.constant 0 : i32
      %dma_wait3A_494 = arith.constant 0 : i32
      %dma_wait3A_495 = tpu.memref_slice %arg4[%dma_wait3A_481, %dma_wait3A_493, %dma_wait3A_494] : memref<2x1048576x8xf32, #tpu.memory_space<hbm>> -> memref<1x1048576x8xf32, #tpu.memory_space<hbm>>
      %dma_wait3A_496 = tpu.memref_squeeze %dma_wait3A_495 : memref<1x1048576x8xf32, #tpu.memory_space<hbm>> -> memref<1048576x8xf32, #tpu.memory_space<hbm>>
      %dma_wait3A_497 = arith.constant 0 : i32
      %dma_wait3A_498 = arith.constant 0 : i32
      %dma_wait3A_499 = tpu.memref_slice %dma_wait3A_496[%dma_wait3A_497, %dma_wait3A_498] : memref<1048576x8xf32, #tpu.memory_space<hbm>> -> memref<1048576x8xf32, #tpu.memory_space<hbm>>
      tpu.wait_indirect_dma semaphore(%arg15 : memref<!tpu.dma_semaphore, #tpu.memory_space<semaphore_mem>>) src(%dma_wait3A_499 : memref<1048576x8xf32, #tpu.memory_space<hbm>>) dst(%dma_wait3A_489 : memref<128x8xf32, #tpu.memory_space<vmem>>)
      %dma_wait3A_500 = arith.constant 1 : i32
      %dma_wait3A_501 = arith.constant 0 : i32
      %dma_wait3A_502 = arith.constant 0 : i32
      %dma_wait3A_503 = arith.constant 0 : i32
      %dma_wait3A_504 = tpu.memref_slice %arg12[%dma_wait3A_501, %dma_wait3A_502, %dma_wait3A_503] : memref<2x512x8xf32, #tpu.memory_space<vmem>> -> memref<1x512x8xf32, #tpu.memory_space<vmem>>
      %dma_wait3A_505 = tpu.memref_squeeze %dma_wait3A_504 : memref<1x512x8xf32, #tpu.memory_space<vmem>> -> memref<512x8xf32, #tpu.memory_space<vmem>>
      %dma_wait3A_506 = arith.constant 128 : i32
      %dma_wait3A_507 = arith.constant 0 : i32
      %dma_wait3A_508 = tpu.memref_slice %dma_wait3A_505[%dma_wait3A_506, %dma_wait3A_507] : memref<512x8xf32, #tpu.memory_space<vmem>> -> memref<128x8xf32, #tpu.memory_space<vmem>>
      %dma_wait3A_509 = arith.constant 0 : i32
      %dma_wait3A_510 = tpu.memref_slice %arg10[%add3A_480, %dma_wait3A_509] : memref<104x128xi32, #tpu.memory_space<vmem>> -> memref<1x128xi32, #tpu.memory_space<vmem>>
      %dma_wait3A_511 = tpu.memref_squeeze %dma_wait3A_510 : memref<1x128xi32, #tpu.memory_space<vmem>> -> memref<128xi32, #tpu.memory_space<vmem>>
      %dma_wait3A_512 = arith.constant 0 : i32
      %dma_wait3A_513 = arith.constant 0 : i32
      %dma_wait3A_514 = tpu.memref_slice %arg4[%dma_wait3A_500, %dma_wait3A_512, %dma_wait3A_513] : memref<2x1048576x8xf32, #tpu.memory_space<hbm>> -> memref<1x1048576x8xf32, #tpu.memory_space<hbm>>
      %dma_wait3A_515 = tpu.memref_squeeze %dma_wait3A_514 : memref<1x1048576x8xf32, #tpu.memory_space<hbm>> -> memref<1048576x8xf32, #tpu.memory_space<hbm>>
      %dma_wait3A_516 = arith.constant 0 : i32
      %dma_wait3A_517 = arith.constant 0 : i32
      %dma_wait3A_518 = tpu.memref_slice %dma_wait3A_515[%dma_wait3A_516, %dma_wait3A_517] : memref<1048576x8xf32, #tpu.memory_space<hbm>> -> memref<1048576x8xf32, #tpu.memory_space<hbm>>
      tpu.wait_indirect_dma semaphore(%arg15 : memref<!tpu.dma_semaphore, #tpu.memory_space<semaphore_mem>>) src(%dma_wait3A_518 : memref<1048576x8xf32, #tpu.memory_space<hbm>>) dst(%dma_wait3A_508 : memref<128x8xf32, #tpu.memory_space<vmem>>)
      %mul3A_519 = arith.constant 4 : i32
      %mul3A_520 = arith.muli %mul3A_217, %mul3A_519 : i32
      %add3A_521 = arith.constant 2 : i32
      %add3A_522 = arith.addi %mul3A_520, %add3A_521 : i32
      %dma_wait3A_523 = arith.constant 0 : i32
      %dma_wait3A_524 = arith.constant 0 : i32
      %dma_wait3A_525 = arith.constant 0 : i32
      %dma_wait3A_526 = arith.constant 0 : i32
      %dma_wait3A_527 = tpu.memref_slice %arg11[%dma_wait3A_524, %dma_wait3A_525, %dma_wait3A_526] : memref<2x512x8xf32, #tpu.memory_space<vmem>> -> memref<1x512x8xf32, #tpu.memory_space<vmem>>
      %dma_wait3A_528 = tpu.memref_squeeze %dma_wait3A_527 : memref<1x512x8xf32, #tpu.memory_space<vmem>> -> memref<512x8xf32, #tpu.memory_space<vmem>>
      %dma_wait3A_529 = arith.constant 256 : i32
      %dma_wait3A_530 = arith.constant 0 : i32
      %dma_wait3A_531 = tpu.memref_slice %dma_wait3A_528[%dma_wait3A_529, %dma_wait3A_530] : memref<512x8xf32, #tpu.memory_space<vmem>> -> memref<128x8xf32, #tpu.memory_space<vmem>>
      %dma_wait3A_532 = arith.constant 0 : i32
      %dma_wait3A_533 = tpu.memref_slice %arg10[%add3A_522, %dma_wait3A_532] : memref<104x128xi32, #tpu.memory_space<vmem>> -> memref<1x128xi32, #tpu.memory_space<vmem>>
      %dma_wait3A_534 = tpu.memref_squeeze %dma_wait3A_533 : memref<1x128xi32, #tpu.memory_space<vmem>> -> memref<128xi32, #tpu.memory_space<vmem>>
      %dma_wait3A_535 = arith.constant 0 : i32
      %dma_wait3A_536 = arith.constant 0 : i32
      %dma_wait3A_537 = tpu.memref_slice %arg4[%dma_wait3A_523, %dma_wait3A_535, %dma_wait3A_536] : memref<2x1048576x8xf32, #tpu.memory_space<hbm>> -> memref<1x1048576x8xf32, #tpu.memory_space<hbm>>
      %dma_wait3A_538 = tpu.memref_squeeze %dma_wait3A_537 : memref<1x1048576x8xf32, #tpu.memory_space<hbm>> -> memref<1048576x8xf32, #tpu.memory_space<hbm>>
      %dma_wait3A_539 = arith.constant 0 : i32
      %dma_wait3A_540 = arith.constant 0 : i32
      %dma_wait3A_541 = tpu.memref_slice %dma_wait3A_538[%dma_wait3A_539, %dma_wait3A_540] : memref<1048576x8xf32, #tpu.memory_space<hbm>> -> memref<1048576x8xf32, #tpu.memory_space<hbm>>
      tpu.wait_indirect_dma semaphore(%arg15 : memref<!tpu.dma_semaphore, #tpu.memory_space<semaphore_mem>>) src(%dma_wait3A_541 : memref<1048576x8xf32, #tpu.memory_space<hbm>>) dst(%dma_wait3A_531 : memref<128x8xf32, #tpu.memory_space<vmem>>)
      %dma_wait3A_542 = arith.constant 1 : i32
      %dma_wait3A_543 = arith.constant 0 : i32
      %dma_wait3A_544 = arith.constant 0 : i32
      %dma_wait3A_545 = arith.constant 0 : i32
      %dma_wait3A_546 = tpu.memref_slice %arg12[%dma_wait3A_543, %dma_wait3A_544, %dma_wait3A_545] : memref<2x512x8xf32, #tpu.memory_space<vmem>> -> memref<1x512x8xf32, #tpu.memory_space<vmem>>
      %dma_wait3A_547 = tpu.memref_squeeze %dma_wait3A_546 : memref<1x512x8xf32, #tpu.memory_space<vmem>> -> memref<512x8xf32, #tpu.memory_space<vmem>>
      %dma_wait3A_548 = arith.constant 256 : i32
      %dma_wait3A_549 = arith.constant 0 : i32
      %dma_wait3A_550 = tpu.memref_slice %dma_wait3A_547[%dma_wait3A_548, %dma_wait3A_549] : memref<512x8xf32, #tpu.memory_space<vmem>> -> memref<128x8xf32, #tpu.memory_space<vmem>>
      %dma_wait3A_551 = arith.constant 0 : i32
      %dma_wait3A_552 = tpu.memref_slice %arg10[%add3A_522, %dma_wait3A_551] : memref<104x128xi32, #tpu.memory_space<vmem>> -> memref<1x128xi32, #tpu.memory_space<vmem>>
      %dma_wait3A_553 = tpu.memref_squeeze %dma_wait3A_552 : memref<1x128xi32, #tpu.memory_space<vmem>> -> memref<128xi32, #tpu.memory_space<vmem>>
      %dma_wait3A_554 = arith.constant 0 : i32
      %dma_wait3A_555 = arith.constant 0 : i32
      %dma_wait3A_556 = tpu.memref_slice %arg4[%dma_wait3A_542, %dma_wait3A_554, %dma_wait3A_555] : memref<2x1048576x8xf32, #tpu.memory_space<hbm>> -> memref<1x1048576x8xf32, #tpu.memory_space<hbm>>
      %dma_wait3A_557 = tpu.memref_squeeze %dma_wait3A_556 : memref<1x1048576x8xf32, #tpu.memory_space<hbm>> -> memref<1048576x8xf32, #tpu.memory_space<hbm>>
      %dma_wait3A_558 = arith.constant 0 : i32
      %dma_wait3A_559 = arith.constant 0 : i32
      %dma_wait3A_560 = tpu.memref_slice %dma_wait3A_557[%dma_wait3A_558, %dma_wait3A_559] : memref<1048576x8xf32, #tpu.memory_space<hbm>> -> memref<1048576x8xf32, #tpu.memory_space<hbm>>
      tpu.wait_indirect_dma semaphore(%arg15 : memref<!tpu.dma_semaphore, #tpu.memory_space<semaphore_mem>>) src(%dma_wait3A_560 : memref<1048576x8xf32, #tpu.memory_space<hbm>>) dst(%dma_wait3A_550 : memref<128x8xf32, #tpu.memory_space<vmem>>)
      %mul3A_561 = arith.constant 4 : i32
      %mul3A_562 = arith.muli %mul3A_217, %mul3A_561 : i32
      %add3A_563 = arith.constant 3 : i32
      %add3A_564 = arith.addi %mul3A_562, %add3A_563 : i32
      %dma_wait3A_565 = arith.constant 0 : i32
      %dma_wait3A_566 = arith.constant 0 : i32
      %dma_wait3A_567 = arith.constant 0 : i32
      %dma_wait3A_568 = arith.constant 0 : i32
      %dma_wait3A_569 = tpu.memref_slice %arg11[%dma_wait3A_566, %dma_wait3A_567, %dma_wait3A_568] : memref<2x512x8xf32, #tpu.memory_space<vmem>> -> memref<1x512x8xf32, #tpu.memory_space<vmem>>
      %dma_wait3A_570 = tpu.memref_squeeze %dma_wait3A_569 : memref<1x512x8xf32, #tpu.memory_space<vmem>> -> memref<512x8xf32, #tpu.memory_space<vmem>>
      %dma_wait3A_571 = arith.constant 384 : i32
      %dma_wait3A_572 = arith.constant 0 : i32
      %dma_wait3A_573 = tpu.memref_slice %dma_wait3A_570[%dma_wait3A_571, %dma_wait3A_572] : memref<512x8xf32, #tpu.memory_space<vmem>> -> memref<128x8xf32, #tpu.memory_space<vmem>>
      %dma_wait3A_574 = arith.constant 0 : i32
      %dma_wait3A_575 = tpu.memref_slice %arg10[%add3A_564, %dma_wait3A_574] : memref<104x128xi32, #tpu.memory_space<vmem>> -> memref<1x128xi32, #tpu.memory_space<vmem>>
      %dma_wait3A_576 = tpu.memref_squeeze %dma_wait3A_575 : memref<1x128xi32, #tpu.memory_space<vmem>> -> memref<128xi32, #tpu.memory_space<vmem>>
      %dma_wait3A_577 = arith.constant 0 : i32
      %dma_wait3A_578 = arith.constant 0 : i32
      %dma_wait3A_579 = tpu.memref_slice %arg4[%dma_wait3A_565, %dma_wait3A_577, %dma_wait3A_578] : memref<2x1048576x8xf32, #tpu.memory_space<hbm>> -> memref<1x1048576x8xf32, #tpu.memory_space<hbm>>
      %dma_wait3A_580 = tpu.memref_squeeze %dma_wait3A_579 : memref<1x1048576x8xf32, #tpu.memory_space<hbm>> -> memref<1048576x8xf32, #tpu.memory_space<hbm>>
      %dma_wait3A_581 = arith.constant 0 : i32
      %dma_wait3A_582 = arith.constant 0 : i32
      %dma_wait3A_583 = tpu.memref_slice %dma_wait3A_580[%dma_wait3A_581, %dma_wait3A_582] : memref<1048576x8xf32, #tpu.memory_space<hbm>> -> memref<1048576x8xf32, #tpu.memory_space<hbm>>
      tpu.wait_indirect_dma semaphore(%arg15 : memref<!tpu.dma_semaphore, #tpu.memory_space<semaphore_mem>>) src(%dma_wait3A_583 : memref<1048576x8xf32, #tpu.memory_space<hbm>>) dst(%dma_wait3A_573 : memref<128x8xf32, #tpu.memory_space<vmem>>)
      %dma_wait3A_584 = arith.constant 1 : i32
      %dma_wait3A_585 = arith.constant 0 : i32
      %dma_wait3A_586 = arith.constant 0 : i32
      %dma_wait3A_587 = arith.constant 0 : i32
      %dma_wait3A_588 = tpu.memref_slice %arg12[%dma_wait3A_585, %dma_wait3A_586, %dma_wait3A_587] : memref<2x512x8xf32, #tpu.memory_space<vmem>> -> memref<1x512x8xf32, #tpu.memory_space<vmem>>
      %dma_wait3A_589 = tpu.memref_squeeze %dma_wait3A_588 : memref<1x512x8xf32, #tpu.memory_space<vmem>> -> memref<512x8xf32, #tpu.memory_space<vmem>>
      %dma_wait3A_590 = arith.constant 384 : i32
      %dma_wait3A_591 = arith.constant 0 : i32
      %dma_wait3A_592 = tpu.memref_slice %dma_wait3A_589[%dma_wait3A_590, %dma_wait3A_591] : memref<512x8xf32, #tpu.memory_space<vmem>> -> memref<128x8xf32, #tpu.memory_space<vmem>>
      %dma_wait3A_593 = arith.constant 0 : i32
      %dma_wait3A_594 = tpu.memref_slice %arg10[%add3A_564, %dma_wait3A_593] : memref<104x128xi32, #tpu.memory_space<vmem>> -> memref<1x128xi32, #tpu.memory_space<vmem>>
      %dma_wait3A_595 = tpu.memref_squeeze %dma_wait3A_594 : memref<1x128xi32, #tpu.memory_space<vmem>> -> memref<128xi32, #tpu.memory_space<vmem>>
      %dma_wait3A_596 = arith.constant 0 : i32
      %dma_wait3A_597 = arith.constant 0 : i32
      %dma_wait3A_598 = tpu.memref_slice %arg4[%dma_wait3A_584, %dma_wait3A_596, %dma_wait3A_597] : memref<2x1048576x8xf32, #tpu.memory_space<hbm>> -> memref<1x1048576x8xf32, #tpu.memory_space<hbm>>
      %dma_wait3A_599 = tpu.memref_squeeze %dma_wait3A_598 : memref<1x1048576x8xf32, #tpu.memory_space<hbm>> -> memref<1048576x8xf32, #tpu.memory_space<hbm>>
      %dma_wait3A_600 = arith.constant 0 : i32
      %dma_wait3A_601 = arith.constant 0 : i32
      %dma_wait3A_602 = tpu.memref_slice %dma_wait3A_599[%dma_wait3A_600, %dma_wait3A_601] : memref<1048576x8xf32, #tpu.memory_space<hbm>> -> memref<1048576x8xf32, #tpu.memory_space<hbm>>
      tpu.wait_indirect_dma semaphore(%arg15 : memref<!tpu.dma_semaphore, #tpu.memory_space<semaphore_mem>>) src(%dma_wait3A_602 : memref<1048576x8xf32, #tpu.memory_space<hbm>>) dst(%dma_wait3A_592 : memref<128x8xf32, #tpu.memory_space<vmem>>)
      %mul3A_603 = arith.constant 512 : i32
      %mul3A_604 = arith.muli %mul3A_217, %mul3A_603 : i32
      %add3A_605 = arith.addi %mul3A_4, %mul3A_604 : i32
      %run_scoped3A = arith.constant 0 : i32
      "tpu.region"() ({
        %run_scoped3A_792 = tpu.sem_alloc : memref<!tpu.dma_semaphore, #tpu.memory_space<semaphore_mem>>
        %dma_start3A_793 = arith.constant 0 : i32
        %dma_start3A_794 = arith.constant 0 : i32
        %dma_start3A_795 = tpu.memref_slice %arg11[%run_scoped3A, %dma_start3A_793, %dma_start3A_794] : memref<2x512x8xf32, #tpu.memory_space<vmem>> -> memref<1x512x8xf32, #tpu.memory_space<vmem>>
        %dma_start3A_796 = tpu.memref_squeeze %dma_start3A_795 : memref<1x512x8xf32, #tpu.memory_space<vmem>> -> memref<512x8xf32, #tpu.memory_space<vmem>>
        %dma_start3A_797 = arith.constant 0 : i32
        %dma_start3A_798 = tpu.memref_slice %arg6[%add3A_605, %dma_start3A_797] : memref<425984x8xf32, #tpu.memory_space<hbm>> -> memref<512x8xf32, #tpu.memory_space<hbm>>
        %dma_start3A_799 = arith.constant 0 : i32
        %dma_start3A_800 = tpu.memref_slice %arg6[%add3A_605, %dma_start3A_799] : memref<425984x8xf32, #tpu.memory_space<hbm>> -> memref<512x8xf32, #tpu.memory_space<hbm>>
        %dma_start3A_801 = arith.constant 0 : i32
        %dma_start3A_802 = arith.constant 0 : i32
        %dma_start3A_803 = tpu.memref_slice %arg11[%run_scoped3A, %dma_start3A_801, %dma_start3A_802] : memref<2x512x8xf32, #tpu.memory_space<vmem>> -> memref<1x512x8xf32, #tpu.memory_space<vmem>>
        %dma_start3A_804 = tpu.memref_squeeze %dma_start3A_803 : memref<1x512x8xf32, #tpu.memory_space<vmem>> -> memref<512x8xf32, #tpu.memory_space<vmem>>
        tpu.enqueue_dma source(%dma_start3A_804 : memref<512x8xf32, #tpu.memory_space<vmem>>) target(%dma_start3A_800 : memref<512x8xf32, #tpu.memory_space<hbm>>) target_semaphore(%run_scoped3A_792 : memref<!tpu.dma_semaphore, #tpu.memory_space<semaphore_mem>>)
        %dma_wait3A_805 = arith.constant 0 : i32
        %dma_wait3A_806 = arith.constant 0 : i32
        %dma_wait3A_807 = tpu.memref_slice %arg11[%run_scoped3A, %dma_wait3A_805, %dma_wait3A_806] : memref<2x512x8xf32, #tpu.memory_space<vmem>> -> memref<1x512x8xf32, #tpu.memory_space<vmem>>
        %dma_wait3A_808 = tpu.memref_squeeze %dma_wait3A_807 : memref<1x512x8xf32, #tpu.memory_space<vmem>> -> memref<512x8xf32, #tpu.memory_space<vmem>>
        %dma_wait3A_809 = arith.constant 0 : i32
        %dma_wait3A_810 = tpu.memref_slice %arg6[%add3A_605, %dma_wait3A_809] : memref<425984x8xf32, #tpu.memory_space<hbm>> -> memref<512x8xf32, #tpu.memory_space<hbm>>
        %dma_wait3A_811 = arith.constant 0 : i32
        %dma_wait3A_812 = tpu.memref_slice %arg6[%add3A_605, %dma_wait3A_811] : memref<425984x8xf32, #tpu.memory_space<hbm>> -> memref<512x8xf32, #tpu.memory_space<hbm>>
        %dma_wait3A_813 = arith.constant 0 : i32
        %dma_wait3A_814 = arith.constant 0 : i32
        %dma_wait3A_815 = tpu.memref_slice %arg11[%run_scoped3A, %dma_wait3A_813, %dma_wait3A_814] : memref<2x512x8xf32, #tpu.memory_space<vmem>> -> memref<1x512x8xf32, #tpu.memory_space<vmem>>
        %dma_wait3A_816 = tpu.memref_squeeze %dma_wait3A_815 : memref<1x512x8xf32, #tpu.memory_space<vmem>> -> memref<512x8xf32, #tpu.memory_space<vmem>>
        tpu.wait_dma2 semaphore(%run_scoped3A_792 : memref<!tpu.dma_semaphore, #tpu.memory_space<semaphore_mem>>) src(%dma_wait3A_816 : memref<512x8xf32, #tpu.memory_space<vmem>>) dst(%dma_wait3A_812 : memref<512x8xf32, #tpu.memory_space<hbm>>)
        tpu.yield
      }) : () -> ()
      %mul3A_606 = arith.constant 512 : i32
      %mul3A_607 = arith.muli %mul3A_217, %mul3A_606 : i32
      %add3A_608 = arith.addi %mul3A_4, %mul3A_607 : i32
      %run_scoped3A_609 = arith.constant 0 : i32
      "tpu.region"() ({
        %run_scoped3A_792 = tpu.sem_alloc : memref<!tpu.dma_semaphore, #tpu.memory_space<semaphore_mem>>
        %dma_start3A_793 = arith.constant 0 : i32
        %dma_start3A_794 = arith.constant 0 : i32
        %dma_start3A_795 = tpu.memref_slice %arg12[%run_scoped3A_609, %dma_start3A_793, %dma_start3A_794] : memref<2x512x8xf32, #tpu.memory_space<vmem>> -> memref<1x512x8xf32, #tpu.memory_space<vmem>>
        %dma_start3A_796 = tpu.memref_squeeze %dma_start3A_795 : memref<1x512x8xf32, #tpu.memory_space<vmem>> -> memref<512x8xf32, #tpu.memory_space<vmem>>
        %dma_start3A_797 = arith.constant 0 : i32
        %dma_start3A_798 = tpu.memref_slice %arg7[%add3A_608, %dma_start3A_797] : memref<425984x8xf32, #tpu.memory_space<hbm>> -> memref<512x8xf32, #tpu.memory_space<hbm>>
        %dma_start3A_799 = arith.constant 0 : i32
        %dma_start3A_800 = tpu.memref_slice %arg7[%add3A_608, %dma_start3A_799] : memref<425984x8xf32, #tpu.memory_space<hbm>> -> memref<512x8xf32, #tpu.memory_space<hbm>>
        %dma_start3A_801 = arith.constant 0 : i32
        %dma_start3A_802 = arith.constant 0 : i32
        %dma_start3A_803 = tpu.memref_slice %arg12[%run_scoped3A_609, %dma_start3A_801, %dma_start3A_802] : memref<2x512x8xf32, #tpu.memory_space<vmem>> -> memref<1x512x8xf32, #tpu.memory_space<vmem>>
        %dma_start3A_804 = tpu.memref_squeeze %dma_start3A_803 : memref<1x512x8xf32, #tpu.memory_space<vmem>> -> memref<512x8xf32, #tpu.memory_space<vmem>>
        tpu.enqueue_dma source(%dma_start3A_804 : memref<512x8xf32, #tpu.memory_space<vmem>>) target(%dma_start3A_800 : memref<512x8xf32, #tpu.memory_space<hbm>>) target_semaphore(%run_scoped3A_792 : memref<!tpu.dma_semaphore, #tpu.memory_space<semaphore_mem>>)
        %dma_wait3A_805 = arith.constant 0 : i32
        %dma_wait3A_806 = arith.constant 0 : i32
        %dma_wait3A_807 = tpu.memref_slice %arg12[%run_scoped3A_609, %dma_wait3A_805, %dma_wait3A_806] : memref<2x512x8xf32, #tpu.memory_space<vmem>> -> memref<1x512x8xf32, #tpu.memory_space<vmem>>
        %dma_wait3A_808 = tpu.memref_squeeze %dma_wait3A_807 : memref<1x512x8xf32, #tpu.memory_space<vmem>> -> memref<512x8xf32, #tpu.memory_space<vmem>>
        %dma_wait3A_809 = arith.constant 0 : i32
        %dma_wait3A_810 = tpu.memref_slice %arg7[%add3A_608, %dma_wait3A_809] : memref<425984x8xf32, #tpu.memory_space<hbm>> -> memref<512x8xf32, #tpu.memory_space<hbm>>
        %dma_wait3A_811 = arith.constant 0 : i32
        %dma_wait3A_812 = tpu.memref_slice %arg7[%add3A_608, %dma_wait3A_811] : memref<425984x8xf32, #tpu.memory_space<hbm>> -> memref<512x8xf32, #tpu.memory_space<hbm>>
        %dma_wait3A_813 = arith.constant 0 : i32
        %dma_wait3A_814 = arith.constant 0 : i32
        %dma_wait3A_815 = tpu.memref_slice %arg12[%run_scoped3A_609, %dma_wait3A_813, %dma_wait3A_814] : memref<2x512x8xf32, #tpu.memory_space<vmem>> -> memref<1x512x8xf32, #tpu.memory_space<vmem>>
        %dma_wait3A_816 = tpu.memref_squeeze %dma_wait3A_815 : memref<1x512x8xf32, #tpu.memory_space<vmem>> -> memref<512x8xf32, #tpu.memory_space<vmem>>
        tpu.wait_dma2 semaphore(%run_scoped3A_792 : memref<!tpu.dma_semaphore, #tpu.memory_space<semaphore_mem>>) src(%dma_wait3A_816 : memref<512x8xf32, #tpu.memory_space<vmem>>) dst(%dma_wait3A_812 : memref<512x8xf32, #tpu.memory_space<hbm>>)
        tpu.yield
      }) : () -> ()
      %lt3A = arith.constant 12 : i32
      %lt3A_610 = arith.cmpi slt, %scan3A_215, %lt3A : i32
      %convert_element_type3A = arith.extui %lt3A_610 : i1 to i32
      %cond3A = arith.constant 0 : i32
      %cond3A_611 = arith.cmpi ne, %convert_element_type3A, %cond3A : i32
      scf.if %cond3A_611 {
        %add3A_792 = arith.constant 2 : i32
        %add3A_793 = arith.addi %mul3A_217, %add3A_792 : i32
        %mul3A_794 = arith.constant 4 : i32
        %mul3A_795 = arith.muli %add3A_793, %mul3A_794 : i32
        %add3A_796 = arith.constant 0 : i32
        %add3A_797 = arith.addi %mul3A_795, %add3A_796 : i32
        %dma_start3A_798 = arith.constant 0 : i32
        %dma_start3A_799 = arith.constant 0 : i32
        %dma_start3A_800 = arith.constant 0 : i32
        %dma_start3A_801 = arith.constant 0 : i32
        %dma_start3A_802 = tpu.memref_slice %arg11[%dma_start3A_799, %dma_start3A_800, %dma_start3A_801] : memref<2x512x8xf32, #tpu.memory_space<vmem>> -> memref<1x512x8xf32, #tpu.memory_space<vmem>>
        %dma_start3A_803 = tpu.memref_squeeze %dma_start3A_802 : memref<1x512x8xf32, #tpu.memory_space<vmem>> -> memref<512x8xf32, #tpu.memory_space<vmem>>
        %dma_start3A_804 = arith.constant 0 : i32
        %dma_start3A_805 = arith.constant 0 : i32
        %dma_start3A_806 = tpu.memref_slice %dma_start3A_803[%dma_start3A_804, %dma_start3A_805] : memref<512x8xf32, #tpu.memory_space<vmem>> -> memref<128x8xf32, #tpu.memory_space<vmem>>
        %dma_start3A_807 = arith.constant 0 : i32
        %dma_start3A_808 = tpu.memref_slice %arg10[%add3A_797, %dma_start3A_807] : memref<104x128xi32, #tpu.memory_space<vmem>> -> memref<1x128xi32, #tpu.memory_space<vmem>>
        %dma_start3A_809 = tpu.memref_squeeze %dma_start3A_808 : memref<1x128xi32, #tpu.memory_space<vmem>> -> memref<128xi32, #tpu.memory_space<vmem>>
        %dma_start3A_810 = arith.constant 0 : i32
        %dma_start3A_811 = arith.constant 0 : i32
        %dma_start3A_812 = tpu.memref_slice %arg4[%dma_start3A_798, %dma_start3A_810, %dma_start3A_811] : memref<2x1048576x8xf32, #tpu.memory_space<hbm>> -> memref<1x1048576x8xf32, #tpu.memory_space<hbm>>
        %dma_start3A_813 = tpu.memref_squeeze %dma_start3A_812 : memref<1x1048576x8xf32, #tpu.memory_space<hbm>> -> memref<1048576x8xf32, #tpu.memory_space<hbm>>
        %dma_start3A_814 = arith.constant 0 : i32
        %dma_start3A_815 = arith.constant 0 : i32
        %dma_start3A_816 = tpu.memref_slice %dma_start3A_813[%dma_start3A_814, %dma_start3A_815] : memref<1048576x8xf32, #tpu.memory_space<hbm>> -> memref<1048576x8xf32, #tpu.memory_space<hbm>>
        tpu.enqueue_indirect_dma source(%dma_start3A_816 : memref<1048576x8xf32, #tpu.memory_space<hbm>>) target(%dma_start3A_806 : memref<128x8xf32, #tpu.memory_space<vmem>>) offsets(%dma_start3A_809 : memref<128xi32, #tpu.memory_space<vmem>>) semaphore(%arg15 : memref<!tpu.dma_semaphore, #tpu.memory_space<semaphore_mem>>)
        %dma_start3A_817 = arith.constant 1 : i32
        %dma_start3A_818 = arith.constant 0 : i32
        %dma_start3A_819 = arith.constant 0 : i32
        %dma_start3A_820 = arith.constant 0 : i32
        %dma_start3A_821 = tpu.memref_slice %arg12[%dma_start3A_818, %dma_start3A_819, %dma_start3A_820] : memref<2x512x8xf32, #tpu.memory_space<vmem>> -> memref<1x512x8xf32, #tpu.memory_space<vmem>>
        %dma_start3A_822 = tpu.memref_squeeze %dma_start3A_821 : memref<1x512x8xf32, #tpu.memory_space<vmem>> -> memref<512x8xf32, #tpu.memory_space<vmem>>
        %dma_start3A_823 = arith.constant 0 : i32
        %dma_start3A_824 = arith.constant 0 : i32
        %dma_start3A_825 = tpu.memref_slice %dma_start3A_822[%dma_start3A_823, %dma_start3A_824] : memref<512x8xf32, #tpu.memory_space<vmem>> -> memref<128x8xf32, #tpu.memory_space<vmem>>
        %dma_start3A_826 = arith.constant 0 : i32
        %dma_start3A_827 = tpu.memref_slice %arg10[%add3A_797, %dma_start3A_826] : memref<104x128xi32, #tpu.memory_space<vmem>> -> memref<1x128xi32, #tpu.memory_space<vmem>>
        %dma_start3A_828 = tpu.memref_squeeze %dma_start3A_827 : memref<1x128xi32, #tpu.memory_space<vmem>> -> memref<128xi32, #tpu.memory_space<vmem>>
        %dma_start3A_829 = arith.constant 0 : i32
        %dma_start3A_830 = arith.constant 0 : i32
        %dma_start3A_831 = tpu.memref_slice %arg4[%dma_start3A_817, %dma_start3A_829, %dma_start3A_830] : memref<2x1048576x8xf32, #tpu.memory_space<hbm>> -> memref<1x1048576x8xf32, #tpu.memory_space<hbm>>
        %dma_start3A_832 = tpu.memref_squeeze %dma_start3A_831 : memref<1x1048576x8xf32, #tpu.memory_space<hbm>> -> memref<1048576x8xf32, #tpu.memory_space<hbm>>
        %dma_start3A_833 = arith.constant 0 : i32
        %dma_start3A_834 = arith.constant 0 : i32
        %dma_start3A_835 = tpu.memref_slice %dma_start3A_832[%dma_start3A_833, %dma_start3A_834] : memref<1048576x8xf32, #tpu.memory_space<hbm>> -> memref<1048576x8xf32, #tpu.memory_space<hbm>>
        tpu.enqueue_indirect_dma source(%dma_start3A_835 : memref<1048576x8xf32, #tpu.memory_space<hbm>>) target(%dma_start3A_825 : memref<128x8xf32, #tpu.memory_space<vmem>>) offsets(%dma_start3A_828 : memref<128xi32, #tpu.memory_space<vmem>>) semaphore(%arg15 : memref<!tpu.dma_semaphore, #tpu.memory_space<semaphore_mem>>)
        %mul3A_836 = arith.constant 4 : i32
        %mul3A_837 = arith.muli %add3A_793, %mul3A_836 : i32
        %add3A_838 = arith.constant 0 : i32
        %add3A_839 = arith.addi %mul3A_837, %add3A_838 : i32
        %mul3A_840 = arith.constant 128 : i32
        %mul3A_841 = arith.muli %add3A_839, %mul3A_840 : i32
        %dma_start3A_842 = tpu.memref_slice %arg13[%mul3A_841] : memref<13312xf32, #tpu.memory_space<vmem>> -> memref<128xf32, #tpu.memory_space<vmem>>
        %dma_start3A_843 = arith.constant 0 : i32
        %dma_start3A_844 = tpu.memref_slice %arg9[%add3A_797, %dma_start3A_843] : memref<104x128xi32, #tpu.memory_space<vmem>> -> memref<1x128xi32, #tpu.memory_space<vmem>>
        %dma_start3A_845 = tpu.memref_squeeze %dma_start3A_844 : memref<1x128xi32, #tpu.memory_space<vmem>> -> memref<128xi32, #tpu.memory_space<vmem>>
        %dma_start3A_846 = arith.constant 0 : i32
        %dma_start3A_847 = tpu.memref_slice %arg5[%dma_start3A_846] : memref<1040000xf32, #tpu.memory_space<hbm>> -> memref<1040000xf32, #tpu.memory_space<hbm>>
        tpu.enqueue_indirect_dma source(%dma_start3A_847 : memref<1040000xf32, #tpu.memory_space<hbm>>) target(%dma_start3A_842 : memref<128xf32, #tpu.memory_space<vmem>>) offsets(%dma_start3A_845 : memref<128xi32, #tpu.memory_space<vmem>>) semaphore(%arg17 : memref<!tpu.dma_semaphore, #tpu.memory_space<semaphore_mem>>)
        %mul3A_848 = arith.constant 4 : i32
        %mul3A_849 = arith.muli %add3A_793, %mul3A_848 : i32
        %add3A_850 = arith.constant 1 : i32
        %add3A_851 = arith.addi %mul3A_849, %add3A_850 : i32
        %dma_start3A_852 = arith.constant 0 : i32
        %dma_start3A_853 = arith.constant 0 : i32
        %dma_start3A_854 = arith.constant 0 : i32
        %dma_start3A_855 = arith.constant 0 : i32
        %dma_start3A_856 = tpu.memref_slice %arg11[%dma_start3A_853, %dma_start3A_854, %dma_start3A_855] : memref<2x512x8xf32, #tpu.memory_space<vmem>> -> memref<1x512x8xf32, #tpu.memory_space<vmem>>
        %dma_start3A_857 = tpu.memref_squeeze %dma_start3A_856 : memref<1x512x8xf32, #tpu.memory_space<vmem>> -> memref<512x8xf32, #tpu.memory_space<vmem>>
        %dma_start3A_858 = arith.constant 128 : i32
        %dma_start3A_859 = arith.constant 0 : i32
        %dma_start3A_860 = tpu.memref_slice %dma_start3A_857[%dma_start3A_858, %dma_start3A_859] : memref<512x8xf32, #tpu.memory_space<vmem>> -> memref<128x8xf32, #tpu.memory_space<vmem>>
        %dma_start3A_861 = arith.constant 0 : i32
        %dma_start3A_862 = tpu.memref_slice %arg10[%add3A_851, %dma_start3A_861] : memref<104x128xi32, #tpu.memory_space<vmem>> -> memref<1x128xi32, #tpu.memory_space<vmem>>
        %dma_start3A_863 = tpu.memref_squeeze %dma_start3A_862 : memref<1x128xi32, #tpu.memory_space<vmem>> -> memref<128xi32, #tpu.memory_space<vmem>>
        %dma_start3A_864 = arith.constant 0 : i32
        %dma_start3A_865 = arith.constant 0 : i32
        %dma_start3A_866 = tpu.memref_slice %arg4[%dma_start3A_852, %dma_start3A_864, %dma_start3A_865] : memref<2x1048576x8xf32, #tpu.memory_space<hbm>> -> memref<1x1048576x8xf32, #tpu.memory_space<hbm>>
        %dma_start3A_867 = tpu.memref_squeeze %dma_start3A_866 : memref<1x1048576x8xf32, #tpu.memory_space<hbm>> -> memref<1048576x8xf32, #tpu.memory_space<hbm>>
        %dma_start3A_868 = arith.constant 0 : i32
        %dma_start3A_869 = arith.constant 0 : i32
        %dma_start3A_870 = tpu.memref_slice %dma_start3A_867[%dma_start3A_868, %dma_start3A_869] : memref<1048576x8xf32, #tpu.memory_space<hbm>> -> memref<1048576x8xf32, #tpu.memory_space<hbm>>
        tpu.enqueue_indirect_dma source(%dma_start3A_870 : memref<1048576x8xf32, #tpu.memory_space<hbm>>) target(%dma_start3A_860 : memref<128x8xf32, #tpu.memory_space<vmem>>) offsets(%dma_start3A_863 : memref<128xi32, #tpu.memory_space<vmem>>) semaphore(%arg15 : memref<!tpu.dma_semaphore, #tpu.memory_space<semaphore_mem>>)
        %dma_start3A_871 = arith.constant 1 : i32
        %dma_start3A_872 = arith.constant 0 : i32
        %dma_start3A_873 = arith.constant 0 : i32
        %dma_start3A_874 = arith.constant 0 : i32
        %dma_start3A_875 = tpu.memref_slice %arg12[%dma_start3A_872, %dma_start3A_873, %dma_start3A_874] : memref<2x512x8xf32, #tpu.memory_space<vmem>> -> memref<1x512x8xf32, #tpu.memory_space<vmem>>
        %dma_start3A_876 = tpu.memref_squeeze %dma_start3A_875 : memref<1x512x8xf32, #tpu.memory_space<vmem>> -> memref<512x8xf32, #tpu.memory_space<vmem>>
        %dma_start3A_877 = arith.constant 128 : i32
        %dma_start3A_878 = arith.constant 0 : i32
        %dma_start3A_879 = tpu.memref_slice %dma_start3A_876[%dma_start3A_877, %dma_start3A_878] : memref<512x8xf32, #tpu.memory_space<vmem>> -> memref<128x8xf32, #tpu.memory_space<vmem>>
        %dma_start3A_880 = arith.constant 0 : i32
        %dma_start3A_881 = tpu.memref_slice %arg10[%add3A_851, %dma_start3A_880] : memref<104x128xi32, #tpu.memory_space<vmem>> -> memref<1x128xi32, #tpu.memory_space<vmem>>
        %dma_start3A_882 = tpu.memref_squeeze %dma_start3A_881 : memref<1x128xi32, #tpu.memory_space<vmem>> -> memref<128xi32, #tpu.memory_space<vmem>>
        %dma_start3A_883 = arith.constant 0 : i32
        %dma_start3A_884 = arith.constant 0 : i32
        %dma_start3A_885 = tpu.memref_slice %arg4[%dma_start3A_871, %dma_start3A_883, %dma_start3A_884] : memref<2x1048576x8xf32, #tpu.memory_space<hbm>> -> memref<1x1048576x8xf32, #tpu.memory_space<hbm>>
        %dma_start3A_886 = tpu.memref_squeeze %dma_start3A_885 : memref<1x1048576x8xf32, #tpu.memory_space<hbm>> -> memref<1048576x8xf32, #tpu.memory_space<hbm>>
        %dma_start3A_887 = arith.constant 0 : i32
        %dma_start3A_888 = arith.constant 0 : i32
        %dma_start3A_889 = tpu.memref_slice %dma_start3A_886[%dma_start3A_887, %dma_start3A_888] : memref<1048576x8xf32, #tpu.memory_space<hbm>> -> memref<1048576x8xf32, #tpu.memory_space<hbm>>
        tpu.enqueue_indirect_dma source(%dma_start3A_889 : memref<1048576x8xf32, #tpu.memory_space<hbm>>) target(%dma_start3A_879 : memref<128x8xf32, #tpu.memory_space<vmem>>) offsets(%dma_start3A_882 : memref<128xi32, #tpu.memory_space<vmem>>) semaphore(%arg15 : memref<!tpu.dma_semaphore, #tpu.memory_space<semaphore_mem>>)
        %mul3A_890 = arith.constant 4 : i32
        %mul3A_891 = arith.muli %add3A_793, %mul3A_890 : i32
        %add3A_892 = arith.constant 1 : i32
        %add3A_893 = arith.addi %mul3A_891, %add3A_892 : i32
        %mul3A_894 = arith.constant 128 : i32
        %mul3A_895 = arith.muli %add3A_893, %mul3A_894 : i32
        %dma_start3A_896 = tpu.memref_slice %arg13[%mul3A_895] : memref<13312xf32, #tpu.memory_space<vmem>> -> memref<128xf32, #tpu.memory_space<vmem>>
        %dma_start3A_897 = arith.constant 0 : i32
        %dma_start3A_898 = tpu.memref_slice %arg9[%add3A_851, %dma_start3A_897] : memref<104x128xi32, #tpu.memory_space<vmem>> -> memref<1x128xi32, #tpu.memory_space<vmem>>
        %dma_start3A_899 = tpu.memref_squeeze %dma_start3A_898 : memref<1x128xi32, #tpu.memory_space<vmem>> -> memref<128xi32, #tpu.memory_space<vmem>>
        %dma_start3A_900 = arith.constant 0 : i32
        %dma_start3A_901 = tpu.memref_slice %arg5[%dma_start3A_900] : memref<1040000xf32, #tpu.memory_space<hbm>> -> memref<1040000xf32, #tpu.memory_space<hbm>>
        tpu.enqueue_indirect_dma source(%dma_start3A_901 : memref<1040000xf32, #tpu.memory_space<hbm>>) target(%dma_start3A_896 : memref<128xf32, #tpu.memory_space<vmem>>) offsets(%dma_start3A_899 : memref<128xi32, #tpu.memory_space<vmem>>) semaphore(%arg17 : memref<!tpu.dma_semaphore, #tpu.memory_space<semaphore_mem>>)
        %mul3A_902 = arith.constant 4 : i32
        %mul3A_903 = arith.muli %add3A_793, %mul3A_902 : i32
        %add3A_904 = arith.constant 2 : i32
        %add3A_905 = arith.addi %mul3A_903, %add3A_904 : i32
        %dma_start3A_906 = arith.constant 0 : i32
        %dma_start3A_907 = arith.constant 0 : i32
        %dma_start3A_908 = arith.constant 0 : i32
        %dma_start3A_909 = arith.constant 0 : i32
        %dma_start3A_910 = tpu.memref_slice %arg11[%dma_start3A_907, %dma_start3A_908, %dma_start3A_909] : memref<2x512x8xf32, #tpu.memory_space<vmem>> -> memref<1x512x8xf32, #tpu.memory_space<vmem>>
        %dma_start3A_911 = tpu.memref_squeeze %dma_start3A_910 : memref<1x512x8xf32, #tpu.memory_space<vmem>> -> memref<512x8xf32, #tpu.memory_space<vmem>>
        %dma_start3A_912 = arith.constant 256 : i32
        %dma_start3A_913 = arith.constant 0 : i32
        %dma_start3A_914 = tpu.memref_slice %dma_start3A_911[%dma_start3A_912, %dma_start3A_913] : memref<512x8xf32, #tpu.memory_space<vmem>> -> memref<128x8xf32, #tpu.memory_space<vmem>>
        %dma_start3A_915 = arith.constant 0 : i32
        %dma_start3A_916 = tpu.memref_slice %arg10[%add3A_905, %dma_start3A_915] : memref<104x128xi32, #tpu.memory_space<vmem>> -> memref<1x128xi32, #tpu.memory_space<vmem>>
        %dma_start3A_917 = tpu.memref_squeeze %dma_start3A_916 : memref<1x128xi32, #tpu.memory_space<vmem>> -> memref<128xi32, #tpu.memory_space<vmem>>
        %dma_start3A_918 = arith.constant 0 : i32
        %dma_start3A_919 = arith.constant 0 : i32
        %dma_start3A_920 = tpu.memref_slice %arg4[%dma_start3A_906, %dma_start3A_918, %dma_start3A_919] : memref<2x1048576x8xf32, #tpu.memory_space<hbm>> -> memref<1x1048576x8xf32, #tpu.memory_space<hbm>>
        %dma_start3A_921 = tpu.memref_squeeze %dma_start3A_920 : memref<1x1048576x8xf32, #tpu.memory_space<hbm>> -> memref<1048576x8xf32, #tpu.memory_space<hbm>>
        %dma_start3A_922 = arith.constant 0 : i32
        %dma_start3A_923 = arith.constant 0 : i32
        %dma_start3A_924 = tpu.memref_slice %dma_start3A_921[%dma_start3A_922, %dma_start3A_923] : memref<1048576x8xf32, #tpu.memory_space<hbm>> -> memref<1048576x8xf32, #tpu.memory_space<hbm>>
        tpu.enqueue_indirect_dma source(%dma_start3A_924 : memref<1048576x8xf32, #tpu.memory_space<hbm>>) target(%dma_start3A_914 : memref<128x8xf32, #tpu.memory_space<vmem>>) offsets(%dma_start3A_917 : memref<128xi32, #tpu.memory_space<vmem>>) semaphore(%arg15 : memref<!tpu.dma_semaphore, #tpu.memory_space<semaphore_mem>>)
        %dma_start3A_925 = arith.constant 1 : i32
        %dma_start3A_926 = arith.constant 0 : i32
        %dma_start3A_927 = arith.constant 0 : i32
        %dma_start3A_928 = arith.constant 0 : i32
        %dma_start3A_929 = tpu.memref_slice %arg12[%dma_start3A_926, %dma_start3A_927, %dma_start3A_928] : memref<2x512x8xf32, #tpu.memory_space<vmem>> -> memref<1x512x8xf32, #tpu.memory_space<vmem>>
        %dma_start3A_930 = tpu.memref_squeeze %dma_start3A_929 : memref<1x512x8xf32, #tpu.memory_space<vmem>> -> memref<512x8xf32, #tpu.memory_space<vmem>>
        %dma_start3A_931 = arith.constant 256 : i32
        %dma_start3A_932 = arith.constant 0 : i32
        %dma_start3A_933 = tpu.memref_slice %dma_start3A_930[%dma_start3A_931, %dma_start3A_932] : memref<512x8xf32, #tpu.memory_space<vmem>> -> memref<128x8xf32, #tpu.memory_space<vmem>>
        %dma_start3A_934 = arith.constant 0 : i32
        %dma_start3A_935 = tpu.memref_slice %arg10[%add3A_905, %dma_start3A_934] : memref<104x128xi32, #tpu.memory_space<vmem>> -> memref<1x128xi32, #tpu.memory_space<vmem>>
        %dma_start3A_936 = tpu.memref_squeeze %dma_start3A_935 : memref<1x128xi32, #tpu.memory_space<vmem>> -> memref<128xi32, #tpu.memory_space<vmem>>
        %dma_start3A_937 = arith.constant 0 : i32
        %dma_start3A_938 = arith.constant 0 : i32
        %dma_start3A_939 = tpu.memref_slice %arg4[%dma_start3A_925, %dma_start3A_937, %dma_start3A_938] : memref<2x1048576x8xf32, #tpu.memory_space<hbm>> -> memref<1x1048576x8xf32, #tpu.memory_space<hbm>>
        %dma_start3A_940 = tpu.memref_squeeze %dma_start3A_939 : memref<1x1048576x8xf32, #tpu.memory_space<hbm>> -> memref<1048576x8xf32, #tpu.memory_space<hbm>>
        %dma_start3A_941 = arith.constant 0 : i32
        %dma_start3A_942 = arith.constant 0 : i32
        %dma_start3A_943 = tpu.memref_slice %dma_start3A_940[%dma_start3A_941, %dma_start3A_942] : memref<1048576x8xf32, #tpu.memory_space<hbm>> -> memref<1048576x8xf32, #tpu.memory_space<hbm>>
        tpu.enqueue_indirect_dma source(%dma_start3A_943 : memref<1048576x8xf32, #tpu.memory_space<hbm>>) target(%dma_start3A_933 : memref<128x8xf32, #tpu.memory_space<vmem>>) offsets(%dma_start3A_936 : memref<128xi32, #tpu.memory_space<vmem>>) semaphore(%arg15 : memref<!tpu.dma_semaphore, #tpu.memory_space<semaphore_mem>>)
        %mul3A_944 = arith.constant 4 : i32
        %mul3A_945 = arith.muli %add3A_793, %mul3A_944 : i32
        %add3A_946 = arith.constant 2 : i32
        %add3A_947 = arith.addi %mul3A_945, %add3A_946 : i32
        %mul3A_948 = arith.constant 128 : i32
        %mul3A_949 = arith.muli %add3A_947, %mul3A_948 : i32
        %dma_start3A_950 = tpu.memref_slice %arg13[%mul3A_949] : memref<13312xf32, #tpu.memory_space<vmem>> -> memref<128xf32, #tpu.memory_space<vmem>>
        %dma_start3A_951 = arith.constant 0 : i32
        %dma_start3A_952 = tpu.memref_slice %arg9[%add3A_905, %dma_start3A_951] : memref<104x128xi32, #tpu.memory_space<vmem>> -> memref<1x128xi32, #tpu.memory_space<vmem>>
        %dma_start3A_953 = tpu.memref_squeeze %dma_start3A_952 : memref<1x128xi32, #tpu.memory_space<vmem>> -> memref<128xi32, #tpu.memory_space<vmem>>
        %dma_start3A_954 = arith.constant 0 : i32
        %dma_start3A_955 = tpu.memref_slice %arg5[%dma_start3A_954] : memref<1040000xf32, #tpu.memory_space<hbm>> -> memref<1040000xf32, #tpu.memory_space<hbm>>
        tpu.enqueue_indirect_dma source(%dma_start3A_955 : memref<1040000xf32, #tpu.memory_space<hbm>>) target(%dma_start3A_950 : memref<128xf32, #tpu.memory_space<vmem>>) offsets(%dma_start3A_953 : memref<128xi32, #tpu.memory_space<vmem>>) semaphore(%arg17 : memref<!tpu.dma_semaphore, #tpu.memory_space<semaphore_mem>>)
        %mul3A_956 = arith.constant 4 : i32
        %mul3A_957 = arith.muli %add3A_793, %mul3A_956 : i32
        %add3A_958 = arith.constant 3 : i32
        %add3A_959 = arith.addi %mul3A_957, %add3A_958 : i32
        %dma_start3A_960 = arith.constant 0 : i32
        %dma_start3A_961 = arith.constant 0 : i32
        %dma_start3A_962 = arith.constant 0 : i32
        %dma_start3A_963 = arith.constant 0 : i32
        %dma_start3A_964 = tpu.memref_slice %arg11[%dma_start3A_961, %dma_start3A_962, %dma_start3A_963] : memref<2x512x8xf32, #tpu.memory_space<vmem>> -> memref<1x512x8xf32, #tpu.memory_space<vmem>>
        %dma_start3A_965 = tpu.memref_squeeze %dma_start3A_964 : memref<1x512x8xf32, #tpu.memory_space<vmem>> -> memref<512x8xf32, #tpu.memory_space<vmem>>
        %dma_start3A_966 = arith.constant 384 : i32
        %dma_start3A_967 = arith.constant 0 : i32
        %dma_start3A_968 = tpu.memref_slice %dma_start3A_965[%dma_start3A_966, %dma_start3A_967] : memref<512x8xf32, #tpu.memory_space<vmem>> -> memref<128x8xf32, #tpu.memory_space<vmem>>
        %dma_start3A_969 = arith.constant 0 : i32
        %dma_start3A_970 = tpu.memref_slice %arg10[%add3A_959, %dma_start3A_969] : memref<104x128xi32, #tpu.memory_space<vmem>> -> memref<1x128xi32, #tpu.memory_space<vmem>>
        %dma_start3A_971 = tpu.memref_squeeze %dma_start3A_970 : memref<1x128xi32, #tpu.memory_space<vmem>> -> memref<128xi32, #tpu.memory_space<vmem>>
        %dma_start3A_972 = arith.constant 0 : i32
        %dma_start3A_973 = arith.constant 0 : i32
        %dma_start3A_974 = tpu.memref_slice %arg4[%dma_start3A_960, %dma_start3A_972, %dma_start3A_973] : memref<2x1048576x8xf32, #tpu.memory_space<hbm>> -> memref<1x1048576x8xf32, #tpu.memory_space<hbm>>
        %dma_start3A_975 = tpu.memref_squeeze %dma_start3A_974 : memref<1x1048576x8xf32, #tpu.memory_space<hbm>> -> memref<1048576x8xf32, #tpu.memory_space<hbm>>
        %dma_start3A_976 = arith.constant 0 : i32
        %dma_start3A_977 = arith.constant 0 : i32
        %dma_start3A_978 = tpu.memref_slice %dma_start3A_975[%dma_start3A_976, %dma_start3A_977] : memref<1048576x8xf32, #tpu.memory_space<hbm>> -> memref<1048576x8xf32, #tpu.memory_space<hbm>>
        tpu.enqueue_indirect_dma source(%dma_start3A_978 : memref<1048576x8xf32, #tpu.memory_space<hbm>>) target(%dma_start3A_968 : memref<128x8xf32, #tpu.memory_space<vmem>>) offsets(%dma_start3A_971 : memref<128xi32, #tpu.memory_space<vmem>>) semaphore(%arg15 : memref<!tpu.dma_semaphore, #tpu.memory_space<semaphore_mem>>)
        %dma_start3A_979 = arith.constant 1 : i32
        %dma_start3A_980 = arith.constant 0 : i32
        %dma_start3A_981 = arith.constant 0 : i32
        %dma_start3A_982 = arith.constant 0 : i32
        %dma_start3A_983 = tpu.memref_slice %arg12[%dma_start3A_980, %dma_start3A_981, %dma_start3A_982] : memref<2x512x8xf32, #tpu.memory_space<vmem>> -> memref<1x512x8xf32, #tpu.memory_space<vmem>>
        %dma_start3A_984 = tpu.memref_squeeze %dma_start3A_983 : memref<1x512x8xf32, #tpu.memory_space<vmem>> -> memref<512x8xf32, #tpu.memory_space<vmem>>
        %dma_start3A_985 = arith.constant 384 : i32
        %dma_start3A_986 = arith.constant 0 : i32
        %dma_start3A_987 = tpu.memref_slice %dma_start3A_984[%dma_start3A_985, %dma_start3A_986] : memref<512x8xf32, #tpu.memory_space<vmem>> -> memref<128x8xf32, #tpu.memory_space<vmem>>
        %dma_start3A_988 = arith.constant 0 : i32
        %dma_start3A_989 = tpu.memref_slice %arg10[%add3A_959, %dma_start3A_988] : memref<104x128xi32, #tpu.memory_space<vmem>> -> memref<1x128xi32, #tpu.memory_space<vmem>>
        %dma_start3A_990 = tpu.memref_squeeze %dma_start3A_989 : memref<1x128xi32, #tpu.memory_space<vmem>> -> memref<128xi32, #tpu.memory_space<vmem>>
        %dma_start3A_991 = arith.constant 0 : i32
        %dma_start3A_992 = arith.constant 0 : i32
        %dma_start3A_993 = tpu.memref_slice %arg4[%dma_start3A_979, %dma_start3A_991, %dma_start3A_992] : memref<2x1048576x8xf32, #tpu.memory_space<hbm>> -> memref<1x1048576x8xf32, #tpu.memory_space<hbm>>
        %dma_start3A_994 = tpu.memref_squeeze %dma_start3A_993 : memref<1x1048576x8xf32, #tpu.memory_space<hbm>> -> memref<1048576x8xf32, #tpu.memory_space<hbm>>
        %dma_start3A_995 = arith.constant 0 : i32
        %dma_start3A_996 = arith.constant 0 : i32
        %dma_start3A_997 = tpu.memref_slice %dma_start3A_994[%dma_start3A_995, %dma_start3A_996] : memref<1048576x8xf32, #tpu.memory_space<hbm>> -> memref<1048576x8xf32, #tpu.memory_space<hbm>>
        tpu.enqueue_indirect_dma source(%dma_start3A_997 : memref<1048576x8xf32, #tpu.memory_space<hbm>>) target(%dma_start3A_987 : memref<128x8xf32, #tpu.memory_space<vmem>>) offsets(%dma_start3A_990 : memref<128xi32, #tpu.memory_space<vmem>>) semaphore(%arg15 : memref<!tpu.dma_semaphore, #tpu.memory_space<semaphore_mem>>)
        %mul3A_998 = arith.constant 4 : i32
        %mul3A_999 = arith.muli %add3A_793, %mul3A_998 : i32
        %add3A_1000 = arith.constant 3 : i32
        %add3A_1001 = arith.addi %mul3A_999, %add3A_1000 : i32
        %mul3A_1002 = arith.constant 128 : i32
        %mul3A_1003 = arith.muli %add3A_1001, %mul3A_1002 : i32
        %dma_start3A_1004 = tpu.memref_slice %arg13[%mul3A_1003] : memref<13312xf32, #tpu.memory_space<vmem>> -> memref<128xf32, #tpu.memory_space<vmem>>
        %dma_start3A_1005 = arith.constant 0 : i32
        %dma_start3A_1006 = tpu.memref_slice %arg9[%add3A_959, %dma_start3A_1005] : memref<104x128xi32, #tpu.memory_space<vmem>> -> memref<1x128xi32, #tpu.memory_space<vmem>>
        %dma_start3A_1007 = tpu.memref_squeeze %dma_start3A_1006 : memref<1x128xi32, #tpu.memory_space<vmem>> -> memref<128xi32, #tpu.memory_space<vmem>>
        %dma_start3A_1008 = arith.constant 0 : i32
        %dma_start3A_1009 = tpu.memref_slice %arg5[%dma_start3A_1008] : memref<1040000xf32, #tpu.memory_space<hbm>> -> memref<1040000xf32, #tpu.memory_space<hbm>>
        tpu.enqueue_indirect_dma source(%dma_start3A_1009 : memref<1040000xf32, #tpu.memory_space<hbm>>) target(%dma_start3A_1004 : memref<128xf32, #tpu.memory_space<vmem>>) offsets(%dma_start3A_1007 : memref<128xi32, #tpu.memory_space<vmem>>) semaphore(%arg17 : memref<!tpu.dma_semaphore, #tpu.memory_space<semaphore_mem>>)
      } else {
      }
      %add3A_612 = arith.constant 1 : i32
      %add3A_613 = arith.addi %mul3A_217, %add3A_612 : i32
      %mul3A_614 = arith.constant 4 : i32
      %mul3A_615 = arith.muli %add3A_613, %mul3A_614 : i32
      %add3A_616 = arith.constant 0 : i32
      %add3A_617 = arith.addi %mul3A_615, %add3A_616 : i32
      %dma_wait3A_618 = arith.constant 0 : i32
      %dma_wait3A_619 = arith.constant 1 : i32
      %dma_wait3A_620 = arith.constant 0 : i32
      %dma_wait3A_621 = arith.constant 0 : i32
      %dma_wait3A_622 = tpu.memref_slice %arg11[%dma_wait3A_619, %dma_wait3A_620, %dma_wait3A_621] : memref<2x512x8xf32, #tpu.memory_space<vmem>> -> memref<1x512x8xf32, #tpu.memory_space<vmem>>
      %dma_wait3A_623 = tpu.memref_squeeze %dma_wait3A_622 : memref<1x512x8xf32, #tpu.memory_space<vmem>> -> memref<512x8xf32, #tpu.memory_space<vmem>>
      %dma_wait3A_624 = arith.constant 0 : i32
      %dma_wait3A_625 = arith.constant 0 : i32
      %dma_wait3A_626 = tpu.memref_slice %dma_wait3A_623[%dma_wait3A_624, %dma_wait3A_625] : memref<512x8xf32, #tpu.memory_space<vmem>> -> memref<128x8xf32, #tpu.memory_space<vmem>>
      %dma_wait3A_627 = arith.constant 0 : i32
      %dma_wait3A_628 = tpu.memref_slice %arg10[%add3A_617, %dma_wait3A_627] : memref<104x128xi32, #tpu.memory_space<vmem>> -> memref<1x128xi32, #tpu.memory_space<vmem>>
      %dma_wait3A_629 = tpu.memref_squeeze %dma_wait3A_628 : memref<1x128xi32, #tpu.memory_space<vmem>> -> memref<128xi32, #tpu.memory_space<vmem>>
      %dma_wait3A_630 = arith.constant 0 : i32
      %dma_wait3A_631 = arith.constant 0 : i32
      %dma_wait3A_632 = tpu.memref_slice %arg4[%dma_wait3A_618, %dma_wait3A_630, %dma_wait3A_631] : memref<2x1048576x8xf32, #tpu.memory_space<hbm>> -> memref<1x1048576x8xf32, #tpu.memory_space<hbm>>
      %dma_wait3A_633 = tpu.memref_squeeze %dma_wait3A_632 : memref<1x1048576x8xf32, #tpu.memory_space<hbm>> -> memref<1048576x8xf32, #tpu.memory_space<hbm>>
      %dma_wait3A_634 = arith.constant 0 : i32
      %dma_wait3A_635 = arith.constant 0 : i32
      %dma_wait3A_636 = tpu.memref_slice %dma_wait3A_633[%dma_wait3A_634, %dma_wait3A_635] : memref<1048576x8xf32, #tpu.memory_space<hbm>> -> memref<1048576x8xf32, #tpu.memory_space<hbm>>
      tpu.wait_indirect_dma semaphore(%arg16 : memref<!tpu.dma_semaphore, #tpu.memory_space<semaphore_mem>>) src(%dma_wait3A_636 : memref<1048576x8xf32, #tpu.memory_space<hbm>>) dst(%dma_wait3A_626 : memref<128x8xf32, #tpu.memory_space<vmem>>)
      %dma_wait3A_637 = arith.constant 1 : i32
      %dma_wait3A_638 = arith.constant 1 : i32
      %dma_wait3A_639 = arith.constant 0 : i32
      %dma_wait3A_640 = arith.constant 0 : i32
      %dma_wait3A_641 = tpu.memref_slice %arg12[%dma_wait3A_638, %dma_wait3A_639, %dma_wait3A_640] : memref<2x512x8xf32, #tpu.memory_space<vmem>> -> memref<1x512x8xf32, #tpu.memory_space<vmem>>
      %dma_wait3A_642 = tpu.memref_squeeze %dma_wait3A_641 : memref<1x512x8xf32, #tpu.memory_space<vmem>> -> memref<512x8xf32, #tpu.memory_space<vmem>>
      %dma_wait3A_643 = arith.constant 0 : i32
      %dma_wait3A_644 = arith.constant 0 : i32
      %dma_wait3A_645 = tpu.memref_slice %dma_wait3A_642[%dma_wait3A_643, %dma_wait3A_644] : memref<512x8xf32, #tpu.memory_space<vmem>> -> memref<128x8xf32, #tpu.memory_space<vmem>>
      %dma_wait3A_646 = arith.constant 0 : i32
      %dma_wait3A_647 = tpu.memref_slice %arg10[%add3A_617, %dma_wait3A_646] : memref<104x128xi32, #tpu.memory_space<vmem>> -> memref<1x128xi32, #tpu.memory_space<vmem>>
      %dma_wait3A_648 = tpu.memref_squeeze %dma_wait3A_647 : memref<1x128xi32, #tpu.memory_space<vmem>> -> memref<128xi32, #tpu.memory_space<vmem>>
      %dma_wait3A_649 = arith.constant 0 : i32
      %dma_wait3A_650 = arith.constant 0 : i32
      %dma_wait3A_651 = tpu.memref_slice %arg4[%dma_wait3A_637, %dma_wait3A_649, %dma_wait3A_650] : memref<2x1048576x8xf32, #tpu.memory_space<hbm>> -> memref<1x1048576x8xf32, #tpu.memory_space<hbm>>
      %dma_wait3A_652 = tpu.memref_squeeze %dma_wait3A_651 : memref<1x1048576x8xf32, #tpu.memory_space<hbm>> -> memref<1048576x8xf32, #tpu.memory_space<hbm>>
      %dma_wait3A_653 = arith.constant 0 : i32
      %dma_wait3A_654 = arith.constant 0 : i32
      %dma_wait3A_655 = tpu.memref_slice %dma_wait3A_652[%dma_wait3A_653, %dma_wait3A_654] : memref<1048576x8xf32, #tpu.memory_space<hbm>> -> memref<1048576x8xf32, #tpu.memory_space<hbm>>
      tpu.wait_indirect_dma semaphore(%arg16 : memref<!tpu.dma_semaphore, #tpu.memory_space<semaphore_mem>>) src(%dma_wait3A_655 : memref<1048576x8xf32, #tpu.memory_space<hbm>>) dst(%dma_wait3A_645 : memref<128x8xf32, #tpu.memory_space<vmem>>)
      %mul3A_656 = arith.constant 4 : i32
      %mul3A_657 = arith.muli %add3A_613, %mul3A_656 : i32
      %add3A_658 = arith.constant 1 : i32
      %add3A_659 = arith.addi %mul3A_657, %add3A_658 : i32
      %dma_wait3A_660 = arith.constant 0 : i32
      %dma_wait3A_661 = arith.constant 1 : i32
      %dma_wait3A_662 = arith.constant 0 : i32
      %dma_wait3A_663 = arith.constant 0 : i32
      %dma_wait3A_664 = tpu.memref_slice %arg11[%dma_wait3A_661, %dma_wait3A_662, %dma_wait3A_663] : memref<2x512x8xf32, #tpu.memory_space<vmem>> -> memref<1x512x8xf32, #tpu.memory_space<vmem>>
      %dma_wait3A_665 = tpu.memref_squeeze %dma_wait3A_664 : memref<1x512x8xf32, #tpu.memory_space<vmem>> -> memref<512x8xf32, #tpu.memory_space<vmem>>
      %dma_wait3A_666 = arith.constant 128 : i32
      %dma_wait3A_667 = arith.constant 0 : i32
      %dma_wait3A_668 = tpu.memref_slice %dma_wait3A_665[%dma_wait3A_666, %dma_wait3A_667] : memref<512x8xf32, #tpu.memory_space<vmem>> -> memref<128x8xf32, #tpu.memory_space<vmem>>
      %dma_wait3A_669 = arith.constant 0 : i32
      %dma_wait3A_670 = tpu.memref_slice %arg10[%add3A_659, %dma_wait3A_669] : memref<104x128xi32, #tpu.memory_space<vmem>> -> memref<1x128xi32, #tpu.memory_space<vmem>>
      %dma_wait3A_671 = tpu.memref_squeeze %dma_wait3A_670 : memref<1x128xi32, #tpu.memory_space<vmem>> -> memref<128xi32, #tpu.memory_space<vmem>>
      %dma_wait3A_672 = arith.constant 0 : i32
      %dma_wait3A_673 = arith.constant 0 : i32
      %dma_wait3A_674 = tpu.memref_slice %arg4[%dma_wait3A_660, %dma_wait3A_672, %dma_wait3A_673] : memref<2x1048576x8xf32, #tpu.memory_space<hbm>> -> memref<1x1048576x8xf32, #tpu.memory_space<hbm>>
      %dma_wait3A_675 = tpu.memref_squeeze %dma_wait3A_674 : memref<1x1048576x8xf32, #tpu.memory_space<hbm>> -> memref<1048576x8xf32, #tpu.memory_space<hbm>>
      %dma_wait3A_676 = arith.constant 0 : i32
      %dma_wait3A_677 = arith.constant 0 : i32
      %dma_wait3A_678 = tpu.memref_slice %dma_wait3A_675[%dma_wait3A_676, %dma_wait3A_677] : memref<1048576x8xf32, #tpu.memory_space<hbm>> -> memref<1048576x8xf32, #tpu.memory_space<hbm>>
      tpu.wait_indirect_dma semaphore(%arg16 : memref<!tpu.dma_semaphore, #tpu.memory_space<semaphore_mem>>) src(%dma_wait3A_678 : memref<1048576x8xf32, #tpu.memory_space<hbm>>) dst(%dma_wait3A_668 : memref<128x8xf32, #tpu.memory_space<vmem>>)
      %dma_wait3A_679 = arith.constant 1 : i32
      %dma_wait3A_680 = arith.constant 1 : i32
      %dma_wait3A_681 = arith.constant 0 : i32
      %dma_wait3A_682 = arith.constant 0 : i32
      %dma_wait3A_683 = tpu.memref_slice %arg12[%dma_wait3A_680, %dma_wait3A_681, %dma_wait3A_682] : memref<2x512x8xf32, #tpu.memory_space<vmem>> -> memref<1x512x8xf32, #tpu.memory_space<vmem>>
      %dma_wait3A_684 = tpu.memref_squeeze %dma_wait3A_683 : memref<1x512x8xf32, #tpu.memory_space<vmem>> -> memref<512x8xf32, #tpu.memory_space<vmem>>
      %dma_wait3A_685 = arith.constant 128 : i32
      %dma_wait3A_686 = arith.constant 0 : i32
      %dma_wait3A_687 = tpu.memref_slice %dma_wait3A_684[%dma_wait3A_685, %dma_wait3A_686] : memref<512x8xf32, #tpu.memory_space<vmem>> -> memref<128x8xf32, #tpu.memory_space<vmem>>
      %dma_wait3A_688 = arith.constant 0 : i32
      %dma_wait3A_689 = tpu.memref_slice %arg10[%add3A_659, %dma_wait3A_688] : memref<104x128xi32, #tpu.memory_space<vmem>> -> memref<1x128xi32, #tpu.memory_space<vmem>>
      %dma_wait3A_690 = tpu.memref_squeeze %dma_wait3A_689 : memref<1x128xi32, #tpu.memory_space<vmem>> -> memref<128xi32, #tpu.memory_space<vmem>>
      %dma_wait3A_691 = arith.constant 0 : i32
      %dma_wait3A_692 = arith.constant 0 : i32
      %dma_wait3A_693 = tpu.memref_slice %arg4[%dma_wait3A_679, %dma_wait3A_691, %dma_wait3A_692] : memref<2x1048576x8xf32, #tpu.memory_space<hbm>> -> memref<1x1048576x8xf32, #tpu.memory_space<hbm>>
      %dma_wait3A_694 = tpu.memref_squeeze %dma_wait3A_693 : memref<1x1048576x8xf32, #tpu.memory_space<hbm>> -> memref<1048576x8xf32, #tpu.memory_space<hbm>>
      %dma_wait3A_695 = arith.constant 0 : i32
      %dma_wait3A_696 = arith.constant 0 : i32
      %dma_wait3A_697 = tpu.memref_slice %dma_wait3A_694[%dma_wait3A_695, %dma_wait3A_696] : memref<1048576x8xf32, #tpu.memory_space<hbm>> -> memref<1048576x8xf32, #tpu.memory_space<hbm>>
      tpu.wait_indirect_dma semaphore(%arg16 : memref<!tpu.dma_semaphore, #tpu.memory_space<semaphore_mem>>) src(%dma_wait3A_697 : memref<1048576x8xf32, #tpu.memory_space<hbm>>) dst(%dma_wait3A_687 : memref<128x8xf32, #tpu.memory_space<vmem>>)
      %mul3A_698 = arith.constant 4 : i32
      %mul3A_699 = arith.muli %add3A_613, %mul3A_698 : i32
      %add3A_700 = arith.constant 2 : i32
      %add3A_701 = arith.addi %mul3A_699, %add3A_700 : i32
      %dma_wait3A_702 = arith.constant 0 : i32
      %dma_wait3A_703 = arith.constant 1 : i32
      %dma_wait3A_704 = arith.constant 0 : i32
      %dma_wait3A_705 = arith.constant 0 : i32
      %dma_wait3A_706 = tpu.memref_slice %arg11[%dma_wait3A_703, %dma_wait3A_704, %dma_wait3A_705] : memref<2x512x8xf32, #tpu.memory_space<vmem>> -> memref<1x512x8xf32, #tpu.memory_space<vmem>>
      %dma_wait3A_707 = tpu.memref_squeeze %dma_wait3A_706 : memref<1x512x8xf32, #tpu.memory_space<vmem>> -> memref<512x8xf32, #tpu.memory_space<vmem>>
      %dma_wait3A_708 = arith.constant 256 : i32
      %dma_wait3A_709 = arith.constant 0 : i32
      %dma_wait3A_710 = tpu.memref_slice %dma_wait3A_707[%dma_wait3A_708, %dma_wait3A_709] : memref<512x8xf32, #tpu.memory_space<vmem>> -> memref<128x8xf32, #tpu.memory_space<vmem>>
      %dma_wait3A_711 = arith.constant 0 : i32
      %dma_wait3A_712 = tpu.memref_slice %arg10[%add3A_701, %dma_wait3A_711] : memref<104x128xi32, #tpu.memory_space<vmem>> -> memref<1x128xi32, #tpu.memory_space<vmem>>
      %dma_wait3A_713 = tpu.memref_squeeze %dma_wait3A_712 : memref<1x128xi32, #tpu.memory_space<vmem>> -> memref<128xi32, #tpu.memory_space<vmem>>
      %dma_wait3A_714 = arith.constant 0 : i32
      %dma_wait3A_715 = arith.constant 0 : i32
      %dma_wait3A_716 = tpu.memref_slice %arg4[%dma_wait3A_702, %dma_wait3A_714, %dma_wait3A_715] : memref<2x1048576x8xf32, #tpu.memory_space<hbm>> -> memref<1x1048576x8xf32, #tpu.memory_space<hbm>>
      %dma_wait3A_717 = tpu.memref_squeeze %dma_wait3A_716 : memref<1x1048576x8xf32, #tpu.memory_space<hbm>> -> memref<1048576x8xf32, #tpu.memory_space<hbm>>
      %dma_wait3A_718 = arith.constant 0 : i32
      %dma_wait3A_719 = arith.constant 0 : i32
      %dma_wait3A_720 = tpu.memref_slice %dma_wait3A_717[%dma_wait3A_718, %dma_wait3A_719] : memref<1048576x8xf32, #tpu.memory_space<hbm>> -> memref<1048576x8xf32, #tpu.memory_space<hbm>>
      tpu.wait_indirect_dma semaphore(%arg16 : memref<!tpu.dma_semaphore, #tpu.memory_space<semaphore_mem>>) src(%dma_wait3A_720 : memref<1048576x8xf32, #tpu.memory_space<hbm>>) dst(%dma_wait3A_710 : memref<128x8xf32, #tpu.memory_space<vmem>>)
      %dma_wait3A_721 = arith.constant 1 : i32
      %dma_wait3A_722 = arith.constant 1 : i32
      %dma_wait3A_723 = arith.constant 0 : i32
      %dma_wait3A_724 = arith.constant 0 : i32
      %dma_wait3A_725 = tpu.memref_slice %arg12[%dma_wait3A_722, %dma_wait3A_723, %dma_wait3A_724] : memref<2x512x8xf32, #tpu.memory_space<vmem>> -> memref<1x512x8xf32, #tpu.memory_space<vmem>>
      %dma_wait3A_726 = tpu.memref_squeeze %dma_wait3A_725 : memref<1x512x8xf32, #tpu.memory_space<vmem>> -> memref<512x8xf32, #tpu.memory_space<vmem>>
      %dma_wait3A_727 = arith.constant 256 : i32
      %dma_wait3A_728 = arith.constant 0 : i32
      %dma_wait3A_729 = tpu.memref_slice %dma_wait3A_726[%dma_wait3A_727, %dma_wait3A_728] : memref<512x8xf32, #tpu.memory_space<vmem>> -> memref<128x8xf32, #tpu.memory_space<vmem>>
      %dma_wait3A_730 = arith.constant 0 : i32
      %dma_wait3A_731 = tpu.memref_slice %arg10[%add3A_701, %dma_wait3A_730] : memref<104x128xi32, #tpu.memory_space<vmem>> -> memref<1x128xi32, #tpu.memory_space<vmem>>
      %dma_wait3A_732 = tpu.memref_squeeze %dma_wait3A_731 : memref<1x128xi32, #tpu.memory_space<vmem>> -> memref<128xi32, #tpu.memory_space<vmem>>
      %dma_wait3A_733 = arith.constant 0 : i32
      %dma_wait3A_734 = arith.constant 0 : i32
      %dma_wait3A_735 = tpu.memref_slice %arg4[%dma_wait3A_721, %dma_wait3A_733, %dma_wait3A_734] : memref<2x1048576x8xf32, #tpu.memory_space<hbm>> -> memref<1x1048576x8xf32, #tpu.memory_space<hbm>>
      %dma_wait3A_736 = tpu.memref_squeeze %dma_wait3A_735 : memref<1x1048576x8xf32, #tpu.memory_space<hbm>> -> memref<1048576x8xf32, #tpu.memory_space<hbm>>
      %dma_wait3A_737 = arith.constant 0 : i32
      %dma_wait3A_738 = arith.constant 0 : i32
      %dma_wait3A_739 = tpu.memref_slice %dma_wait3A_736[%dma_wait3A_737, %dma_wait3A_738] : memref<1048576x8xf32, #tpu.memory_space<hbm>> -> memref<1048576x8xf32, #tpu.memory_space<hbm>>
      tpu.wait_indirect_dma semaphore(%arg16 : memref<!tpu.dma_semaphore, #tpu.memory_space<semaphore_mem>>) src(%dma_wait3A_739 : memref<1048576x8xf32, #tpu.memory_space<hbm>>) dst(%dma_wait3A_729 : memref<128x8xf32, #tpu.memory_space<vmem>>)
      %mul3A_740 = arith.constant 4 : i32
      %mul3A_741 = arith.muli %add3A_613, %mul3A_740 : i32
      %add3A_742 = arith.constant 3 : i32
      %add3A_743 = arith.addi %mul3A_741, %add3A_742 : i32
      %dma_wait3A_744 = arith.constant 0 : i32
      %dma_wait3A_745 = arith.constant 1 : i32
      %dma_wait3A_746 = arith.constant 0 : i32
      %dma_wait3A_747 = arith.constant 0 : i32
      %dma_wait3A_748 = tpu.memref_slice %arg11[%dma_wait3A_745, %dma_wait3A_746, %dma_wait3A_747] : memref<2x512x8xf32, #tpu.memory_space<vmem>> -> memref<1x512x8xf32, #tpu.memory_space<vmem>>
      %dma_wait3A_749 = tpu.memref_squeeze %dma_wait3A_748 : memref<1x512x8xf32, #tpu.memory_space<vmem>> -> memref<512x8xf32, #tpu.memory_space<vmem>>
      %dma_wait3A_750 = arith.constant 384 : i32
      %dma_wait3A_751 = arith.constant 0 : i32
      %dma_wait3A_752 = tpu.memref_slice %dma_wait3A_749[%dma_wait3A_750, %dma_wait3A_751] : memref<512x8xf32, #tpu.memory_space<vmem>> -> memref<128x8xf32, #tpu.memory_space<vmem>>
      %dma_wait3A_753 = arith.constant 0 : i32
      %dma_wait3A_754 = tpu.memref_slice %arg10[%add3A_743, %dma_wait3A_753] : memref<104x128xi32, #tpu.memory_space<vmem>> -> memref<1x128xi32, #tpu.memory_space<vmem>>
      %dma_wait3A_755 = tpu.memref_squeeze %dma_wait3A_754 : memref<1x128xi32, #tpu.memory_space<vmem>> -> memref<128xi32, #tpu.memory_space<vmem>>
      %dma_wait3A_756 = arith.constant 0 : i32
      %dma_wait3A_757 = arith.constant 0 : i32
      %dma_wait3A_758 = tpu.memref_slice %arg4[%dma_wait3A_744, %dma_wait3A_756, %dma_wait3A_757] : memref<2x1048576x8xf32, #tpu.memory_space<hbm>> -> memref<1x1048576x8xf32, #tpu.memory_space<hbm>>
      %dma_wait3A_759 = tpu.memref_squeeze %dma_wait3A_758 : memref<1x1048576x8xf32, #tpu.memory_space<hbm>> -> memref<1048576x8xf32, #tpu.memory_space<hbm>>
      %dma_wait3A_760 = arith.constant 0 : i32
      %dma_wait3A_761 = arith.constant 0 : i32
      %dma_wait3A_762 = tpu.memref_slice %dma_wait3A_759[%dma_wait3A_760, %dma_wait3A_761] : memref<1048576x8xf32, #tpu.memory_space<hbm>> -> memref<1048576x8xf32, #tpu.memory_space<hbm>>
      tpu.wait_indirect_dma semaphore(%arg16 : memref<!tpu.dma_semaphore, #tpu.memory_space<semaphore_mem>>) src(%dma_wait3A_762 : memref<1048576x8xf32, #tpu.memory_space<hbm>>) dst(%dma_wait3A_752 : memref<128x8xf32, #tpu.memory_space<vmem>>)
      %dma_wait3A_763 = arith.constant 1 : i32
      %dma_wait3A_764 = arith.constant 1 : i32
      %dma_wait3A_765 = arith.constant 0 : i32
      %dma_wait3A_766 = arith.constant 0 : i32
      %dma_wait3A_767 = tpu.memref_slice %arg12[%dma_wait3A_764, %dma_wait3A_765, %dma_wait3A_766] : memref<2x512x8xf32, #tpu.memory_space<vmem>> -> memref<1x512x8xf32, #tpu.memory_space<vmem>>
      %dma_wait3A_768 = tpu.memref_squeeze %dma_wait3A_767 : memref<1x512x8xf32, #tpu.memory_space<vmem>> -> memref<512x8xf32, #tpu.memory_space<vmem>>
      %dma_wait3A_769 = arith.constant 384 : i32
      %dma_wait3A_770 = arith.constant 0 : i32
      %dma_wait3A_771 = tpu.memref_slice %dma_wait3A_768[%dma_wait3A_769, %dma_wait3A_770] : memref<512x8xf32, #tpu.memory_space<vmem>> -> memref<128x8xf32, #tpu.memory_space<vmem>>
      %dma_wait3A_772 = arith.constant 0 : i32
      %dma_wait3A_773 = tpu.memref_slice %arg10[%add3A_743, %dma_wait3A_772] : memref<104x128xi32, #tpu.memory_space<vmem>> -> memref<1x128xi32, #tpu.memory_space<vmem>>
      %dma_wait3A_774 = tpu.memref_squeeze %dma_wait3A_773 : memref<1x128xi32, #tpu.memory_space<vmem>> -> memref<128xi32, #tpu.memory_space<vmem>>
      %dma_wait3A_775 = arith.constant 0 : i32
      %dma_wait3A_776 = arith.constant 0 : i32
      %dma_wait3A_777 = tpu.memref_slice %arg4[%dma_wait3A_763, %dma_wait3A_775, %dma_wait3A_776] : memref<2x1048576x8xf32, #tpu.memory_space<hbm>> -> memref<1x1048576x8xf32, #tpu.memory_space<hbm>>
      %dma_wait3A_778 = tpu.memref_squeeze %dma_wait3A_777 : memref<1x1048576x8xf32, #tpu.memory_space<hbm>> -> memref<1048576x8xf32, #tpu.memory_space<hbm>>
      %dma_wait3A_779 = arith.constant 0 : i32
      %dma_wait3A_780 = arith.constant 0 : i32
      %dma_wait3A_781 = tpu.memref_slice %dma_wait3A_778[%dma_wait3A_779, %dma_wait3A_780] : memref<1048576x8xf32, #tpu.memory_space<hbm>> -> memref<1048576x8xf32, #tpu.memory_space<hbm>>
      tpu.wait_indirect_dma semaphore(%arg16 : memref<!tpu.dma_semaphore, #tpu.memory_space<semaphore_mem>>) src(%dma_wait3A_781 : memref<1048576x8xf32, #tpu.memory_space<hbm>>) dst(%dma_wait3A_771 : memref<128x8xf32, #tpu.memory_space<vmem>>)
      %add3A_782 = arith.constant 1 : i32
      %add3A_783 = arith.addi %mul3A_217, %add3A_782 : i32
      %mul3A_784 = arith.constant 512 : i32
      %mul3A_785 = arith.muli %add3A_783, %mul3A_784 : i32
      %add3A_786 = arith.addi %mul3A_4, %mul3A_785 : i32
      %run_scoped3A_787 = arith.constant 1 : i32
      "tpu.region"() ({
        %run_scoped3A_792 = tpu.sem_alloc : memref<!tpu.dma_semaphore, #tpu.memory_space<semaphore_mem>>
        %dma_start3A_793 = arith.constant 0 : i32
        %dma_start3A_794 = arith.constant 0 : i32
        %dma_start3A_795 = tpu.memref_slice %arg11[%run_scoped3A_787, %dma_start3A_793, %dma_start3A_794] : memref<2x512x8xf32, #tpu.memory_space<vmem>> -> memref<1x512x8xf32, #tpu.memory_space<vmem>>
        %dma_start3A_796 = tpu.memref_squeeze %dma_start3A_795 : memref<1x512x8xf32, #tpu.memory_space<vmem>> -> memref<512x8xf32, #tpu.memory_space<vmem>>
        %dma_start3A_797 = arith.constant 0 : i32
        %dma_start3A_798 = tpu.memref_slice %arg6[%add3A_786, %dma_start3A_797] : memref<425984x8xf32, #tpu.memory_space<hbm>> -> memref<512x8xf32, #tpu.memory_space<hbm>>
        %dma_start3A_799 = arith.constant 0 : i32
        %dma_start3A_800 = tpu.memref_slice %arg6[%add3A_786, %dma_start3A_799] : memref<425984x8xf32, #tpu.memory_space<hbm>> -> memref<512x8xf32, #tpu.memory_space<hbm>>
        %dma_start3A_801 = arith.constant 0 : i32
        %dma_start3A_802 = arith.constant 0 : i32
        %dma_start3A_803 = tpu.memref_slice %arg11[%run_scoped3A_787, %dma_start3A_801, %dma_start3A_802] : memref<2x512x8xf32, #tpu.memory_space<vmem>> -> memref<1x512x8xf32, #tpu.memory_space<vmem>>
        %dma_start3A_804 = tpu.memref_squeeze %dma_start3A_803 : memref<1x512x8xf32, #tpu.memory_space<vmem>> -> memref<512x8xf32, #tpu.memory_space<vmem>>
        tpu.enqueue_dma source(%dma_start3A_804 : memref<512x8xf32, #tpu.memory_space<vmem>>) target(%dma_start3A_800 : memref<512x8xf32, #tpu.memory_space<hbm>>) target_semaphore(%run_scoped3A_792 : memref<!tpu.dma_semaphore, #tpu.memory_space<semaphore_mem>>)
        %dma_wait3A_805 = arith.constant 0 : i32
        %dma_wait3A_806 = arith.constant 0 : i32
        %dma_wait3A_807 = tpu.memref_slice %arg11[%run_scoped3A_787, %dma_wait3A_805, %dma_wait3A_806] : memref<2x512x8xf32, #tpu.memory_space<vmem>> -> memref<1x512x8xf32, #tpu.memory_space<vmem>>
        %dma_wait3A_808 = tpu.memref_squeeze %dma_wait3A_807 : memref<1x512x8xf32, #tpu.memory_space<vmem>> -> memref<512x8xf32, #tpu.memory_space<vmem>>
        %dma_wait3A_809 = arith.constant 0 : i32
        %dma_wait3A_810 = tpu.memref_slice %arg6[%add3A_786, %dma_wait3A_809] : memref<425984x8xf32, #tpu.memory_space<hbm>> -> memref<512x8xf32, #tpu.memory_space<hbm>>
        %dma_wait3A_811 = arith.constant 0 : i32
        %dma_wait3A_812 = tpu.memref_slice %arg6[%add3A_786, %dma_wait3A_811] : memref<425984x8xf32, #tpu.memory_space<hbm>> -> memref<512x8xf32, #tpu.memory_space<hbm>>
        %dma_wait3A_813 = arith.constant 0 : i32
        %dma_wait3A_814 = arith.constant 0 : i32
        %dma_wait3A_815 = tpu.memref_slice %arg11[%run_scoped3A_787, %dma_wait3A_813, %dma_wait3A_814] : memref<2x512x8xf32, #tpu.memory_space<vmem>> -> memref<1x512x8xf32, #tpu.memory_space<vmem>>
        %dma_wait3A_816 = tpu.memref_squeeze %dma_wait3A_815 : memref<1x512x8xf32, #tpu.memory_space<vmem>> -> memref<512x8xf32, #tpu.memory_space<vmem>>
        tpu.wait_dma2 semaphore(%run_scoped3A_792 : memref<!tpu.dma_semaphore, #tpu.memory_space<semaphore_mem>>) src(%dma_wait3A_816 : memref<512x8xf32, #tpu.memory_space<vmem>>) dst(%dma_wait3A_812 : memref<512x8xf32, #tpu.memory_space<hbm>>)
        tpu.yield
      }) : () -> ()
      %mul3A_788 = arith.constant 512 : i32
      %mul3A_789 = arith.muli %add3A_783, %mul3A_788 : i32
      %add3A_790 = arith.addi %mul3A_4, %mul3A_789 : i32
      %run_scoped3A_791 = arith.constant 1 : i32
      "tpu.region"() ({
        %run_scoped3A_792 = tpu.sem_alloc : memref<!tpu.dma_semaphore, #tpu.memory_space<semaphore_mem>>
        %dma_start3A_793 = arith.constant 0 : i32
        %dma_start3A_794 = arith.constant 0 : i32
        %dma_start3A_795 = tpu.memref_slice %arg12[%run_scoped3A_791, %dma_start3A_793, %dma_start3A_794] : memref<2x512x8xf32, #tpu.memory_space<vmem>> -> memref<1x512x8xf32, #tpu.memory_space<vmem>>
        %dma_start3A_796 = tpu.memref_squeeze %dma_start3A_795 : memref<1x512x8xf32, #tpu.memory_space<vmem>> -> memref<512x8xf32, #tpu.memory_space<vmem>>
        %dma_start3A_797 = arith.constant 0 : i32
        %dma_start3A_798 = tpu.memref_slice %arg7[%add3A_790, %dma_start3A_797] : memref<425984x8xf32, #tpu.memory_space<hbm>> -> memref<512x8xf32, #tpu.memory_space<hbm>>
        %dma_start3A_799 = arith.constant 0 : i32
        %dma_start3A_800 = tpu.memref_slice %arg7[%add3A_790, %dma_start3A_799] : memref<425984x8xf32, #tpu.memory_space<hbm>> -> memref<512x8xf32, #tpu.memory_space<hbm>>
        %dma_start3A_801 = arith.constant 0 : i32
        %dma_start3A_802 = arith.constant 0 : i32
        %dma_start3A_803 = tpu.memref_slice %arg12[%run_scoped3A_791, %dma_start3A_801, %dma_start3A_802] : memref<2x512x8xf32, #tpu.memory_space<vmem>> -> memref<1x512x8xf32, #tpu.memory_space<vmem>>
        %dma_start3A_804 = tpu.memref_squeeze %dma_start3A_803 : memref<1x512x8xf32, #tpu.memory_space<vmem>> -> memref<512x8xf32, #tpu.memory_space<vmem>>
        tpu.enqueue_dma source(%dma_start3A_804 : memref<512x8xf32, #tpu.memory_space<vmem>>) target(%dma_start3A_800 : memref<512x8xf32, #tpu.memory_space<hbm>>) target_semaphore(%run_scoped3A_792 : memref<!tpu.dma_semaphore, #tpu.memory_space<semaphore_mem>>)
        %dma_wait3A_805 = arith.constant 0 : i32
        %dma_wait3A_806 = arith.constant 0 : i32
        %dma_wait3A_807 = tpu.memref_slice %arg12[%run_scoped3A_791, %dma_wait3A_805, %dma_wait3A_806] : memref<2x512x8xf32, #tpu.memory_space<vmem>> -> memref<1x512x8xf32, #tpu.memory_space<vmem>>
        %dma_wait3A_808 = tpu.memref_squeeze %dma_wait3A_807 : memref<1x512x8xf32, #tpu.memory_space<vmem>> -> memref<512x8xf32, #tpu.memory_space<vmem>>
        %dma_wait3A_809 = arith.constant 0 : i32
        %dma_wait3A_810 = tpu.memref_slice %arg7[%add3A_790, %dma_wait3A_809] : memref<425984x8xf32, #tpu.memory_space<hbm>> -> memref<512x8xf32, #tpu.memory_space<hbm>>
        %dma_wait3A_811 = arith.constant 0 : i32
        %dma_wait3A_812 = tpu.memref_slice %arg7[%add3A_790, %dma_wait3A_811] : memref<425984x8xf32, #tpu.memory_space<hbm>> -> memref<512x8xf32, #tpu.memory_space<hbm>>
        %dma_wait3A_813 = arith.constant 0 : i32
        %dma_wait3A_814 = arith.constant 0 : i32
        %dma_wait3A_815 = tpu.memref_slice %arg12[%run_scoped3A_791, %dma_wait3A_813, %dma_wait3A_814] : memref<2x512x8xf32, #tpu.memory_space<vmem>> -> memref<1x512x8xf32, #tpu.memory_space<vmem>>
        %dma_wait3A_816 = tpu.memref_squeeze %dma_wait3A_815 : memref<1x512x8xf32, #tpu.memory_space<vmem>> -> memref<512x8xf32, #tpu.memory_space<vmem>>
        tpu.wait_dma2 semaphore(%run_scoped3A_792 : memref<!tpu.dma_semaphore, #tpu.memory_space<semaphore_mem>>) src(%dma_wait3A_816 : memref<512x8xf32, #tpu.memory_space<vmem>>) dst(%dma_wait3A_812 : memref<512x8xf32, #tpu.memory_space<hbm>>)
        tpu.yield
      }) : () -> ()
    }
    %scan3A_200 = arith.constant 13 : i32
    %scan3A_201 = arith.constant 0 : i32
    %scan3A_202 = arith.constant 0 : i32
    %scan3A_203 = arith.constant 104 : i32
    %scan3A_204 = arith.addi %scan3A_202, %scan3A_203 : i32
    %scan3A_205 = arith.constant 1 : i32
    scf.for %scan3A_215 = %scan3A_202 to %scan3A_204 step %scan3A_205  : i32 {
      %mul3A_216 = arith.constant 128 : i32
      %mul3A_217 = arith.muli %scan3A_215, %mul3A_216 : i32
      %dma_wait3A = tpu.memref_slice %arg13[%mul3A_217] : memref<13312xf32, #tpu.memory_space<vmem>> -> memref<128xf32, #tpu.memory_space<vmem>>
      %dma_wait3A_218 = arith.constant 0 : i32
      %dma_wait3A_219 = tpu.memref_slice %arg9[%scan3A_215, %dma_wait3A_218] : memref<104x128xi32, #tpu.memory_space<vmem>> -> memref<1x128xi32, #tpu.memory_space<vmem>>
      %dma_wait3A_220 = tpu.memref_squeeze %dma_wait3A_219 : memref<1x128xi32, #tpu.memory_space<vmem>> -> memref<128xi32, #tpu.memory_space<vmem>>
      %dma_wait3A_221 = arith.constant 0 : i32
      %dma_wait3A_222 = tpu.memref_slice %arg5[%dma_wait3A_221] : memref<1040000xf32, #tpu.memory_space<hbm>> -> memref<1040000xf32, #tpu.memory_space<hbm>>
      tpu.wait_indirect_dma semaphore(%arg17 : memref<!tpu.dma_semaphore, #tpu.memory_space<semaphore_mem>>) src(%dma_wait3A_222 : memref<1040000xf32, #tpu.memory_space<hbm>>) dst(%dma_wait3A : memref<128xf32, #tpu.memory_space<vmem>>)
    }
    %scan3A_206 = arith.constant 104 : i32
    %iota3A = tpu.iota {dimensions = array<i32: 0>} : vector<16xi32>
    %scan3A_207 = arith.constant 0 : i32
    %scan3A_208 = arith.constant 0 : i32
    %scan3A_209 = arith.constant 32 : i32
    %scan3A_210 = arith.addi %scan3A_208, %scan3A_209 : i32
    %scan3A_211 = arith.constant 1 : i32
    scf.for %scan3A_215 = %scan3A_208 to %scan3A_210 step %scan3A_211  : i32 {
      %broadcast_in_dim3A = arith.constant 0.000000e+00 : f32
      %broadcast_in_dim3A_216 = vector.broadcast %broadcast_in_dim3A : f32 to vector<16xf32>
      %mul3A_217 = arith.constant 16 : i32
      %mul3A_218 = arith.muli %scan3A_215, %mul3A_217 : i32
      %add3A_219 = vector.broadcast %mul3A_218 : i32 to vector<16xi32>
      %add3A_220 = arith.addi %add3A_219, %iota3A : vector<16xi32>
      %mul3A_221 = arith.constant 26 : i32
      %mul3A_222 = vector.broadcast %mul3A_221 : i32 to vector<16xi32>
      %mul3A_223 = arith.muli %add3A_220, %mul3A_222 : vector<16xi32>
      %add3A_224 = arith.constant 0 : i32
      %add3A_225 = vector.broadcast %add3A_224 : i32 to vector<16xi32>
      %add3A_226 = arith.addi %mul3A_223, %add3A_225 : vector<16xi32>
      %gather3A = tpu.vector_load_idx %arg13[%add3A_226] : memref<13312xf32, #tpu.memory_space<vmem>>[vector<16xi32>], vector<16xf32>,
      %add3A_227 = arith.addf %broadcast_in_dim3A_216, %gather3A : vector<16xf32>
      %mul3A_228 = arith.constant 16 : i32
      %mul3A_229 = arith.muli %scan3A_215, %mul3A_228 : i32
      %add3A_230 = vector.broadcast %mul3A_229 : i32 to vector<16xi32>
      %add3A_231 = arith.addi %add3A_230, %iota3A : vector<16xi32>
      %mul3A_232 = arith.constant 26 : i32
      %mul3A_233 = vector.broadcast %mul3A_232 : i32 to vector<16xi32>
      %mul3A_234 = arith.muli %add3A_231, %mul3A_233 : vector<16xi32>
      %add3A_235 = arith.constant 1 : i32
      %add3A_236 = vector.broadcast %add3A_235 : i32 to vector<16xi32>
      %add3A_237 = arith.addi %mul3A_234, %add3A_236 : vector<16xi32>
      %gather3A_238 = tpu.vector_load_idx %arg13[%add3A_237] : memref<13312xf32, #tpu.memory_space<vmem>>[vector<16xi32>], vector<16xf32>,
      %add3A_239 = arith.addf %add3A_227, %gather3A_238 : vector<16xf32>
      %mul3A_240 = arith.constant 16 : i32
      %mul3A_241 = arith.muli %scan3A_215, %mul3A_240 : i32
      %add3A_242 = vector.broadcast %mul3A_241 : i32 to vector<16xi32>
      %add3A_243 = arith.addi %add3A_242, %iota3A : vector<16xi32>
      %mul3A_244 = arith.constant 26 : i32
      %mul3A_245 = vector.broadcast %mul3A_244 : i32 to vector<16xi32>
      %mul3A_246 = arith.muli %add3A_243, %mul3A_245 : vector<16xi32>
      %add3A_247 = arith.constant 2 : i32
      %add3A_248 = vector.broadcast %add3A_247 : i32 to vector<16xi32>
      %add3A_249 = arith.addi %mul3A_246, %add3A_248 : vector<16xi32>
      %gather3A_250 = tpu.vector_load_idx %arg13[%add3A_249] : memref<13312xf32, #tpu.memory_space<vmem>>[vector<16xi32>], vector<16xf32>,
      %add3A_251 = arith.addf %add3A_239, %gather3A_250 : vector<16xf32>
      %mul3A_252 = arith.constant 16 : i32
      %mul3A_253 = arith.muli %scan3A_215, %mul3A_252 : i32
      %add3A_254 = vector.broadcast %mul3A_253 : i32 to vector<16xi32>
      %add3A_255 = arith.addi %add3A_254, %iota3A : vector<16xi32>
      %mul3A_256 = arith.constant 26 : i32
      %mul3A_257 = vector.broadcast %mul3A_256 : i32 to vector<16xi32>
      %mul3A_258 = arith.muli %add3A_255, %mul3A_257 : vector<16xi32>
      %add3A_259 = arith.constant 3 : i32
      %add3A_260 = vector.broadcast %add3A_259 : i32 to vector<16xi32>
      %add3A_261 = arith.addi %mul3A_258, %add3A_260 : vector<16xi32>
      %gather3A_262 = tpu.vector_load_idx %arg13[%add3A_261] : memref<13312xf32, #tpu.memory_space<vmem>>[vector<16xi32>], vector<16xf32>,
      %add3A_263 = arith.addf %add3A_251, %gather3A_262 : vector<16xf32>
      %mul3A_264 = arith.constant 16 : i32
      %mul3A_265 = arith.muli %scan3A_215, %mul3A_264 : i32
      %add3A_266 = vector.broadcast %mul3A_265 : i32 to vector<16xi32>
      %add3A_267 = arith.addi %add3A_266, %iota3A : vector<16xi32>
      %mul3A_268 = arith.constant 26 : i32
      %mul3A_269 = vector.broadcast %mul3A_268 : i32 to vector<16xi32>
      %mul3A_270 = arith.muli %add3A_267, %mul3A_269 : vector<16xi32>
      %add3A_271 = arith.constant 4 : i32
      %add3A_272 = vector.broadcast %add3A_271 : i32 to vector<16xi32>
      %add3A_273 = arith.addi %mul3A_270, %add3A_272 : vector<16xi32>
      %gather3A_274 = tpu.vector_load_idx %arg13[%add3A_273] : memref<13312xf32, #tpu.memory_space<vmem>>[vector<16xi32>], vector<16xf32>,
      %add3A_275 = arith.addf %add3A_263, %gather3A_274 : vector<16xf32>
      %mul3A_276 = arith.constant 16 : i32
      %mul3A_277 = arith.muli %scan3A_215, %mul3A_276 : i32
      %add3A_278 = vector.broadcast %mul3A_277 : i32 to vector<16xi32>
      %add3A_279 = arith.addi %add3A_278, %iota3A : vector<16xi32>
      %mul3A_280 = arith.constant 26 : i32
      %mul3A_281 = vector.broadcast %mul3A_280 : i32 to vector<16xi32>
      %mul3A_282 = arith.muli %add3A_279, %mul3A_281 : vector<16xi32>
      %add3A_283 = arith.constant 5 : i32
      %add3A_284 = vector.broadcast %add3A_283 : i32 to vector<16xi32>
      %add3A_285 = arith.addi %mul3A_282, %add3A_284 : vector<16xi32>
      %gather3A_286 = tpu.vector_load_idx %arg13[%add3A_285] : memref<13312xf32, #tpu.memory_space<vmem>>[vector<16xi32>], vector<16xf32>,
      %add3A_287 = arith.addf %add3A_275, %gather3A_286 : vector<16xf32>
      %mul3A_288 = arith.constant 16 : i32
      %mul3A_289 = arith.muli %scan3A_215, %mul3A_288 : i32
      %add3A_290 = vector.broadcast %mul3A_289 : i32 to vector<16xi32>
      %add3A_291 = arith.addi %add3A_290, %iota3A : vector<16xi32>
      %mul3A_292 = arith.constant 26 : i32
      %mul3A_293 = vector.broadcast %mul3A_292 : i32 to vector<16xi32>
      %mul3A_294 = arith.muli %add3A_291, %mul3A_293 : vector<16xi32>
      %add3A_295 = arith.constant 6 : i32
      %add3A_296 = vector.broadcast %add3A_295 : i32 to vector<16xi32>
      %add3A_297 = arith.addi %mul3A_294, %add3A_296 : vector<16xi32>
      %gather3A_298 = tpu.vector_load_idx %arg13[%add3A_297] : memref<13312xf32, #tpu.memory_space<vmem>>[vector<16xi32>], vector<16xf32>,
      %add3A_299 = arith.addf %add3A_287, %gather3A_298 : vector<16xf32>
      %mul3A_300 = arith.constant 16 : i32
      %mul3A_301 = arith.muli %scan3A_215, %mul3A_300 : i32
      %add3A_302 = vector.broadcast %mul3A_301 : i32 to vector<16xi32>
      %add3A_303 = arith.addi %add3A_302, %iota3A : vector<16xi32>
      %mul3A_304 = arith.constant 26 : i32
      %mul3A_305 = vector.broadcast %mul3A_304 : i32 to vector<16xi32>
      %mul3A_306 = arith.muli %add3A_303, %mul3A_305 : vector<16xi32>
      %add3A_307 = arith.constant 7 : i32
      %add3A_308 = vector.broadcast %add3A_307 : i32 to vector<16xi32>
      %add3A_309 = arith.addi %mul3A_306, %add3A_308 : vector<16xi32>
      %gather3A_310 = tpu.vector_load_idx %arg13[%add3A_309] : memref<13312xf32, #tpu.memory_space<vmem>>[vector<16xi32>], vector<16xf32>,
      %add3A_311 = arith.addf %add3A_299, %gather3A_310 : vector<16xf32>
      %mul3A_312 = arith.constant 16 : i32
      %mul3A_313 = arith.muli %scan3A_215, %mul3A_312 : i32
      %add3A_314 = vector.broadcast %mul3A_313 : i32 to vector<16xi32>
      %add3A_315 = arith.addi %add3A_314, %iota3A : vector<16xi32>
      %mul3A_316 = arith.constant 26 : i32
      %mul3A_317 = vector.broadcast %mul3A_316 : i32 to vector<16xi32>
      %mul3A_318 = arith.muli %add3A_315, %mul3A_317 : vector<16xi32>
      %add3A_319 = arith.constant 8 : i32
      %add3A_320 = vector.broadcast %add3A_319 : i32 to vector<16xi32>
      %add3A_321 = arith.addi %mul3A_318, %add3A_320 : vector<16xi32>
      %gather3A_322 = tpu.vector_load_idx %arg13[%add3A_321] : memref<13312xf32, #tpu.memory_space<vmem>>[vector<16xi32>], vector<16xf32>,
      %add3A_323 = arith.addf %add3A_311, %gather3A_322 : vector<16xf32>
      %mul3A_324 = arith.constant 16 : i32
      %mul3A_325 = arith.muli %scan3A_215, %mul3A_324 : i32
      %add3A_326 = vector.broadcast %mul3A_325 : i32 to vector<16xi32>
      %add3A_327 = arith.addi %add3A_326, %iota3A : vector<16xi32>
      %mul3A_328 = arith.constant 26 : i32
      %mul3A_329 = vector.broadcast %mul3A_328 : i32 to vector<16xi32>
      %mul3A_330 = arith.muli %add3A_327, %mul3A_329 : vector<16xi32>
      %add3A_331 = arith.constant 9 : i32
      %add3A_332 = vector.broadcast %add3A_331 : i32 to vector<16xi32>
      %add3A_333 = arith.addi %mul3A_330, %add3A_332 : vector<16xi32>
      %gather3A_334 = tpu.vector_load_idx %arg13[%add3A_333] : memref<13312xf32, #tpu.memory_space<vmem>>[vector<16xi32>], vector<16xf32>,
      %add3A_335 = arith.addf %add3A_323, %gather3A_334 : vector<16xf32>
      %mul3A_336 = arith.constant 16 : i32
      %mul3A_337 = arith.muli %scan3A_215, %mul3A_336 : i32
      %add3A_338 = vector.broadcast %mul3A_337 : i32 to vector<16xi32>
      %add3A_339 = arith.addi %add3A_338, %iota3A : vector<16xi32>
      %mul3A_340 = arith.constant 26 : i32
      %mul3A_341 = vector.broadcast %mul3A_340 : i32 to vector<16xi32>
      %mul3A_342 = arith.muli %add3A_339, %mul3A_341 : vector<16xi32>
      %add3A_343 = arith.constant 10 : i32
      %add3A_344 = vector.broadcast %add3A_343 : i32 to vector<16xi32>
      %add3A_345 = arith.addi %mul3A_342, %add3A_344 : vector<16xi32>
      %gather3A_346 = tpu.vector_load_idx %arg13[%add3A_345] : memref<13312xf32, #tpu.memory_space<vmem>>[vector<16xi32>], vector<16xf32>,
      %add3A_347 = arith.addf %add3A_335, %gather3A_346 : vector<16xf32>
      %mul3A_348 = arith.constant 16 : i32
      %mul3A_349 = arith.muli %scan3A_215, %mul3A_348 : i32
      %add3A_350 = vector.broadcast %mul3A_349 : i32 to vector<16xi32>
      %add3A_351 = arith.addi %add3A_350, %iota3A : vector<16xi32>
      %mul3A_352 = arith.constant 26 : i32
      %mul3A_353 = vector.broadcast %mul3A_352 : i32 to vector<16xi32>
      %mul3A_354 = arith.muli %add3A_351, %mul3A_353 : vector<16xi32>
      %add3A_355 = arith.constant 11 : i32
      %add3A_356 = vector.broadcast %add3A_355 : i32 to vector<16xi32>
      %add3A_357 = arith.addi %mul3A_354, %add3A_356 : vector<16xi32>
      %gather3A_358 = tpu.vector_load_idx %arg13[%add3A_357] : memref<13312xf32, #tpu.memory_space<vmem>>[vector<16xi32>], vector<16xf32>,
      %add3A_359 = arith.addf %add3A_347, %gather3A_358 : vector<16xf32>
      %mul3A_360 = arith.constant 16 : i32
      %mul3A_361 = arith.muli %scan3A_215, %mul3A_360 : i32
      %add3A_362 = vector.broadcast %mul3A_361 : i32 to vector<16xi32>
      %add3A_363 = arith.addi %add3A_362, %iota3A : vector<16xi32>
      %mul3A_364 = arith.constant 26 : i32
      %mul3A_365 = vector.broadcast %mul3A_364 : i32 to vector<16xi32>
      %mul3A_366 = arith.muli %add3A_363, %mul3A_365 : vector<16xi32>
      %add3A_367 = arith.constant 12 : i32
      %add3A_368 = vector.broadcast %add3A_367 : i32 to vector<16xi32>
      %add3A_369 = arith.addi %mul3A_366, %add3A_368 : vector<16xi32>
      %gather3A_370 = tpu.vector_load_idx %arg13[%add3A_369] : memref<13312xf32, #tpu.memory_space<vmem>>[vector<16xi32>], vector<16xf32>,
      %add3A_371 = arith.addf %add3A_359, %gather3A_370 : vector<16xf32>
      %mul3A_372 = arith.constant 16 : i32
      %mul3A_373 = arith.muli %scan3A_215, %mul3A_372 : i32
      %add3A_374 = vector.broadcast %mul3A_373 : i32 to vector<16xi32>
      %add3A_375 = arith.addi %add3A_374, %iota3A : vector<16xi32>
      %mul3A_376 = arith.constant 26 : i32
      %mul3A_377 = vector.broadcast %mul3A_376 : i32 to vector<16xi32>
      %mul3A_378 = arith.muli %add3A_375, %mul3A_377 : vector<16xi32>
      %add3A_379 = arith.constant 13 : i32
      %add3A_380 = vector.broadcast %add3A_379 : i32 to vector<16xi32>
      %add3A_381 = arith.addi %mul3A_378, %add3A_380 : vector<16xi32>
      %gather3A_382 = tpu.vector_load_idx %arg13[%add3A_381] : memref<13312xf32, #tpu.memory_space<vmem>>[vector<16xi32>], vector<16xf32>,
      %add3A_383 = arith.addf %add3A_371, %gather3A_382 : vector<16xf32>
      %mul3A_384 = arith.constant 16 : i32
      %mul3A_385 = arith.muli %scan3A_215, %mul3A_384 : i32
      %add3A_386 = vector.broadcast %mul3A_385 : i32 to vector<16xi32>
      %add3A_387 = arith.addi %add3A_386, %iota3A : vector<16xi32>
      %mul3A_388 = arith.constant 26 : i32
      %mul3A_389 = vector.broadcast %mul3A_388 : i32 to vector<16xi32>
      %mul3A_390 = arith.muli %add3A_387, %mul3A_389 : vector<16xi32>
      %add3A_391 = arith.constant 14 : i32
      %add3A_392 = vector.broadcast %add3A_391 : i32 to vector<16xi32>
      %add3A_393 = arith.addi %mul3A_390, %add3A_392 : vector<16xi32>
      %gather3A_394 = tpu.vector_load_idx %arg13[%add3A_393] : memref<13312xf32, #tpu.memory_space<vmem>>[vector<16xi32>], vector<16xf32>,
      %add3A_395 = arith.addf %add3A_383, %gather3A_394 : vector<16xf32>
      %mul3A_396 = arith.constant 16 : i32
      %mul3A_397 = arith.muli %scan3A_215, %mul3A_396 : i32
      %add3A_398 = vector.broadcast %mul3A_397 : i32 to vector<16xi32>
      %add3A_399 = arith.addi %add3A_398, %iota3A : vector<16xi32>
      %mul3A_400 = arith.constant 26 : i32
      %mul3A_401 = vector.broadcast %mul3A_400 : i32 to vector<16xi32>
      %mul3A_402 = arith.muli %add3A_399, %mul3A_401 : vector<16xi32>
      %add3A_403 = arith.constant 15 : i32
      %add3A_404 = vector.broadcast %add3A_403 : i32 to vector<16xi32>
      %add3A_405 = arith.addi %mul3A_402, %add3A_404 : vector<16xi32>
      %gather3A_406 = tpu.vector_load_idx %arg13[%add3A_405] : memref<13312xf32, #tpu.memory_space<vmem>>[vector<16xi32>], vector<16xf32>,
      %add3A_407 = arith.addf %add3A_395, %gather3A_406 : vector<16xf32>
      %mul3A_408 = arith.constant 16 : i32
      %mul3A_409 = arith.muli %scan3A_215, %mul3A_408 : i32
      %add3A_410 = vector.broadcast %mul3A_409 : i32 to vector<16xi32>
      %add3A_411 = arith.addi %add3A_410, %iota3A : vector<16xi32>
      %mul3A_412 = arith.constant 26 : i32
      %mul3A_413 = vector.broadcast %mul3A_412 : i32 to vector<16xi32>
      %mul3A_414 = arith.muli %add3A_411, %mul3A_413 : vector<16xi32>
      %add3A_415 = arith.constant 16 : i32
      %add3A_416 = vector.broadcast %add3A_415 : i32 to vector<16xi32>
      %add3A_417 = arith.addi %mul3A_414, %add3A_416 : vector<16xi32>
      %gather3A_418 = tpu.vector_load_idx %arg13[%add3A_417] : memref<13312xf32, #tpu.memory_space<vmem>>[vector<16xi32>], vector<16xf32>,
      %add3A_419 = arith.addf %add3A_407, %gather3A_418 : vector<16xf32>
      %mul3A_420 = arith.constant 16 : i32
      %mul3A_421 = arith.muli %scan3A_215, %mul3A_420 : i32
      %add3A_422 = vector.broadcast %mul3A_421 : i32 to vector<16xi32>
      %add3A_423 = arith.addi %add3A_422, %iota3A : vector<16xi32>
      %mul3A_424 = arith.constant 26 : i32
      %mul3A_425 = vector.broadcast %mul3A_424 : i32 to vector<16xi32>
      %mul3A_426 = arith.muli %add3A_423, %mul3A_425 : vector<16xi32>
      %add3A_427 = arith.constant 17 : i32
      %add3A_428 = vector.broadcast %add3A_427 : i32 to vector<16xi32>
      %add3A_429 = arith.addi %mul3A_426, %add3A_428 : vector<16xi32>
      %gather3A_430 = tpu.vector_load_idx %arg13[%add3A_429] : memref<13312xf32, #tpu.memory_space<vmem>>[vector<16xi32>], vector<16xf32>,
      %add3A_431 = arith.addf %add3A_419, %gather3A_430 : vector<16xf32>
      %mul3A_432 = arith.constant 16 : i32
      %mul3A_433 = arith.muli %scan3A_215, %mul3A_432 : i32
      %add3A_434 = vector.broadcast %mul3A_433 : i32 to vector<16xi32>
      %add3A_435 = arith.addi %add3A_434, %iota3A : vector<16xi32>
      %mul3A_436 = arith.constant 26 : i32
      %mul3A_437 = vector.broadcast %mul3A_436 : i32 to vector<16xi32>
      %mul3A_438 = arith.muli %add3A_435, %mul3A_437 : vector<16xi32>
      %add3A_439 = arith.constant 18 : i32
      %add3A_440 = vector.broadcast %add3A_439 : i32 to vector<16xi32>
      %add3A_441 = arith.addi %mul3A_438, %add3A_440 : vector<16xi32>
      %gather3A_442 = tpu.vector_load_idx %arg13[%add3A_441] : memref<13312xf32, #tpu.memory_space<vmem>>[vector<16xi32>], vector<16xf32>,
      %add3A_443 = arith.addf %add3A_431, %gather3A_442 : vector<16xf32>
      %mul3A_444 = arith.constant 16 : i32
      %mul3A_445 = arith.muli %scan3A_215, %mul3A_444 : i32
      %add3A_446 = vector.broadcast %mul3A_445 : i32 to vector<16xi32>
      %add3A_447 = arith.addi %add3A_446, %iota3A : vector<16xi32>
      %mul3A_448 = arith.constant 26 : i32
      %mul3A_449 = vector.broadcast %mul3A_448 : i32 to vector<16xi32>
      %mul3A_450 = arith.muli %add3A_447, %mul3A_449 : vector<16xi32>
      %add3A_451 = arith.constant 19 : i32
      %add3A_452 = vector.broadcast %add3A_451 : i32 to vector<16xi32>
      %add3A_453 = arith.addi %mul3A_450, %add3A_452 : vector<16xi32>
      %gather3A_454 = tpu.vector_load_idx %arg13[%add3A_453] : memref<13312xf32, #tpu.memory_space<vmem>>[vector<16xi32>], vector<16xf32>,
      %add3A_455 = arith.addf %add3A_443, %gather3A_454 : vector<16xf32>
      %mul3A_456 = arith.constant 16 : i32
      %mul3A_457 = arith.muli %scan3A_215, %mul3A_456 : i32
      %add3A_458 = vector.broadcast %mul3A_457 : i32 to vector<16xi32>
      %add3A_459 = arith.addi %add3A_458, %iota3A : vector<16xi32>
      %mul3A_460 = arith.constant 26 : i32
      %mul3A_461 = vector.broadcast %mul3A_460 : i32 to vector<16xi32>
      %mul3A_462 = arith.muli %add3A_459, %mul3A_461 : vector<16xi32>
      %add3A_463 = arith.constant 20 : i32
      %add3A_464 = vector.broadcast %add3A_463 : i32 to vector<16xi32>
      %add3A_465 = arith.addi %mul3A_462, %add3A_464 : vector<16xi32>
      %gather3A_466 = tpu.vector_load_idx %arg13[%add3A_465] : memref<13312xf32, #tpu.memory_space<vmem>>[vector<16xi32>], vector<16xf32>,
      %add3A_467 = arith.addf %add3A_455, %gather3A_466 : vector<16xf32>
      %mul3A_468 = arith.constant 16 : i32
      %mul3A_469 = arith.muli %scan3A_215, %mul3A_468 : i32
      %add3A_470 = vector.broadcast %mul3A_469 : i32 to vector<16xi32>
      %add3A_471 = arith.addi %add3A_470, %iota3A : vector<16xi32>
      %mul3A_472 = arith.constant 26 : i32
      %mul3A_473 = vector.broadcast %mul3A_472 : i32 to vector<16xi32>
      %mul3A_474 = arith.muli %add3A_471, %mul3A_473 : vector<16xi32>
      %add3A_475 = arith.constant 21 : i32
      %add3A_476 = vector.broadcast %add3A_475 : i32 to vector<16xi32>
      %add3A_477 = arith.addi %mul3A_474, %add3A_476 : vector<16xi32>
      %gather3A_478 = tpu.vector_load_idx %arg13[%add3A_477] : memref<13312xf32, #tpu.memory_space<vmem>>[vector<16xi32>], vector<16xf32>,
      %add3A_479 = arith.addf %add3A_467, %gather3A_478 : vector<16xf32>
      %mul3A_480 = arith.constant 16 : i32
      %mul3A_481 = arith.muli %scan3A_215, %mul3A_480 : i32
      %add3A_482 = vector.broadcast %mul3A_481 : i32 to vector<16xi32>
      %add3A_483 = arith.addi %add3A_482, %iota3A : vector<16xi32>
      %mul3A_484 = arith.constant 26 : i32
      %mul3A_485 = vector.broadcast %mul3A_484 : i32 to vector<16xi32>
      %mul3A_486 = arith.muli %add3A_483, %mul3A_485 : vector<16xi32>
      %add3A_487 = arith.constant 22 : i32
      %add3A_488 = vector.broadcast %add3A_487 : i32 to vector<16xi32>
      %add3A_489 = arith.addi %mul3A_486, %add3A_488 : vector<16xi32>
      %gather3A_490 = tpu.vector_load_idx %arg13[%add3A_489] : memref<13312xf32, #tpu.memory_space<vmem>>[vector<16xi32>], vector<16xf32>,
      %add3A_491 = arith.addf %add3A_479, %gather3A_490 : vector<16xf32>
      %mul3A_492 = arith.constant 16 : i32
      %mul3A_493 = arith.muli %scan3A_215, %mul3A_492 : i32
      %add3A_494 = vector.broadcast %mul3A_493 : i32 to vector<16xi32>
      %add3A_495 = arith.addi %add3A_494, %iota3A : vector<16xi32>
      %mul3A_496 = arith.constant 26 : i32
      %mul3A_497 = vector.broadcast %mul3A_496 : i32 to vector<16xi32>
      %mul3A_498 = arith.muli %add3A_495, %mul3A_497 : vector<16xi32>
      %add3A_499 = arith.constant 23 : i32
      %add3A_500 = vector.broadcast %add3A_499 : i32 to vector<16xi32>
      %add3A_501 = arith.addi %mul3A_498, %add3A_500 : vector<16xi32>
      %gather3A_502 = tpu.vector_load_idx %arg13[%add3A_501] : memref<13312xf32, #tpu.memory_space<vmem>>[vector<16xi32>], vector<16xf32>,
      %add3A_503 = arith.addf %add3A_491, %gather3A_502 : vector<16xf32>
      %mul3A_504 = arith.constant 16 : i32
      %mul3A_505 = arith.muli %scan3A_215, %mul3A_504 : i32
      %add3A_506 = vector.broadcast %mul3A_505 : i32 to vector<16xi32>
      %add3A_507 = arith.addi %add3A_506, %iota3A : vector<16xi32>
      %mul3A_508 = arith.constant 26 : i32
      %mul3A_509 = vector.broadcast %mul3A_508 : i32 to vector<16xi32>
      %mul3A_510 = arith.muli %add3A_507, %mul3A_509 : vector<16xi32>
      %add3A_511 = arith.constant 24 : i32
      %add3A_512 = vector.broadcast %add3A_511 : i32 to vector<16xi32>
      %add3A_513 = arith.addi %mul3A_510, %add3A_512 : vector<16xi32>
      %gather3A_514 = tpu.vector_load_idx %arg13[%add3A_513] : memref<13312xf32, #tpu.memory_space<vmem>>[vector<16xi32>], vector<16xf32>,
      %add3A_515 = arith.addf %add3A_503, %gather3A_514 : vector<16xf32>
      %mul3A_516 = arith.constant 16 : i32
      %mul3A_517 = arith.muli %scan3A_215, %mul3A_516 : i32
      %add3A_518 = vector.broadcast %mul3A_517 : i32 to vector<16xi32>
      %add3A_519 = arith.addi %add3A_518, %iota3A : vector<16xi32>
      %mul3A_520 = arith.constant 26 : i32
      %mul3A_521 = vector.broadcast %mul3A_520 : i32 to vector<16xi32>
      %mul3A_522 = arith.muli %add3A_519, %mul3A_521 : vector<16xi32>
      %add3A_523 = arith.constant 25 : i32
      %add3A_524 = vector.broadcast %add3A_523 : i32 to vector<16xi32>
      %add3A_525 = arith.addi %mul3A_522, %add3A_524 : vector<16xi32>
      %gather3A_526 = tpu.vector_load_idx %arg13[%add3A_525] : memref<13312xf32, #tpu.memory_space<vmem>>[vector<16xi32>], vector<16xf32>,
      %add3A_527 = arith.addf %add3A_515, %gather3A_526 : vector<16xf32>
      %mul3A_528 = arith.constant 16 : i32
      %mul3A_529 = arith.muli %scan3A_215, %mul3A_528 : i32
      %swap3A = arith.index_cast %mul3A_529 : i32 to index
      %swap3A_530 = tpu.vector_load %arg14[%swap3A] {strides = array<i32>} : memref<512xf32, #tpu.memory_space<vmem>>, vector<16xf32>,
      tpu.vector_store %arg14[%swap3A], %add3A_527 {strides = array<i32>} : memref<512xf32, #tpu.memory_space<vmem>>, vector<16xf32>,
    }
    %scan3A_212 = arith.constant 32 : i32
    %mul3A_213 = arith.constant 512 : i32
    %mul3A_214 = arith.muli %add3A, %mul3A_213 : i32
    "tpu.region"() ({
      %run_scoped3A = tpu.sem_alloc : memref<!tpu.dma_semaphore, #tpu.memory_space<semaphore_mem>>
      %dma_start3A_215 = tpu.memref_slice %arg8[%mul3A_214] : memref<16384xf32, #tpu.memory_space<hbm>> -> memref<512xf32, #tpu.memory_space<hbm>>
      %dma_start3A_216 = tpu.memref_slice %arg8[%mul3A_214] : memref<16384xf32, #tpu.memory_space<hbm>> -> memref<512xf32, #tpu.memory_space<hbm>>
      tpu.enqueue_dma source(%arg14 : memref<512xf32, #tpu.memory_space<vmem>>) target(%dma_start3A_216 : memref<512xf32, #tpu.memory_space<hbm>>) target_semaphore(%run_scoped3A : memref<!tpu.dma_semaphore, #tpu.memory_space<semaphore_mem>>)
      %dma_wait3A = tpu.memref_slice %arg8[%mul3A_214] : memref<16384xf32, #tpu.memory_space<hbm>> -> memref<512xf32, #tpu.memory_space<hbm>>
      %dma_wait3A_217 = tpu.memref_slice %arg8[%mul3A_214] : memref<16384xf32, #tpu.memory_space<hbm>> -> memref<512xf32, #tpu.memory_space<hbm>>
      tpu.wait_dma2 semaphore(%run_scoped3A : memref<!tpu.dma_semaphore, #tpu.memory_space<semaphore_mem>>) src(%arg14 : memref<512xf32, #tpu.memory_space<vmem>>) dst(%dma_wait3A_217 : memref<512xf32, #tpu.memory_space<hbm>>)
      tpu.yield
    }) : () -> ()
    return
  }
}

module attributes {stable_mosaic.version = 14 : i64} {
  func.func @_trans_body(%arg0: i32, %arg1: memref<2x128x8x128xf32, #tpu.memory_space<vmem>>, %arg2: memref<2x8x128x128xf32, #tpu.memory_space<vmem>>) attributes {dimension_semantics = [#tpu.dimension_semantics<arbitrary>], iteration_bounds = array<i64: 64>, scalar_prefetch = 0 : i64, scratch_operands = 0 : i64, tpu.core_type = #tpu.core_type<tc>, window_params = [{transform_indices = @transform_0, window_bounds = array<i64: 2, 128, 8, 128>}, {transform_indices = @transform_1, window_bounds = array<i64: 2, 8, 128, 128>}]} {
    %get3A = arith.constant 0 : index
    %get3A_0 = arith.constant 0 : index
    %get3A_1 = arith.constant 0 : index
    %get3A_2 = arith.constant 0 : index
    %get3A_3 = vector.load %arg1[%get3A, %get3A_0, %get3A_1, %get3A_2] : memref<2x128x8x128xf32, #tpu.memory_space<vmem>>, vector<2x128x8x128xf32>
    %slice3A = vector.extract_strided_slice %get3A_3 {offsets = [0, 0, 0, 0], sizes = [2, 16, 8, 128], strides = [1, 1, 1, 1]} : vector<2x128x8x128xf32> to vector<2x16x8x128xf32>
    %reshape3A = vector.shape_cast %slice3A : vector<2x16x8x128xf32> to vector<2x128x128xf32>
    %transpose3A = tpu.transpose %reshape3A, [0, 2, 1] : vector<2x128x128xf32> -> vector<2x128x128xf32>
    %swap3A = arith.constant 0 : index
    %swap3A_4 = arith.constant 0 : index
    %swap3A_5 = arith.constant 0 : index
    %swap3A_6 = arith.constant 0 : index
    %swap3A_7 = vector.load %arg2[%swap3A, %swap3A_4, %swap3A_5, %swap3A_6] : memref<2x8x128x128xf32, #tpu.memory_space<vmem>>, vector<2x1x128x128xf32>
    %swap3A_8 = vector.shape_cast %swap3A_7 : vector<2x1x128x128xf32> to vector<2x128x128xf32>
    %swap3A_9 = vector.shape_cast %transpose3A : vector<2x128x128xf32> to vector<2x1x128x128xf32>
    tpu.vector_store %arg2[%swap3A, %swap3A_4, %swap3A_5, %swap3A_6], %swap3A_9 {strides = array<i32>} : memref<2x8x128x128xf32, #tpu.memory_space<vmem>>, vector<2x1x128x128xf32>,
    %slice3A_10 = vector.extract_strided_slice %get3A_3 {offsets = [0, 16, 0, 0], sizes = [2, 16, 8, 128], strides = [1, 1, 1, 1]} : vector<2x128x8x128xf32> to vector<2x16x8x128xf32>
    %reshape3A_11 = vector.shape_cast %slice3A_10 : vector<2x16x8x128xf32> to vector<2x128x128xf32>
    %transpose3A_12 = tpu.transpose %reshape3A_11, [0, 2, 1] : vector<2x128x128xf32> -> vector<2x128x128xf32>
    %swap3A_13 = arith.constant 0 : index
    %swap3A_14 = arith.constant 1 : index
    %swap3A_15 = arith.constant 0 : index
    %swap3A_16 = arith.constant 0 : index
    %swap3A_17 = vector.load %arg2[%swap3A_13, %swap3A_14, %swap3A_15, %swap3A_16] : memref<2x8x128x128xf32, #tpu.memory_space<vmem>>, vector<2x1x128x128xf32>
    %swap3A_18 = vector.shape_cast %swap3A_17 : vector<2x1x128x128xf32> to vector<2x128x128xf32>
    %swap3A_19 = vector.shape_cast %transpose3A_12 : vector<2x128x128xf32> to vector<2x1x128x128xf32>
    tpu.vector_store %arg2[%swap3A_13, %swap3A_14, %swap3A_15, %swap3A_16], %swap3A_19 {strides = array<i32>} : memref<2x8x128x128xf32, #tpu.memory_space<vmem>>, vector<2x1x128x128xf32>,
    %slice3A_20 = vector.extract_strided_slice %get3A_3 {offsets = [0, 32, 0, 0], sizes = [2, 16, 8, 128], strides = [1, 1, 1, 1]} : vector<2x128x8x128xf32> to vector<2x16x8x128xf32>
    %reshape3A_21 = vector.shape_cast %slice3A_20 : vector<2x16x8x128xf32> to vector<2x128x128xf32>
    %transpose3A_22 = tpu.transpose %reshape3A_21, [0, 2, 1] : vector<2x128x128xf32> -> vector<2x128x128xf32>
    %swap3A_23 = arith.constant 0 : index
    %swap3A_24 = arith.constant 2 : index
    %swap3A_25 = arith.constant 0 : index
    %swap3A_26 = arith.constant 0 : index
    %swap3A_27 = vector.load %arg2[%swap3A_23, %swap3A_24, %swap3A_25, %swap3A_26] : memref<2x8x128x128xf32, #tpu.memory_space<vmem>>, vector<2x1x128x128xf32>
    %swap3A_28 = vector.shape_cast %swap3A_27 : vector<2x1x128x128xf32> to vector<2x128x128xf32>
    %swap3A_29 = vector.shape_cast %transpose3A_22 : vector<2x128x128xf32> to vector<2x1x128x128xf32>
    tpu.vector_store %arg2[%swap3A_23, %swap3A_24, %swap3A_25, %swap3A_26], %swap3A_29 {strides = array<i32>} : memref<2x8x128x128xf32, #tpu.memory_space<vmem>>, vector<2x1x128x128xf32>,
    %slice3A_30 = vector.extract_strided_slice %get3A_3 {offsets = [0, 48, 0, 0], sizes = [2, 16, 8, 128], strides = [1, 1, 1, 1]} : vector<2x128x8x128xf32> to vector<2x16x8x128xf32>
    %reshape3A_31 = vector.shape_cast %slice3A_30 : vector<2x16x8x128xf32> to vector<2x128x128xf32>
    %transpose3A_32 = tpu.transpose %reshape3A_31, [0, 2, 1] : vector<2x128x128xf32> -> vector<2x128x128xf32>
    %swap3A_33 = arith.constant 0 : index
    %swap3A_34 = arith.constant 3 : index
    %swap3A_35 = arith.constant 0 : index
    %swap3A_36 = arith.constant 0 : index
    %swap3A_37 = vector.load %arg2[%swap3A_33, %swap3A_34, %swap3A_35, %swap3A_36] : memref<2x8x128x128xf32, #tpu.memory_space<vmem>>, vector<2x1x128x128xf32>
    %swap3A_38 = vector.shape_cast %swap3A_37 : vector<2x1x128x128xf32> to vector<2x128x128xf32>
    %swap3A_39 = vector.shape_cast %transpose3A_32 : vector<2x128x128xf32> to vector<2x1x128x128xf32>
    tpu.vector_store %arg2[%swap3A_33, %swap3A_34, %swap3A_35, %swap3A_36], %swap3A_39 {strides = array<i32>} : memref<2x8x128x128xf32, #tpu.memory_space<vmem>>, vector<2x1x128x128xf32>,
    %slice3A_40 = vector.extract_strided_slice %get3A_3 {offsets = [0, 64, 0, 0], sizes = [2, 16, 8, 128], strides = [1, 1, 1, 1]} : vector<2x128x8x128xf32> to vector<2x16x8x128xf32>
    %reshape3A_41 = vector.shape_cast %slice3A_40 : vector<2x16x8x128xf32> to vector<2x128x128xf32>
    %transpose3A_42 = tpu.transpose %reshape3A_41, [0, 2, 1] : vector<2x128x128xf32> -> vector<2x128x128xf32>
    %swap3A_43 = arith.constant 0 : index
    %swap3A_44 = arith.constant 4 : index
    %swap3A_45 = arith.constant 0 : index
    %swap3A_46 = arith.constant 0 : index
    %swap3A_47 = vector.load %arg2[%swap3A_43, %swap3A_44, %swap3A_45, %swap3A_46] : memref<2x8x128x128xf32, #tpu.memory_space<vmem>>, vector<2x1x128x128xf32>
    %swap3A_48 = vector.shape_cast %swap3A_47 : vector<2x1x128x128xf32> to vector<2x128x128xf32>
    %swap3A_49 = vector.shape_cast %transpose3A_42 : vector<2x128x128xf32> to vector<2x1x128x128xf32>
    tpu.vector_store %arg2[%swap3A_43, %swap3A_44, %swap3A_45, %swap3A_46], %swap3A_49 {strides = array<i32>} : memref<2x8x128x128xf32, #tpu.memory_space<vmem>>, vector<2x1x128x128xf32>,
    %slice3A_50 = vector.extract_strided_slice %get3A_3 {offsets = [0, 80, 0, 0], sizes = [2, 16, 8, 128], strides = [1, 1, 1, 1]} : vector<2x128x8x128xf32> to vector<2x16x8x128xf32>
    %reshape3A_51 = vector.shape_cast %slice3A_50 : vector<2x16x8x128xf32> to vector<2x128x128xf32>
    %transpose3A_52 = tpu.transpose %reshape3A_51, [0, 2, 1] : vector<2x128x128xf32> -> vector<2x128x128xf32>
    %swap3A_53 = arith.constant 0 : index
    %swap3A_54 = arith.constant 5 : index
    %swap3A_55 = arith.constant 0 : index
    %swap3A_56 = arith.constant 0 : index
    %swap3A_57 = vector.load %arg2[%swap3A_53, %swap3A_54, %swap3A_55, %swap3A_56] : memref<2x8x128x128xf32, #tpu.memory_space<vmem>>, vector<2x1x128x128xf32>
    %swap3A_58 = vector.shape_cast %swap3A_57 : vector<2x1x128x128xf32> to vector<2x128x128xf32>
    %swap3A_59 = vector.shape_cast %transpose3A_52 : vector<2x128x128xf32> to vector<2x1x128x128xf32>
    tpu.vector_store %arg2[%swap3A_53, %swap3A_54, %swap3A_55, %swap3A_56], %swap3A_59 {strides = array<i32>} : memref<2x8x128x128xf32, #tpu.memory_space<vmem>>, vector<2x1x128x128xf32>,
    %slice3A_60 = vector.extract_strided_slice %get3A_3 {offsets = [0, 96, 0, 0], sizes = [2, 16, 8, 128], strides = [1, 1, 1, 1]} : vector<2x128x8x128xf32> to vector<2x16x8x128xf32>
    %reshape3A_61 = vector.shape_cast %slice3A_60 : vector<2x16x8x128xf32> to vector<2x128x128xf32>
    %transpose3A_62 = tpu.transpose %reshape3A_61, [0, 2, 1] : vector<2x128x128xf32> -> vector<2x128x128xf32>
    %swap3A_63 = arith.constant 0 : index
    %swap3A_64 = arith.constant 6 : index
    %swap3A_65 = arith.constant 0 : index
    %swap3A_66 = arith.constant 0 : index
    %swap3A_67 = vector.load %arg2[%swap3A_63, %swap3A_64, %swap3A_65, %swap3A_66] : memref<2x8x128x128xf32, #tpu.memory_space<vmem>>, vector<2x1x128x128xf32>
    %swap3A_68 = vector.shape_cast %swap3A_67 : vector<2x1x128x128xf32> to vector<2x128x128xf32>
    %swap3A_69 = vector.shape_cast %transpose3A_62 : vector<2x128x128xf32> to vector<2x1x128x128xf32>
    tpu.vector_store %arg2[%swap3A_63, %swap3A_64, %swap3A_65, %swap3A_66], %swap3A_69 {strides = array<i32>} : memref<2x8x128x128xf32, #tpu.memory_space<vmem>>, vector<2x1x128x128xf32>,
    %slice3A_70 = vector.extract_strided_slice %get3A_3 {offsets = [0, 112, 0, 0], sizes = [2, 16, 8, 128], strides = [1, 1, 1, 1]} : vector<2x128x8x128xf32> to vector<2x16x8x128xf32>
    %reshape3A_71 = vector.shape_cast %slice3A_70 : vector<2x16x8x128xf32> to vector<2x128x128xf32>
    %transpose3A_72 = tpu.transpose %reshape3A_71, [0, 2, 1] : vector<2x128x128xf32> -> vector<2x128x128xf32>
    %swap3A_73 = arith.constant 0 : index
    %swap3A_74 = arith.constant 7 : index
    %swap3A_75 = arith.constant 0 : index
    %swap3A_76 = arith.constant 0 : index
    %swap3A_77 = vector.load %arg2[%swap3A_73, %swap3A_74, %swap3A_75, %swap3A_76] : memref<2x8x128x128xf32, #tpu.memory_space<vmem>>, vector<2x1x128x128xf32>
    %swap3A_78 = vector.shape_cast %swap3A_77 : vector<2x1x128x128xf32> to vector<2x128x128xf32>
    %swap3A_79 = vector.shape_cast %transpose3A_72 : vector<2x128x128xf32> to vector<2x1x128x128xf32>
    tpu.vector_store %arg2[%swap3A_73, %swap3A_74, %swap3A_75, %swap3A_76], %swap3A_79 {strides = array<i32>} : memref<2x8x128x128xf32, #tpu.memory_space<vmem>>, vector<2x1x128x128xf32>,
    return
  }
  func.func @transform_0(%arg0: i32) -> (i32, i32, i32, i32) {
    %c0_i32 = arith.constant 0 : i32
    %c0_i32_0 = arith.constant 0 : i32
    %c0_i32_1 = arith.constant 0 : i32
    %c0_i32_2 = arith.constant 0 : i32
    return %c0_i32, %arg0, %c0_i32_0, %c0_i32_1 : i32, i32, i32, i32
  }
  func.func @transform_1(%arg0: i32) -> (i32, i32, i32, i32) {
    %c0_i32 = arith.constant 0 : i32
    %c0_i32_0 = arith.constant 0 : i32
    %c0_i32_1 = arith.constant 0 : i32
    %c0_i32_2 = arith.constant 0 : i32
    return %c0_i32, %arg0, %c0_i32_0, %c0_i32_1 : i32, i32, i32, i32
  }
}

module attributes {stable_mosaic.version = 14 : i64} {
  func.func @_mlp_body(%arg0: i32, %arg1: memref<4096x208xf32, #tpu.memory_space<vmem>>, %arg2: memref<4096x208xf32, #tpu.memory_space<vmem>>, %arg3: memref<4096x13xf32, #tpu.memory_space<vmem>>, %arg4: memref<4096xf32, #tpu.memory_space<vmem>>, %arg5: memref<208x16xf32, #tpu.memory_space<vmem>>, %arg6: memref<208x16xf32, #tpu.memory_space<vmem>>, %arg7: memref<208x12xf32, #tpu.memory_space<vmem>>, %arg8: memref<208x12xf32, #tpu.memory_space<vmem>>, %arg9: memref<13x12xf32, #tpu.memory_space<vmem>>, %arg10: memref<12xf32, #tpu.memory_space<vmem>>, %arg11: memref<12xf32, #tpu.memory_space<vmem>>, %arg12: memref<12xf32, #tpu.memory_space<vmem>>, %arg13: memref<12x8xf32, #tpu.memory_space<vmem>>, %arg14: memref<8xf32, #tpu.memory_space<vmem>>, %arg15: memref<8xf32, #tpu.memory_space<vmem>>, %arg16: memref<8xf32, #tpu.memory_space<vmem>>, %arg17: memref<8x4xf32, #tpu.memory_space<vmem>>, %arg18: memref<4xf32, #tpu.memory_space<vmem>>, %arg19: memref<4xf32, #tpu.memory_space<vmem>>, %arg20: memref<4xf32, #tpu.memory_space<vmem>>, %arg21: memref<1xf32, #tpu.memory_space<vmem>>, %arg22: memref<4096xf32, #tpu.memory_space<vmem>>) attributes {dimension_semantics = [#tpu.dimension_semantics<arbitrary>], iteration_bounds = array<i64: 4>, scalar_prefetch = 0 : i64, scratch_operands = 0 : i64, tpu.core_type = #tpu.core_type<tc>, window_params = [{transform_indices = @transform_0, window_bounds = array<i64: 4096, 208>}, {transform_indices = @transform_1, window_bounds = array<i64: 4096, 208>}, {transform_indices = @transform_2, window_bounds = array<i64: 4096, 13>}, {transform_indices = @transform_3, window_bounds = array<i64: 4096>}, {pipeline_mode = #tpu.pipeline_mode<synchronous>, transform_indices = @transform_4, window_bounds = array<i64: 208, 16>}, {pipeline_mode = #tpu.pipeline_mode<synchronous>, transform_indices = @transform_5, window_bounds = array<i64: 208, 16>}, {pipeline_mode = #tpu.pipeline_mode<synchronous>, transform_indices = @transform_6, window_bounds = array<i64: 208, 12>}, {pipeline_mode = #tpu.pipeline_mode<synchronous>, transform_indices = @transform_7, window_bounds = array<i64: 208, 12>}, {pipeline_mode = #tpu.pipeline_mode<synchronous>, transform_indices = @transform_8, window_bounds = array<i64: 13, 12>}, {pipeline_mode = #tpu.pipeline_mode<synchronous>, transform_indices = @transform_9, window_bounds = array<i64: 12>}, {pipeline_mode = #tpu.pipeline_mode<synchronous>, transform_indices = @transform_10, window_bounds = array<i64: 12>}, {pipeline_mode = #tpu.pipeline_mode<synchronous>, transform_indices = @transform_11, window_bounds = array<i64: 12>}, {pipeline_mode = #tpu.pipeline_mode<synchronous>, transform_indices = @transform_12, window_bounds = array<i64: 12, 8>}, {pipeline_mode = #tpu.pipeline_mode<synchronous>, transform_indices = @transform_13, window_bounds = array<i64: 8>}, {pipeline_mode = #tpu.pipeline_mode<synchronous>, transform_indices = @transform_14, window_bounds = array<i64: 8>}, {pipeline_mode = #tpu.pipeline_mode<synchronous>, transform_indices = @transform_15, window_bounds = array<i64: 8>}, {pipeline_mode = #tpu.pipeline_mode<synchronous>, transform_indices = @transform_16, window_bounds = array<i64: 8, 4>}, {pipeline_mode = #tpu.pipeline_mode<synchronous>, transform_indices = @transform_17, window_bounds = array<i64: 4>}, {pipeline_mode = #tpu.pipeline_mode<synchronous>, transform_indices = @transform_18, window_bounds = array<i64: 4>}, {pipeline_mode = #tpu.pipeline_mode<synchronous>, transform_indices = @transform_19, window_bounds = array<i64: 4>}, {pipeline_mode = #tpu.pipeline_mode<synchronous>, transform_indices = @transform_20, window_bounds = array<i64: 1>}, {transform_indices = @transform_21, window_bounds = array<i64: 4096>}]} {
    %get3A = arith.constant 0 : index
    %get3A_0 = arith.constant 0 : index
    %get3A_1 = vector.load %arg1[%get3A, %get3A_0] : memref<4096x208xf32, #tpu.memory_space<vmem>>, vector<4096x208xf32>
    %get3A_2 = arith.constant 0 : index
    %get3A_3 = arith.constant 0 : index
    %get3A_4 = vector.load %arg2[%get3A_2, %get3A_3] : memref<4096x208xf32, #tpu.memory_space<vmem>>, vector<4096x208xf32>
    %sqrt3A = arith.constant 1.000010e+00 : f32
    %sqrt3A_5 = math.sqrt %sqrt3A : f32
    %div3A = arith.constant 1.000000e+00 : f32
    %div3A_6 = arith.divf %div3A, %sqrt3A_5 : f32
    %get3A_7 = arith.constant 0 : index
    %get3A_8 = arith.constant 0 : index
    %get3A_9 = vector.load %arg5[%get3A_7, %get3A_8] : memref<208x16xf32, #tpu.memory_space<vmem>>, vector<208x16xf32>
    %dot_general3A = arith.constant dense<0.000000e+00> : vector<4096x16xf32>
    %dot_general3A_10 = tpu.matmul %get3A_1, %get3A_9, %dot_general3A {dimension_numbers = #tpu.dot_dimension_numbers<[1], [0], [0], [1], [0, 0, 1, 1], [], []>, transpose_lhs_hint = false} : vector<4096x208xf32>, vector<208x16xf32>, vector<4096x16xf32> -> vector<4096x16xf32>
    %get3A_11 = arith.constant 0 : index
    %get3A_12 = arith.constant 0 : index
    %get3A_13 = vector.load %arg6[%get3A_11, %get3A_12] : memref<208x16xf32, #tpu.memory_space<vmem>>, vector<208x16xf32>
    %dot_general3A_14 = arith.constant dense<0.000000e+00> : vector<4096x16xf32>
    %dot_general3A_15 = tpu.matmul %get3A_4, %get3A_13, %dot_general3A_14 {dimension_numbers = #tpu.dot_dimension_numbers<[1], [0], [0], [1], [0, 0, 1, 1], [], []>, transpose_lhs_hint = false} : vector<4096x208xf32>, vector<208x16xf32>, vector<4096x16xf32> -> vector<4096x16xf32>
    %add3A = arith.addf %dot_general3A_10, %dot_general3A_15 : vector<4096x16xf32>
    %mul3A = arith.mulf %get3A_1, %get3A_1 : vector<4096x208xf32>
    %reduce_sum3A = arith.constant dense<0.000000e+00> : vector<4096xf32>
    %reduce_sum3A_16 = vector.multi_reduction <add>, %mul3A, %reduce_sum3A [1] : vector<4096x208xf32> to vector<4096xf32>
    %mul3A_17 = arith.mulf %get3A_4, %get3A_4 : vector<4096x208xf32>
    %reduce_sum3A_18 = arith.constant dense<0.000000e+00> : vector<4096xf32>
    %reduce_sum3A_19 = vector.multi_reduction <add>, %mul3A_17, %reduce_sum3A_18 [1] : vector<4096x208xf32> to vector<4096xf32>
    %add3A_20 = arith.addf %reduce_sum3A_16, %reduce_sum3A_19 : vector<4096xf32>
    %mul3A_21 = arith.mulf %add3A, %add3A : vector<4096x16xf32>
    %reduce_sum3A_22 = arith.constant dense<0.000000e+00> : vector<4096xf32>
    %reduce_sum3A_23 = vector.multi_reduction <add>, %mul3A_21, %reduce_sum3A_22 [1] : vector<4096x16xf32> to vector<4096xf32>
    %sub3A = arith.subf %reduce_sum3A_23, %add3A_20 : vector<4096xf32>
    %mul3A_24 = arith.constant 5.000000e-01 : f32
    %mul3A_25 = vector.broadcast %mul3A_24 : f32 to vector<4096xf32>
    %mul3A_26 = arith.mulf %mul3A_25, %sub3A : vector<4096xf32>
    %get3A_27 = arith.constant 0 : index
    %get3A_28 = arith.constant 0 : index
    %get3A_29 = vector.load %arg7[%get3A_27, %get3A_28] : memref<208x12xf32, #tpu.memory_space<vmem>>, vector<208x12xf32>
    %dot_general3A_30 = arith.constant dense<0.000000e+00> : vector<4096x12xf32>
    %dot_general3A_31 = tpu.matmul %get3A_1, %get3A_29, %dot_general3A_30 {dimension_numbers = #tpu.dot_dimension_numbers<[1], [0], [0], [1], [0, 0, 1, 1], [], []>, transpose_lhs_hint = false} : vector<4096x208xf32>, vector<208x12xf32>, vector<4096x12xf32> -> vector<4096x12xf32>
    %get3A_32 = arith.constant 0 : index
    %get3A_33 = arith.constant 0 : index
    %get3A_34 = vector.load %arg8[%get3A_32, %get3A_33] : memref<208x12xf32, #tpu.memory_space<vmem>>, vector<208x12xf32>
    %dot_general3A_35 = arith.constant dense<0.000000e+00> : vector<4096x12xf32>
    %dot_general3A_36 = tpu.matmul %get3A_4, %get3A_34, %dot_general3A_35 {dimension_numbers = #tpu.dot_dimension_numbers<[1], [0], [0], [1], [0, 0, 1, 1], [], []>, transpose_lhs_hint = false} : vector<4096x208xf32>, vector<208x12xf32>, vector<4096x12xf32> -> vector<4096x12xf32>
    %add3A_37 = arith.addf %dot_general3A_31, %dot_general3A_36 : vector<4096x12xf32>
    %get3A_38 = arith.constant 0 : index
    %get3A_39 = arith.constant 0 : index
    %get3A_40 = vector.load %arg3[%get3A_38, %get3A_39] : memref<4096x13xf32, #tpu.memory_space<vmem>>, vector<4096x13xf32>
    %get3A_41 = arith.constant 0 : index
    %get3A_42 = arith.constant 0 : index
    %get3A_43 = vector.load %arg9[%get3A_41, %get3A_42] : memref<13x12xf32, #tpu.memory_space<vmem>>, vector<13x12xf32>
    %dot_general3A_44 = arith.constant dense<0.000000e+00> : vector<4096x12xf32>
    %dot_general3A_45 = tpu.matmul %get3A_40, %get3A_43, %dot_general3A_44 {dimension_numbers = #tpu.dot_dimension_numbers<[1], [0], [0], [1], [0, 0, 1, 1], [], []>, transpose_lhs_hint = false} : vector<4096x13xf32>, vector<13x12xf32>, vector<4096x12xf32> -> vector<4096x12xf32>
    %add3A_46 = arith.addf %add3A_37, %dot_general3A_45 : vector<4096x12xf32>
    %get3A_47 = arith.constant 0 : index
    %get3A_48 = vector.load %arg10[%get3A_47] : memref<12xf32, #tpu.memory_space<vmem>>, vector<12xf32>
    %broadcast_in_dim3A = vector.shape_cast %get3A_48 : vector<12xf32> to vector<1x12xf32>
    %add3A_49 = vector.broadcast %broadcast_in_dim3A : vector<1x12xf32> to vector<4096x12xf32>
    %add3A_50 = arith.addf %add3A_46, %add3A_49 : vector<4096x12xf32>
    %get3A_51 = arith.constant 0 : index
    %get3A_52 = vector.load %arg11[%get3A_51] : memref<12xf32, #tpu.memory_space<vmem>>, vector<12xf32>
    %mul3A_53 = vector.broadcast %div3A_6 : f32 to vector<12xf32>
    %mul3A_54 = arith.mulf %get3A_52, %mul3A_53 : vector<12xf32>
    %broadcast_in_dim3A_55 = vector.shape_cast %mul3A_54 : vector<12xf32> to vector<1x12xf32>
    %mul3A_56 = vector.broadcast %broadcast_in_dim3A_55 : vector<1x12xf32> to vector<4096x12xf32>
    %mul3A_57 = arith.mulf %add3A_50, %mul3A_56 : vector<4096x12xf32>
    %get3A_58 = arith.constant 0 : index
    %get3A_59 = vector.load %arg12[%get3A_58] : memref<12xf32, #tpu.memory_space<vmem>>, vector<12xf32>
    %broadcast_in_dim3A_60 = vector.shape_cast %get3A_59 : vector<12xf32> to vector<1x12xf32>
    %add3A_61 = vector.broadcast %broadcast_in_dim3A_60 : vector<1x12xf32> to vector<4096x12xf32>
    %add3A_62 = arith.addf %mul3A_57, %add3A_61 : vector<4096x12xf32>
    %max3A = arith.constant 0.000000e+00 : f32
    %max3A_63 = vector.broadcast %max3A : f32 to vector<4096x12xf32>
    %max3A_64 = arith.maximumf %add3A_62, %max3A_63 : vector<4096x12xf32>
    %get3A_65 = arith.constant 0 : index
    %get3A_66 = arith.constant 0 : index
    %get3A_67 = vector.load %arg13[%get3A_65, %get3A_66] : memref<12x8xf32, #tpu.memory_space<vmem>>, vector<12x8xf32>
    %dot_general3A_68 = arith.constant dense<0.000000e+00> : vector<4096x8xf32>
    %dot_general3A_69 = tpu.matmul %max3A_64, %get3A_67, %dot_general3A_68 {dimension_numbers = #tpu.dot_dimension_numbers<[1], [0], [0], [1], [0, 0, 1, 1], [], []>, transpose_lhs_hint = false} : vector<4096x12xf32>, vector<12x8xf32>, vector<4096x8xf32> -> vector<4096x8xf32>
    %get3A_70 = arith.constant 0 : index
    %get3A_71 = vector.load %arg14[%get3A_70] : memref<8xf32, #tpu.memory_space<vmem>>, vector<8xf32>
    %broadcast_in_dim3A_72 = vector.shape_cast %get3A_71 : vector<8xf32> to vector<1x8xf32>
    %add3A_73 = vector.broadcast %broadcast_in_dim3A_72 : vector<1x8xf32> to vector<4096x8xf32>
    %add3A_74 = arith.addf %dot_general3A_69, %add3A_73 : vector<4096x8xf32>
    %get3A_75 = arith.constant 0 : index
    %get3A_76 = vector.load %arg15[%get3A_75] : memref<8xf32, #tpu.memory_space<vmem>>, vector<8xf32>
    %mul3A_77 = vector.broadcast %div3A_6 : f32 to vector<8xf32>
    %mul3A_78 = arith.mulf %get3A_76, %mul3A_77 : vector<8xf32>
    %broadcast_in_dim3A_79 = vector.shape_cast %mul3A_78 : vector<8xf32> to vector<1x8xf32>
    %mul3A_80 = vector.broadcast %broadcast_in_dim3A_79 : vector<1x8xf32> to vector<4096x8xf32>
    %mul3A_81 = arith.mulf %add3A_74, %mul3A_80 : vector<4096x8xf32>
    %get3A_82 = arith.constant 0 : index
    %get3A_83 = vector.load %arg16[%get3A_82] : memref<8xf32, #tpu.memory_space<vmem>>, vector<8xf32>
    %broadcast_in_dim3A_84 = vector.shape_cast %get3A_83 : vector<8xf32> to vector<1x8xf32>
    %add3A_85 = vector.broadcast %broadcast_in_dim3A_84 : vector<1x8xf32> to vector<4096x8xf32>
    %add3A_86 = arith.addf %mul3A_81, %add3A_85 : vector<4096x8xf32>
    %max3A_87 = arith.constant 0.000000e+00 : f32
    %max3A_88 = vector.broadcast %max3A_87 : f32 to vector<4096x8xf32>
    %max3A_89 = arith.maximumf %add3A_86, %max3A_88 : vector<4096x8xf32>
    %get3A_90 = arith.constant 0 : index
    %get3A_91 = arith.constant 0 : index
    %get3A_92 = vector.load %arg17[%get3A_90, %get3A_91] : memref<8x4xf32, #tpu.memory_space<vmem>>, vector<8x4xf32>
    %dot_general3A_93 = arith.constant dense<0.000000e+00> : vector<4096x4xf32>
    %dot_general3A_94 = tpu.matmul %max3A_89, %get3A_92, %dot_general3A_93 {dimension_numbers = #tpu.dot_dimension_numbers<[1], [0], [0], [1], [0, 0, 1, 1], [], []>, transpose_lhs_hint = false} : vector<4096x8xf32>, vector<8x4xf32>, vector<4096x4xf32> -> vector<4096x4xf32>
    %get3A_95 = arith.constant 0 : index
    %get3A_96 = vector.load %arg18[%get3A_95] : memref<4xf32, #tpu.memory_space<vmem>>, vector<4xf32>
    %broadcast_in_dim3A_97 = vector.shape_cast %get3A_96 : vector<4xf32> to vector<1x4xf32>
    %add3A_98 = vector.broadcast %broadcast_in_dim3A_97 : vector<1x4xf32> to vector<4096x4xf32>
    %add3A_99 = arith.addf %dot_general3A_94, %add3A_98 : vector<4096x4xf32>
    %get3A_100 = arith.constant 0 : index
    %get3A_101 = vector.load %arg19[%get3A_100] : memref<4xf32, #tpu.memory_space<vmem>>, vector<4xf32>
    %mul3A_102 = vector.broadcast %div3A_6 : f32 to vector<4xf32>
    %mul3A_103 = arith.mulf %get3A_101, %mul3A_102 : vector<4xf32>
    %broadcast_in_dim3A_104 = vector.shape_cast %mul3A_103 : vector<4xf32> to vector<1x4xf32>
    %mul3A_105 = vector.broadcast %broadcast_in_dim3A_104 : vector<1x4xf32> to vector<4096x4xf32>
    %mul3A_106 = arith.mulf %add3A_99, %mul3A_105 : vector<4096x4xf32>
    %get3A_107 = arith.constant 0 : index
    %get3A_108 = vector.load %arg20[%get3A_107] : memref<4xf32, #tpu.memory_space<vmem>>, vector<4xf32>
    %broadcast_in_dim3A_109 = vector.shape_cast %get3A_108 : vector<4xf32> to vector<1x4xf32>
    %add3A_110 = vector.broadcast %broadcast_in_dim3A_109 : vector<1x4xf32> to vector<4096x4xf32>
    %add3A_111 = arith.addf %mul3A_106, %add3A_110 : vector<4096x4xf32>
    %max3A_112 = arith.constant 0.000000e+00 : f32
    %max3A_113 = vector.broadcast %max3A_112 : f32 to vector<4096x4xf32>
    %max3A_114 = arith.maximumf %add3A_111, %max3A_113 : vector<4096x4xf32>
    %get3A_115 = arith.constant 0 : index
    %get3A_116 = vector.load %arg4[%get3A_115] : memref<4096xf32, #tpu.memory_space<vmem>>, vector<4096xf32>
    %add3A_117 = arith.addf %get3A_116, %mul3A_26 : vector<4096xf32>
    %reduce_sum3A_118 = arith.constant dense<0.000000e+00> : vector<4096xf32>
    %reduce_sum3A_119 = vector.multi_reduction <add>, %max3A_114, %reduce_sum3A_118 [1] : vector<4096x4xf32> to vector<4096xf32>
    %add3A_120 = arith.addf %add3A_117, %reduce_sum3A_119 : vector<4096xf32>
    %get3A_121 = arith.constant 0 : index
    %get3A_122 = vector.load %arg21[%get3A_121] : memref<1xf32, #tpu.memory_space<vmem>>, vector<1xf32>
    %get3A_123 = vector.extract %get3A_122[0] : f32 from vector<1xf32>
    %add3A_124 = vector.broadcast %get3A_123 : f32 to vector<4096xf32>
    %add3A_125 = arith.addf %add3A_120, %add3A_124 : vector<4096xf32>
    %logistic3A = arith.negf %add3A_125 : vector<4096xf32>
    %logistic3A_126 = math.exp %logistic3A : vector<4096xf32>
    %logistic3A_127 = arith.constant 1.000000e+00 : f32
    %logistic3A_128 = vector.broadcast %logistic3A_127 : f32 to vector<4096xf32>
    %logistic3A_129 = arith.addf %logistic3A_128, %logistic3A_126 : vector<4096xf32>
    %logistic3A_130 = arith.divf %logistic3A_128, %logistic3A_129 : vector<4096xf32>
    %swap3A = arith.constant 0 : index
    %swap3A_131 = vector.load %arg22[%swap3A] : memref<4096xf32, #tpu.memory_space<vmem>>, vector<4096xf32>
    tpu.vector_store %arg22[%swap3A], %logistic3A_130 {strides = array<i32>} : memref<4096xf32, #tpu.memory_space<vmem>>, vector<4096xf32>,
    return
  }
  func.func @transform_0(%arg0: i32) -> (i32, i32) {
    %c0_i32 = arith.constant 0 : i32
    %c0_i32_0 = arith.constant 0 : i32
    return %arg0, %c0_i32 : i32, i32
  }
  func.func @transform_1(%arg0: i32) -> (i32, i32) {
    %c0_i32 = arith.constant 0 : i32
    %c0_i32_0 = arith.constant 0 : i32
    return %arg0, %c0_i32 : i32, i32
  }
  func.func @transform_2(%arg0: i32) -> (i32, i32) {
    %c0_i32 = arith.constant 0 : i32
    %c0_i32_0 = arith.constant 0 : i32
    return %arg0, %c0_i32 : i32, i32
  }
  func.func @transform_3(%arg0: i32) -> i32 {
    %c0_i32 = arith.constant 0 : i32
    return %arg0 : i32
  }
  func.func @transform_4(%arg0: i32) -> (i32, i32) {
    %c0_i32 = arith.constant 0 : i32
    %c0_i32_0 = arith.constant 0 : i32
    %c0_i32_1 = arith.constant 0 : i32
    return %c0_i32, %c0_i32_0 : i32, i32
  }
  func.func @transform_5(%arg0: i32) -> (i32, i32) {
    %c0_i32 = arith.constant 0 : i32
    %c0_i32_0 = arith.constant 0 : i32
    %c0_i32_1 = arith.constant 0 : i32
    return %c0_i32, %c0_i32_0 : i32, i32
  }
  func.func @transform_6(%arg0: i32) -> (i32, i32) {
    %c0_i32 = arith.constant 0 : i32
    %c0_i32_0 = arith.constant 0 : i32
    %c0_i32_1 = arith.constant 0 : i32
    return %c0_i32, %c0_i32_0 : i32, i32
  }
  func.func @transform_7(%arg0: i32) -> (i32, i32) {
    %c0_i32 = arith.constant 0 : i32
    %c0_i32_0 = arith.constant 0 : i32
    %c0_i32_1 = arith.constant 0 : i32
    return %c0_i32, %c0_i32_0 : i32, i32
  }
  func.func @transform_8(%arg0: i32) -> (i32, i32) {
    %c0_i32 = arith.constant 0 : i32
    %c0_i32_0 = arith.constant 0 : i32
    %c0_i32_1 = arith.constant 0 : i32
    return %c0_i32, %c0_i32_0 : i32, i32
  }
  func.func @transform_9(%arg0: i32) -> i32 {
    %c0_i32 = arith.constant 0 : i32
    %c0_i32_0 = arith.constant 0 : i32
    return %c0_i32 : i32
  }
  func.func @transform_10(%arg0: i32) -> i32 {
    %c0_i32 = arith.constant 0 : i32
    %c0_i32_0 = arith.constant 0 : i32
    return %c0_i32 : i32
  }
  func.func @transform_11(%arg0: i32) -> i32 {
    %c0_i32 = arith.constant 0 : i32
    %c0_i32_0 = arith.constant 0 : i32
    return %c0_i32 : i32
  }
  func.func @transform_12(%arg0: i32) -> (i32, i32) {
    %c0_i32 = arith.constant 0 : i32
    %c0_i32_0 = arith.constant 0 : i32
    %c0_i32_1 = arith.constant 0 : i32
    return %c0_i32, %c0_i32_0 : i32, i32
  }
  func.func @transform_13(%arg0: i32) -> i32 {
    %c0_i32 = arith.constant 0 : i32
    %c0_i32_0 = arith.constant 0 : i32
    return %c0_i32 : i32
  }
  func.func @transform_14(%arg0: i32) -> i32 {
    %c0_i32 = arith.constant 0 : i32
    %c0_i32_0 = arith.constant 0 : i32
    return %c0_i32 : i32
  }
  func.func @transform_15(%arg0: i32) -> i32 {
    %c0_i32 = arith.constant 0 : i32
    %c0_i32_0 = arith.constant 0 : i32
    return %c0_i32 : i32
  }
  func.func @transform_16(%arg0: i32) -> (i32, i32) {
    %c0_i32 = arith.constant 0 : i32
    %c0_i32_0 = arith.constant 0 : i32
    %c0_i32_1 = arith.constant 0 : i32
    return %c0_i32, %c0_i32_0 : i32, i32
  }
  func.func @transform_17(%arg0: i32) -> i32 {
    %c0_i32 = arith.constant 0 : i32
    %c0_i32_0 = arith.constant 0 : i32
    return %c0_i32 : i32
  }
  func.func @transform_18(%arg0: i32) -> i32 {
    %c0_i32 = arith.constant 0 : i32
    %c0_i32_0 = arith.constant 0 : i32
    return %c0_i32 : i32
  }
  func.func @transform_19(%arg0: i32) -> i32 {
    %c0_i32 = arith.constant 0 : i32
    %c0_i32_0 = arith.constant 0 : i32
    return %c0_i32 : i32
  }
  func.func @transform_20(%arg0: i32) -> i32 {
    %c0_i32 = arith.constant 0 : i32
    %c0_i32_0 = arith.constant 0 : i32
    return %c0_i32 : i32
  }
  func.func @transform_21(%arg0: i32) -> i32 {
    %c0_i32 = arith.constant 0 : i32
    return %arg0 : i32
  }
}

</mosaic_0001>

<sc_bundles>
// kernel: kernel.5.cloned.1.call-start
scs
__scs_entry_jumppad:
0x0: {  	(pc) =	sbr.rel $0x88, $3  }
0x1: {  	(tag) =	ssettag $0x0;
	lr =	simm.s32 $0x1  }
0x2: {  	[smem:$0x3F90] =	sst lr;
	_ =	strace $0xD0000000  }
0x3: {  	_ = 	snop  }
0x4: {  	_ = 	snop  }
0x5: {  	_ = 	snop  }
0x6: {  	_ = 	snop  }
0x7: {  	_ = 	snop  }
__scs_overlays_trampoline_lowered:
0x8: {  	[smem:$0x3F9F] =	sst s0  }
0x9: {  	[smem:$0x3FA0] =	sst s1  }
0xa: {  	[smem:$0x3FA1] =	sst s2  }
0xb: {  	[smem:$0x3FA2] =	sst s3  }
0xc: {  	[smem:$0x3FA3] =	sst s4  }
0xd: {  	[smem:$0x3FA4] =	sst s5  }
0xe: {  	[smem:$0x3FA5] =	sst s6  }
0xf: {  	[smem:$0x3FA6] =	sst s7  }
0x10: {  	[smem:$0x3FA7] =	sst s8  }
0x11: {  	[smem:$0x3FA8] =	sst s9;
	s0 =	simm.s32 @!p0 $0x0  }
0x12: {  	s1 =	sld [smem:$0x3F8E];
	s0 =	simm.s32 @p0 $0x1  }
0x13: {  	[smem:$0x3FA9] =	sst s0;
	s0 =	simm.s32 @!p1 $0x0  }
0x14: {  	s2 =	sld [smem:$0x3F8D];
	s0 =	simm.s32 @p1 $0x1  }
0x15: {  	[smem:$0x3FAA] =	sst s0;
	s0 =	simm.s32 @!p2 $0x0  }
0x16: {  	s3 =	sld [smem:$0x3FDB];
	s0 =	simm.s32 @p2 $0x1  }
0x17: {  	s4 =	simm.s32 $0x1BF5;
	[smem:$0x3FAC] =	sst s0  }
0x18: {  	s0 =	sld [smem:$0x3F8F];
	_ =	swait.ge [sflag:s4], $0x0  }
0x19: {  	s7 =	sld [smem:$0x3F90]  }
0x1a: {  	s8 =	sadd.s32 $0xFFFFE003, lr  }
0x1b: {  	s9 =	sadd.s32 $0xFFFFFEF7, lr;
	s5 =	simm.s32 $0xFFFFFFFF;
	p2 =	slt.u32 s8, $0xFFFFF086  }
0x1c: {  	p1 =	slt.u32 s9, $0xF7A;
	s5 =	simm.s32 @!p2 $0x0  }
0x1d: {  	s5 =	simm.s32 @p1 $0x1;
	p0 =	seq.s32 s7, s2  }
0x1e: {  	s7 =	smul.u32 @!p0 $0xF7A, s2;
	p2 =	seq.s32 @!p0 s5, $0x0  }
0x1f: {  	s9 =	smul.u32 $0xF7A, s1;
	s8 =	simm.s32 @!p0 $0x1BF5;
	p2 =	por !p2, p0  }
0x20: {  	[sflag:s8] =	ssyncset.s32 @!p0 $0xFFFFF086;
	s6 =	sadd.s32 @!p0 s3, s7;
	s7 =	simm.s32 @!p0 $0x108  }
0x21: {  	s3 =	sadd.s32 s3, s9;
	s6 =	sadd.s32 @!p0 $0x88, s6;
	s7 =	simm.s32 @p2 $0x1082  }
0x22: {  	[simem:s7], [sflag:s8] =	dma.local @!p0 [hbm:s6], $0xF7A  }
0x23: {  	s9 =	sor.u32 $0xD0000000, s2;
	s6 =	simm.s32 $0x108;
	_ =	swait.ge @!p0 [sflag:s8], $0x0  }
0x24: {  	s3 =	sadd.s32 $0x88, s3;
	s6 =	simm.s32 @!p1 $0x1082;
	[sflag:s4] =	ssyncset.s32 $0xFFFFF086  }
0x25: {  	[simem:s6], [sflag:s4] =	dma.local [hbm:s3], $0xF7A  }
0x26: {  	[smem:$0x3F90] =	sst s1;
	(tag) =	ssettag s2;
	_ =	strace s9  }
0x27: {  	s1 =	sld [smem:$0x3FA0]  }
0x28: {  	s2 =	sld [smem:$0x3FA1]  }
0x29: {  	s4 =	sld [smem:$0x3FA3]  }
0x2a: {  	p0 =	seq.s32 s5, $0x0;
	s5 =	sld [smem:$0x3FA4]  }
0x2b: {  	s6 =	sld [smem:$0x3FA5]  }
0x2c: {  	s7 =	sld [smem:$0x3FA6]  }
0x2d: {  	s3 =	simm.s32 $0x108;
	s8 =	sld [smem:$0x3FA7]  }
0x2e: {  	s3 =	simm.s32 @!p0 $0x1082;
	s9 =	sld [smem:$0x3FA8]  }
0x2f: {  	lr =	sadd.s32 s0, s3;
	s0 =	sld [smem:$0x3F9F]  }
0x30: {  	s3 =	sld [smem:$0x3FA2]  }
0x31: {  	[smem:$0x3FAB] =	sst s10  }
0x32: {  	s10 =	sld [smem:$0x3FA9];
	_ =	sdelay $0x3  }
0x33: {  	p0 =	seq.s32 s10, $0x1;
	s10 =	sld [smem:$0x3FAB];
	_ =	sdelay $0x3  }
0x34: {  	[smem:$0x3FAB] =	sst s10  }
0x35: {  	s10 =	sld [smem:$0x3FAA];
	_ =	sdelay $0x3  }
0x36: {  	p1 =	seq.s32 s10, $0x1;
	s10 =	sld [smem:$0x3FAB];
	_ =	sdelay $0x3  }
0x37: {  	[smem:$0x3FAB] =	sst s10  }
0x38: {  	s10 =	sld [smem:$0x3FAC]  }
0x39: {  	_ = 	snop;
	(pc) =	sbr.ind lr, $3  }
0x3a: {  	_ = 	snop  }
0x3b: {  	_ = 	snop  }
0x3c: {  	p2 =	seq.s32 s10, $0x1;
	s10 =	sld [smem:$0x3FAB]  }
0x3d: {  	_ =	shalt  }
0x3e: {  	_ =	shalt  }
0x3f: {  	_ =	shalt  }
0x40: {  	_ =	shalt  }
0x41: {  	_ =	shalt  }
0x42: {  	_ =	shalt  }
0x43: {  	_ =	shalt  }
0x44: {  	_ =	shalt  }
0x45: {  	_ =	shalt  }
0x46: {  	_ =	shalt  }
0x47: {  	_ =	shalt  }
0x48: {  	_ =	shalt  }
0x49: {  	_ =	shalt  }
0x4a: {  	_ =	shalt  }
0x4b: {  	_ =	shalt  }
0x4c: {  	_ =	shalt  }
0x4d: {  	_ =	shalt  }
0x4e: {  	_ =	shalt  }
0x4f: {  	_ =	shalt  }
0x50: {  	_ =	shalt  }
0x51: {  	_ =	shalt  }
0x52: {  	_ =	shalt  }
0x53: {  	_ =	shalt  }
0x54: {  	_ =	shalt  }
0x55: {  	_ =	shalt  }
0x56: {  	_ =	shalt  }
0x57: {  	_ =	shalt  }
0x58: {  	_ =	shalt  }
0x59: {  	_ =	shalt  }
0x5a: {  	_ =	shalt  }
0x5b: {  	_ =	shalt  }
0x5c: {  	_ =	shalt  }
0x5d: {  	_ =	shalt  }
0x5e: {  	_ =	shalt  }
0x5f: {  	_ =	shalt  }
0x60: {  	_ =	shalt  }
0x61: {  	_ =	shalt  }
0x62: {  	_ =	shalt  }
0x63: {  	_ =	shalt  }
0x64: {  	_ =	shalt  }
0x65: {  	_ =	shalt  }
0x66: {  	_ =	shalt  }
0x67: {  	_ =	shalt  }
0x68: {  	_ =	shalt  }
0x69: {  	_ =	shalt  }
0x6a: {  	_ =	shalt  }
0x6b: {  	_ =	shalt  }
0x6c: {  	_ =	shalt  }
0x6d: {  	_ =	shalt  }
0x6e: {  	_ =	shalt  }
0x6f: {  	_ =	shalt  }
0x70: {  	_ =	shalt  }
0x71: {  	_ =	shalt  }
0x72: {  	_ =	shalt  }
0x73: {  	_ =	shalt  }
0x74: {  	_ =	shalt  }
0x75: {  	_ =	shalt  }
0x76: {  	_ =	shalt  }
0x77: {  	_ =	shalt  }
0x78: {  	_ =	shalt  }
0x79: {  	_ =	shalt  }
0x7a: {  	_ =	shalt  }
0x7b: {  	_ =	shalt  }
0x7c: {  	_ =	shalt  }
0x7d: {  	_ =	shalt  }
0x7e: {  	_ =	shalt  }
0x7f: {  	_ =	shalt  }
0x80: {  	_ =	shalt  }
0x81: {  	_ =	shalt  }
0x82: {  	_ =	shalt  }
0x83: {  	_ =	shalt  }
0x84: {  	_ =	shalt  }
0x85: {  	_ =	shalt  }
0x86: {  	_ =	shalt  }
0x87: {  	_ =	shalt  }
.Lfunc_end0:
.L_simem_size_0:
called_computation_lowered:
.L_overlay_start_0:
0x88: {  	s2 =	sld [smem:$0x3FD9]  }
0x89: {  	s3 =	sld [smem:$0x3FFE];
	_ =	sdelay $0x1  }
0x8a: {  	s1 =	srdreg.scid  }
0x8b: {  	s0 =	sand.u32 $0x1, s1  }
0x8c: {  	s17 =	sshll.u32 s0, $0xA;
	s2 =	sadd.s32 s3, s2  }
0x8d: {  	s2 =	sadd.s32 s2, s17  }
0x8e: {  	[smem:$0x3FB7] =	sst s2  }
0x8f: {  	_ = 	snop  }
0x90: {  	s2 =	sld [smem:$0x3FD0];
	(tm) =	ssettm $0x1  }
0x91: {  	s18 =	sld [smem:$0x3FFB];
	_ =	sdelay $0x3  }
0x92: {  	_ =	strace s18  }
0x93: {  	s3 =	sld [smem:$0x3FFC];
	_ =	sdelay $0x3  }
0x94: {  	_ =	strace s3  }
0x95: {  	s3 =	sld [smem:$0x3FFD];
	_ =	sdelay $0x3  }
0x96: {  	_ =	strace s3  }
0x97: {  	_ =	strace $0x8FFFFFFF  }
0x98: {  	s19 =	sld [smem:$0x3FDB];
	_ =	sdelay $0x1  }
0x99: {  	s4 =	simm.s32 $_scs_section_size  }
0x9a: {  	s5 =	simm.s32 $_size__tile_overlayer_lowered;
	s6 =	simm.s32 $_tile_overlayer_lowered  }
0x9b: {  	s22 =	simm.s32 $0x1BFF;
	s21 =	sshll.u32 s6, $0x1;
	s3 =	sadd.s32 s4, s19  }
0x9c: {  	s7 =	simm.s32 $0x0;
	s20 =	sshll.u32 s5, $0x1;
	s5 =	sadd.s32 s21, s3  }
0x9d: {  	[timem:s7], [sflag:s22] =	dma.local [hbm:s5], s20  }
0x9e: {  	_ =	swait.ge [sflag:s22], s20  }
0x9f: {  	s4 =	ssub.s32 $0x0, s20;
	[sflag:s22] =	ssyncset.done $0x0  }
0xa0: {  	[sflag:s22] =	ssyncadd.s32 s4;
	_ =	sdelay $0x1  }
0xa1: {  	s23 =	simm.s32 $0x1B8B  }
0xa2: {  	_ =	swait.ge [sflag:s23], $0x1  }
0xa3: {  	[sflag:s23] =	ssyncset.done $0x0  }
0xa4: {  	s25 =	simm.s32 $0x1B8E;
	s24 =	sld [smem:$0x3FFE];
	[sflag:s23] =	ssyncadd.s32 $0xFFFFFFFF  }
0xa5: {  	s26 =	simm.s32 $execute0_lowered;
	[smem:$0x3FD2] =	sst s25  }
0xa6: {  	s5 =	sshll.u32 s26, $0x1;
	_ =	strace $0x80000046;
	[dreg:$0x1] =	wrdreg $0xFFFFFFFF  }
0xa7: {  	s28 =	simm.s32 $_size_execute0_lowered;
	s3 =	sadd.s32 s3, s5;
	[dreg:$0x0] =	wrdreg $0x0  }
0xa8: {  	s5 =	sshll.u32 s28, $0x1;
	[dreg:$0x2] =	wrdreg s3  }
0xa9: {  	[dreg:$0x3] =	wrdreg s5  }
0xaa: {  	[dreg:$0x4] =	wrdreg $0xC0  }
0xab: {  	_ =	task [dreg:s7], $0x5FFFF  }
0xac: {  	[dreg:$0x1] =	wrdreg $0xFFFFFFFF  }
0xad: {  	[dreg:$0x0] =	wrdreg $0x60  }
0xae: {  	[dreg:$0x2] =	wrdreg s24  }
0xaf: {  	[dreg:$0x3] =	wrdreg s2  }
0xb0: {  	[dreg:$0x4] =	wrdreg $0x9  }
0xb1: {  	_ =	task.clear_ibuf [dreg:s7], $0x5FFFF;
	_ =	strace $0x90000046  }
0xb2: {  	s29 =	simm.s32 $0x9;
	_ =	strace $0x80000048  }
0xb3: {  	_ =	swait.ge [sflag:s29], $0x1  }
0xb4: {  	[sflag:s29] =	ssyncadd.s32 $0xFFFFFFFF  }
0xb5: {  	_ =	strace $0x90000048  }
0xb6: {  	_ =	sfence  }
0xb7: {  	s30 =	sld [smem:$0x0];
	_ =	sdelay $0x2  }
0xb8: {  	s31 =	sshll.u32 s1, $0xD;
	s1 =	sshrl.u32 s1, $0x2  }
0xb9: {  	s3 =	sand.u32 $0x4000, s31;
	s1 =	sadd.s32 s1, s30  }
0xba: {  	s0 =	sor.u32 s3, s0;
	s1 =	sshll.u32 s1, $0x11  }
0xbb: {  	s0 =	sor.u32 s1, s0  }
0xbc: {  	s0 =	sadd.s32 $0x8F2B, s0  }
0xbd: {  	[sflag:s0] =	ssyncadd.remote.s32 $0x1  }
0xbe: {  	_ =	sfence.sel $0xFFFF  }
0xbf: {  	[dreg:$0x0] =	wrdreg $0xFFFFFFFF;
	(pc) =	sbr.abs _section_cstart, $3  }
0xc0: {  	[dreg:$0x1] =	wrdreg $0xFFFFFFFF  }
0xc1: {  	_ =	task.clear_ibuf [dreg:s7], $0x2FFFF;
	_ =	strace $0x9FFFFFFF  }
0xc2: {  	(tm) =	ssettm $0x7FFFFFFF  }
0xc3: {  	_ =	shalt  }
tec
execute0_lowered:
.L_overlay_start_1:
0x0: {  	(tag) =	ssettag $0x1  }
0x1: {  	s0 =	srdreg.scid;
	s1 =	rddreg [dreg:$0x0]  }
0x2: {  	s5 =	stileid.u32;
	s7 =	rddreg [dreg:$0x1];
	s16 =	simm.s32 $0x80  }
0x3: {  	s23 =	simm.s32 $0x7C00;
	s24 =	simm.s32 $0x9C00;
	s25 =	simm.s32 $0x8000  }
0x4: {  	s26 =	simm.s32 $0xA000;
	s29 =	simm.s32 $0x8400;
	s30 =	simm.s32 $0xA400  }
0x5: {  	s28 =	simm.s32 $0x3;
	s0 =	sand.u32 $0x1, s0;
	s2 =	sshll.u32 s5, $0x1  }
0x6: {  	s6 =	sadd.s32 $0x2A4600, s1;
	s8 =	sor.u32 s0, s2;
	s2 =	simm.s32 $0x0  }
0x7: {  	v7 =	vimm.s32 $0x1070503;
	s11 =	smul.u32 $0x34000, s5;
	s17 =	sadd.s32 $0x23C600, s1;
	[smem:$0x7FF] =	sst s2  }
0x8: {  	v0 =	vlaneseq.u32;
	v9 =	vimm.s32 $0x2000604;
	s14 =	smul.u32 $0x6800, s5;
	_ =	strace $0x80000047;
	[dreg:$0x9] =	wrdreg s6  }
0x9: {  	v5 =	vimm.s32 $0x60402;
	v11 =	vimm.s32 $0x3010705;
	v13 =	vimm.s32 $0x4020006;
	s31 =	simm.s32 $0x0;
	s12 =	smul.u32 $0x1A000, s0;
	[dreg:$0xa] =	wrdreg s17  }
0xa: {  	v15 =	vimm.s32 $0x5030107;
	v1 =	vand.u32 $0x3, v0;
	v0 =	vmul.u32 $0x1A, v0;
	s10 =	ssub.s32 $0x2, s0;
	s0 =	smul.u32 $0x3400, s0;
	[dreg:$0x3] =	wrdreg s23  }
0xb: {  	s4 =	sadd.s32 $0x21CA00, s1;
	v5 =	vunpack.c.0.s8.s32 v5;
	v7 =	vunpack.c.0.s8.s32 v7;
	v9 =	vunpack.c.0.s8.s32 v9;
	s3 =	smul.u32 $0x680, s8;
	[dreg:$0x4] =	wrdreg s24  }
0xc: {  	v11 =	vunpack.c.0.s8.s32 v11;
	v13 =	vunpack.c.0.s8.s32 v13;
	v15 =	vunpack.c.0.s8.s32 v15;
	s13 =	sshrl.u32 s10, $0x1;
	s20 =	sshll.u32 s8, $0x6;
	[dreg:$0x5] =	wrdreg s25  }
0xd: {  	v1 =	vmul.u32 $0x2, v1;
	v2 =	vor.u32 $0x1, v0;
	v4 =	vadd.s32 $0x2, v0;
	s13 =	ssub.s32 s10, s13;
	s21 =	sadd.s32 s12, s11;
	[dreg:$0x6] =	wrdreg s26  }
0xe: {  	v6 =	vadd.s32 $0x3, v0;
	v8 =	vadd.s32 $0x4, v0;
	v10 =	vadd.s32 $0x5, v0;
	s0 =	sadd.s32 s0, s14;
	s14 =	simm.s32 $0x4;
	[dreg:$0x7] =	wrdreg s29  }
0xf: {  	v12 =	vadd.s32 $0x6, v0;
	v14 =	vadd.s32 $0x7, v0;
	v16 =	vadd.s32 $0x8, v0;
	s17 =	simm.s32 $0x6800;
	[dreg:$0x8] =	wrdreg s30;
	s23 =	simm.s32 $0x9800  }
0x10: {  	v17 =	vadd.s32 $0x9, v0;
	v18 =	vadd.s32 $0xA, v0;
	v19 =	vadd.s32 $0xB, v0;
	s25 =	simm.s32 $0x1;
	s26 =	simm.s32 $0x2;
	s9 =	sadd.s32 s3, s1  }
0x11: {  	v20 =	vadd.s32 $0xC, v0;
	v21 =	vadd.s32 $0xD, v0;
	v22 =	vadd.s32 $0xE, v0;
	s3 =	sadd.s32 $0x1CA00, s1;
	s22 =	smax.u32 s13, $0x1;
	s12 =	sshrl.u32 s21, $0x3  }
0x12: {  	v23 =	vadd.s32 $0xF, v0;
	v24 =	vadd.s32 $0x10, v0;
	v25 =	vadd.s32 $0x11, v0;
	s13 =	sor.u32 $0x200, s0;
	s18 =	sadd.s32 $0x2A00, s9;
	[dreg:$0xe] =	wrdreg s22  }
0x13: {  	v26 =	vadd.s32 $0x12, v0;
	v27 =	vadd.s32 $0x13, v0;
	v28 =	vadd.s32 $0x14, v0;
	s19 =	sadd.s32 $0xFA00, s9;
	s9 =	sadd.s32 $0x11CA00, s1;
	[dreg:$0xb] =	wrdreg s18  }
0x14: {  	v29 =	vadd.s32 $0x15, v0;
	v30 =	vadd.s32 $0x16, v0;
	v31 =	vadd.s32 $0x17, v0;
	s1 =	sadd.s32 s7, s20;
	s22 =	simm.s32 $0x7800;
	[dreg:$0xc] =	wrdreg s19  }
0x15: {  	v32 =	vadd.s32 $0x18, v0;
	v33 =	vadd.s32 $0x19, v0;
	v3 =	vor.u32 $0x1, v1;
	[dreg:$0xd] =	wrdreg s1;
	s18 =	simm.s32 $0x8800;
	s19 =	simm.s32 $0xA800  }
.LBB2_1:
0x16: {  	s0 =	rddreg [dreg:$0xb]  }
0x17: {  	[tilespmem:s2], [sflag:$0x4] =	stream.linear.gather [hbm4b:s0+s2], $0x3400, $0x38;
	[tilespmem:$0xDE00] =	vst v63  }
0x18: {  	_ =	swait.ge [sflag:s14], $0x3400  }
0x19: {  	[sflag:s14] =	ssyncset.done $0x0  }
0x1a: {  	s1 =	simm.s32 $0x3400;
	s20 =	rddreg [dreg:$0xc];
	[sflag:s14] =	ssyncadd.s32 $0xFFFFCC00  }
0x1b: {  	[tilespmem:s1], [sflag:$0x4] =	stream.linear.gather [hbm4b:s20+s2], $0x3400, $0x38;
	[tilespmem:$0xDE00] =	vst v63  }
0x1c: {  	_ =	swait.ge [sflag:s14], $0x3400  }
0x1d: {  	[sflag:s14] =	ssyncset.done $0x0  }
0x1e: {  	[sflag:s14] =	ssyncadd.s32 $0xFFFFCC00  }
0x1f: {  	[tilespmem:s17], [sflag:$0x1] =	stream.indirect.gather [hbm4b:s3+s16], $0x8, s1, s16, $0xb8;
	[tilespmem:$0xDE00] =	vst v63  }
0x20: {  	_ = 	snop  }
0x21: {  	[tilespmem:s18], [sflag:$0x1] =	stream.indirect.gather [hbm4b:s9+s16], $0x8, s1, s16, $0xb8;
	[tilespmem:$0xDE00] =	vst v63  }
0x22: {  	_ = 	snop  }
0x23: {  	[tilespmem:s19], [sflag:$0x3] =	stream.indirect.gather [hbm4b:s4+s16], $0x1, s2, s16, $0xb8;
	[tilespmem:$0xDE00] =	vst v63  }
0x24: {  	s21 =	simm.s32 $0x3480;
	s24 =	simm.s32 $0x6C00  }
0x25: {  	[tilespmem:s24], [sflag:$0x1] =	stream.indirect.gather [hbm4b:s3+s16], $0x8, s21, s16, $0xb8;
	[tilespmem:$0xDE00] =	vst v63  }
0x26: {  	s30 =	simm.s32 $0x8C00  }
0x27: {  	[tilespmem:s30], [sflag:$0x1] =	stream.indirect.gather [hbm4b:s9+s16], $0x8, s21, s16, $0xb8;
	[tilespmem:$0xDE00] =	vst v63  }
0x28: {  	s5 =	simm.s32 $0xA880  }
0x29: {  	[tilespmem:s5], [sflag:$0x3] =	stream.indirect.gather [hbm4b:s4+s16], $0x1, s16, s16, $0xb8;
	[tilespmem:$0xDE00] =	vst v63  }
0x2a: {  	s6 =	simm.s32 $0x3500;
	s7 =	simm.s32 $0x7000  }
0x2b: {  	[tilespmem:s7], [sflag:$0x1] =	stream.indirect.gather [hbm4b:s3+s16], $0x8, s6, s16, $0xb8;
	[tilespmem:$0xDE00] =	vst v63  }
0x2c: {  	s8 =	simm.s32 $0x9000  }
0x2d: {  	[tilespmem:s8], [sflag:$0x1] =	stream.indirect.gather [hbm4b:s9+s16], $0x8, s6, s16, $0xb8;
	[tilespmem:$0xDE00] =	vst v63  }
0x2e: {  	s10 =	simm.s32 $0x100;
	s11 =	simm.s32 $0xA900  }
0x2f: {  	[tilespmem:s11], [sflag:$0x3] =	stream.indirect.gather [hbm4b:s4+s16], $0x1, s10, s16, $0xb8;
	[tilespmem:$0xDE00] =	vst v63  }
0x30: {  	s15 =	simm.s32 $0x3580;
	s20 =	simm.s32 $0x7400  }
0x31: {  	[tilespmem:s20], [sflag:$0x1] =	stream.indirect.gather [hbm4b:s3+s16], $0x8, s15, s16, $0xb8;
	[tilespmem:$0xDE00] =	vst v63  }
0x32: {  	s21 =	simm.s32 $0x9400  }
0x33: {  	[tilespmem:s21], [sflag:$0x1] =	stream.indirect.gather [hbm4b:s9+s16], $0x8, s15, s16, $0xb8;
	[tilespmem:$0xDE00] =	vst v63  }
0x34: {  	s24 =	simm.s32 $0x180;
	s30 =	simm.s32 $0xA980  }
0x35: {  	[tilespmem:s30], [sflag:$0x3] =	stream.indirect.gather [hbm4b:s4+s16], $0x1, s24, s16, $0xb8;
	[tilespmem:$0xDE00] =	vst v63  }
0x36: {  	s5 =	simm.s32 $0x3600  }
0x37: {  	[tilespmem:s22], [sflag:$0x2] =	stream.indirect.gather [hbm4b:s3+s16], $0x8, s5, s16, $0xb8;
	[tilespmem:$0xDE00] =	vst v63  }
0x38: {  	_ = 	snop  }
0x39: {  	[tilespmem:s23], [sflag:$0x2] =	stream.indirect.gather [hbm4b:s9+s16], $0x8, s5, s16, $0xb8;
	[tilespmem:$0xDE00] =	vst v63  }
0x3a: {  	s6 =	simm.s32 $0xAA00;
	s8 =	simm.s32 $0x200  }
0x3b: {  	[tilespmem:s6], [sflag:$0x3] =	stream.indirect.gather [hbm4b:s4+s16], $0x1, s8, s16, $0xb8;
	[tilespmem:$0xDE00] =	vst v63  }
0x3c: {  	s7 =	rddreg [dreg:$0x3];
	s10 =	simm.s32 $0x3680  }
0x3d: {  	[tilespmem:s7], [sflag:$0x2] =	stream.indirect.gather [hbm4b:s3+s16], $0x8, s10, s16, $0xb8;
	[tilespmem:$0xDE00] =	vst v63  }
0x3e: {  	s11 =	rddreg [dreg:$0x4]  }
0x3f: {  	[tilespmem:s11], [sflag:$0x2] =	stream.indirect.gather [hbm4b:s9+s16], $0x8, s10, s16, $0xb8;
	[tilespmem:$0xDE00] =	vst v63  }
0x40: {  	s20 =	simm.s32 $0x280;
	s15 =	simm.s32 $0xAA80  }
0x41: {  	[tilespmem:s15], [sflag:$0x3] =	stream.indirect.gather [hbm4b:s4+s16], $0x1, s20, s16, $0xb8;
	[tilespmem:$0xDE00] =	vst v63  }
0x42: {  	s21 =	rddreg [dreg:$0x5];
	s24 =	simm.s32 $0x3700  }
0x43: {  	[tilespmem:s21], [sflag:$0x2] =	stream.indirect.gather [hbm4b:s3+s16], $0x8, s24, s16, $0xb8;
	[tilespmem:$0xDE00] =	vst v63  }
0x44: {  	s30 =	rddreg [dreg:$0x6]  }
0x45: {  	[tilespmem:s30], [sflag:$0x2] =	stream.indirect.gather [hbm4b:s9+s16], $0x8, s24, s16, $0xb8;
	[tilespmem:$0xDE00] =	vst v63  }
0x46: {  	s1 =	simm.s32 $0xAB00;
	s5 =	simm.s32 $0x300  }
0x47: {  	[tilespmem:s1], [sflag:$0x3] =	stream.indirect.gather [hbm4b:s4+s16], $0x1, s5, s16, $0xb8;
	[tilespmem:$0xDE00] =	vst v63  }
0x48: {  	s6 =	rddreg [dreg:$0x7];
	s8 =	simm.s32 $0x3780  }
0x49: {  	[tilespmem:s6], [sflag:$0x2] =	stream.indirect.gather [hbm4b:s3+s16], $0x8, s8, s16, $0xb8;
	[tilespmem:$0xDE00] =	vst v63  }
0x4a: {  	s10 =	rddreg [dreg:$0x8]  }
0x4b: {  	[tilespmem:s10], [sflag:$0x2] =	stream.indirect.gather [hbm4b:s9+s16], $0x8, s8, s16, $0xb8;
	[tilespmem:$0xDE00] =	vst v63  }
0x4c: {  	s11 =	simm.s32 $0xAB80;
	s15 =	simm.s32 $0x380  }
0x4d: {  	[tilespmem:s11], [sflag:$0x3] =	stream.indirect.gather [hbm4b:s4+s16], $0x1, s15, s16, $0xb8;
	[tilespmem:$0xDE00] =	vst v63  }
0x4e: {  	_ =	swait.ge [sflag:s25], $0x400  }
0x4f: {  	[sflag:s25] =	ssyncset.done $0x0  }
0x50: {  	[sflag:s25] =	ssyncadd.s32 $0xFFFFFC00  }
0x51: {  	_ =	swait.ge [sflag:s25], $0x400  }
0x52: {  	[sflag:s25] =	ssyncset.done $0x0  }
0x53: {  	[sflag:s25] =	ssyncadd.s32 $0xFFFFFC00  }
0x54: {  	_ =	swait.ge [sflag:s25], $0x400  }
0x55: {  	[sflag:s25] =	ssyncset.done $0x0  }
0x56: {  	[sflag:s25] =	ssyncadd.s32 $0xFFFFFC00  }
0x57: {  	_ =	swait.ge [sflag:s25], $0x400  }
0x58: {  	[sflag:s25] =	ssyncset.done $0x0  }
0x59: {  	[sflag:s25] =	ssyncadd.s32 $0xFFFFFC00  }
0x5a: {  	_ =	swait.ge [sflag:s25], $0x400  }
0x5b: {  	[sflag:s25] =	ssyncset.done $0x0  }
0x5c: {  	[sflag:s25] =	ssyncadd.s32 $0xFFFFFC00  }
0x5d: {  	_ =	swait.ge [sflag:s25], $0x400  }
0x5e: {  	[sflag:s25] =	ssyncset.done $0x0  }
0x5f: {  	[sflag:s25] =	ssyncadd.s32 $0xFFFFFC00  }
0x60: {  	_ =	swait.ge [sflag:s25], $0x400  }
0x61: {  	[sflag:s25] =	ssyncset.done $0x0  }
0x62: {  	[sflag:s25] =	ssyncadd.s32 $0xFFFFFC00  }
0x63: {  	_ =	swait.ge [sflag:s25], $0x400  }
0x64: {  	[sflag:s25] =	ssyncset.done $0x0;
	s5 =	rddreg [dreg:$0x9]  }
0x65: {  	[sflag:s25] =	ssyncadd.s32 $0xFFFFFC00;
	s20 =	sadd.s32 s5, s12  }
0x66: {  	[hbm4b:s20+s2] =	stream.linear.scatter [tilespmem:s17], [sflag:$0x4], $0x1000, $0x38;
	[tilespmem:$0xDE00] =	vst v63  }
0x67: {  	_ =	swait.ge [sflag:s14], $0x1000  }
0x68: {  	[sflag:s14] =	ssyncset.done $0x0;
	s6 =	rddreg [dreg:$0xa]  }
0x69: {  	[sflag:s14] =	ssyncadd.s32 $0xFFFFF000;
	s21 =	sadd.s32 s6, s12  }
0x6a: {  	[hbm4b:s21+s2] =	stream.linear.scatter [tilespmem:s18], [sflag:$0x4], $0x1000, $0x38;
	[tilespmem:$0xDE00] =	vst v63  }
0x6b: {  	p0 =	por $0x0, $0x0;
	_ =	swait.ge [sflag:s14], $0x1000  }
0x6c: {  	s0 =	simm.s32 @!p0 $0x6800;
	[sflag:s14] =	ssyncset.done $0x0  }
0x6d: {  	s7 =	simm.s32 @!p0 $0x80;
	s1 =	simm.s32 @!p0 $0x3800;
	[sflag:s14] =	ssyncadd.s32 $0xFFFFF000  }
0x6e: {  	[tilespmem:s0], [sflag:$0x1] =	stream.indirect.gather @!p0 [hbm4b:s3+s7], $0x8, s1, s7, $0xb8;
	[tilespmem:$0xDE00] =	vst v63  }
0x6f: {  	s0 =	simm.s32 @!p0 $0x8800  }
0x70: {  	[tilespmem:s0], [sflag:$0x1] =	stream.indirect.gather @!p0 [hbm4b:s9+s7], $0x8, s1, s7, $0xb8;
	[tilespmem:$0xDE00] =	vst v63  }
0x71: {  	s0 =	simm.s32 @!p0 $0xAC00;
	s1 =	simm.s32 @!p0 $0x400  }
0x72: {  	[tilespmem:s0], [sflag:$0x3] =	stream.indirect.gather @!p0 [hbm4b:s4+s7], $0x1, s1, s7, $0xb8;
	[tilespmem:$0xDE00] =	vst v63  }
0x73: {  	s0 =	simm.s32 @!p0 $0x3880;
	s1 =	simm.s32 @!p0 $0x6C00  }
0x74: {  	[tilespmem:s1], [sflag:$0x1] =	stream.indirect.gather @!p0 [hbm4b:s3+s7], $0x8, s0, s7, $0xb8;
	[tilespmem:$0xDE00] =	vst v63  }
0x75: {  	s1 =	simm.s32 @!p0 $0x8C00  }
0x76: {  	[tilespmem:s1], [sflag:$0x1] =	stream.indirect.gather @!p0 [hbm4b:s9+s7], $0x8, s0, s7, $0xb8;
	[tilespmem:$0xDE00] =	vst v63  }
0x77: {  	s0 =	simm.s32 @!p0 $0xAC80;
	s1 =	simm.s32 @!p0 $0x480  }
0x78: {  	[tilespmem:s0], [sflag:$0x3] =	stream.indirect.gather @!p0 [hbm4b:s4+s7], $0x1, s1, s7, $0xb8;
	[tilespmem:$0xDE00] =	vst v63  }
0x79: {  	s0 =	simm.s32 @!p0 $0x3900;
	s1 =	simm.s32 @!p0 $0x7000  }
0x7a: {  	[tilespmem:s1], [sflag:$0x1] =	stream.indirect.gather @!p0 [hbm4b:s3+s7], $0x8, s0, s7, $0xb8;
	[tilespmem:$0xDE00] =	vst v63  }
0x7b: {  	s1 =	simm.s32 @!p0 $0x9000  }
0x7c: {  	[tilespmem:s1], [sflag:$0x1] =	stream.indirect.gather @!p0 [hbm4b:s9+s7], $0x8, s0, s7, $0xb8;
	[tilespmem:$0xDE00] =	vst v63  }
0x7d: {  	s0 =	simm.s32 @!p0 $0xAD00;
	s1 =	simm.s32 @!p0 $0x500  }
0x7e: {  	[tilespmem:s0], [sflag:$0x3] =	stream.indirect.gather @!p0 [hbm4b:s4+s7], $0x1, s1, s7, $0xb8;
	[tilespmem:$0xDE00] =	vst v63  }
0x7f: {  	s0 =	simm.s32 @!p0 $0x3980;
	s1 =	simm.s32 @!p0 $0x7400  }
0x80: {  	[tilespmem:s1], [sflag:$0x1] =	stream.indirect.gather @!p0 [hbm4b:s3+s7], $0x8, s0, s7, $0xb8;
	[tilespmem:$0xDE00] =	vst v63  }
0x81: {  	s1 =	simm.s32 @!p0 $0x9400  }
0x82: {  	[tilespmem:s1], [sflag:$0x1] =	stream.indirect.gather @!p0 [hbm4b:s9+s7], $0x8, s0, s7, $0xb8;
	[tilespmem:$0xDE00] =	vst v63  }
0x83: {  	s0 =	simm.s32 @!p0 $0xAD80;
	s1 =	simm.s32 @!p0 $0x580  }
0x84: {  	[tilespmem:s0], [sflag:$0x3] =	stream.indirect.gather @!p0 [hbm4b:s4+s7], $0x1, s1, s7, $0xb8;
	[tilespmem:$0xDE00] =	vst v63  }
0x85: {  	_ =	swait.ge [sflag:s26], $0x400  }
0x86: {  	[sflag:s26] =	ssyncset.done $0x0  }
0x87: {  	[sflag:s26] =	ssyncadd.s32 $0xFFFFFC00  }
0x88: {  	_ =	swait.ge [sflag:s26], $0x400  }
0x89: {  	[sflag:s26] =	ssyncset.done $0x0  }
0x8a: {  	[sflag:s26] =	ssyncadd.s32 $0xFFFFFC00  }
0x8b: {  	_ =	swait.ge [sflag:s26], $0x400  }
0x8c: {  	[sflag:s26] =	ssyncset.done $0x0  }
0x8d: {  	[sflag:s26] =	ssyncadd.s32 $0xFFFFFC00  }
0x8e: {  	_ =	swait.ge [sflag:s26], $0x400  }
0x8f: {  	[sflag:s26] =	ssyncset.done $0x0  }
0x90: {  	[sflag:s26] =	ssyncadd.s32 $0xFFFFFC00  }
0x91: {  	_ =	swait.ge [sflag:s26], $0x400  }
0x92: {  	[sflag:s26] =	ssyncset.done $0x0  }
0x93: {  	[sflag:s26] =	ssyncadd.s32 $0xFFFFFC00  }
0x94: {  	_ =	swait.ge [sflag:s26], $0x400  }
0x95: {  	[sflag:s26] =	ssyncset.done $0x0  }
0x96: {  	[sflag:s26] =	ssyncadd.s32 $0xFFFFFC00  }
0x97: {  	_ =	swait.ge [sflag:s26], $0x400  }
0x98: {  	[sflag:s26] =	ssyncset.done $0x0  }
0x99: {  	[sflag:s26] =	ssyncadd.s32 $0xFFFFFC00  }
0x9a: {  	_ =	swait.ge [sflag:s26], $0x400  }
0x9b: {  	[sflag:s26] =	ssyncset.done $0x0  }
0x9c: {  	s24 =	sadd.s32 s5, s13;
	[sflag:s26] =	ssyncadd.s32 $0xFFFFFC00  }
0x9d: {  	[hbm4b:s24+s2] =	stream.linear.scatter [tilespmem:s22], [sflag:$0x4], $0x1000, $0x38;
	[tilespmem:$0xDE00] =	vst v63  }
0x9e: {  	_ =	swait.ge [sflag:s14], $0x1000  }
0x9f: {  	[sflag:s14] =	ssyncset.done $0x0  }
0xa0: {  	s29 =	simm.s32 $0x2000;
	s30 =	sadd.s32 s6, s13;
	[sflag:s14] =	ssyncadd.s32 $0xFFFFF000  }
0xa1: {  	[hbm4b:s30+s2] =	stream.linear.scatter [tilespmem:s23], [sflag:$0x4], $0x1000, $0x38;
	[tilespmem:$0xDE00] =	vst v63  }
0xa2: {  	s8 =	simm.s32 $0x400;
	s21 =	simm.s32 $0x1000;
	_ =	swait.ge [sflag:s14], $0x1000  }
0xa3: {  	s0 =	sadd.s32 $0x400, s5;
	s1 =	sadd.s32 $0x400, s6;
	[sflag:s14] =	ssyncset.done $0x0  }
.LBB2_2:
0xa4: {  	s10 =	sadd.s32 $0x3600, s8;
	[sflag:s14] =	ssyncadd.s32 $0xFFFFF000  }
0xa5: {  	[tilespmem:s22], [sflag:$0x2] =	stream.indirect.gather [hbm4b:s3+s16], $0x8, s10, s16, $0xb8;
	[tilespmem:$0xDE00] =	vst v63  }
0xa6: {  	_ = 	snop  }
0xa7: {  	[tilespmem:s23], [sflag:$0x2] =	stream.indirect.gather [hbm4b:s9+s16], $0x8, s10, s16, $0xb8;
	[tilespmem:$0xDE00] =	vst v63  }
0xa8: {  	s6 =	sadd.s32 $0xAA00, s8;
	s11 =	sadd.s32 $0x200, s8  }
0xa9: {  	[tilespmem:s6], [sflag:$0x3] =	stream.indirect.gather [hbm4b:s4+s16], $0x1, s11, s16, $0xb8;
	[tilespmem:$0xDE00] =	vst v63  }
0xaa: {  	s20 =	rddreg [dreg:$0x3];
	s11 =	sadd.s32 $0x3680, s8  }
0xab: {  	[tilespmem:s20], [sflag:$0x2] =	stream.indirect.gather [hbm4b:s3+s16], $0x8, s11, s16, $0xb8;
	[tilespmem:$0xDE00] =	vst v63  }
0xac: {  	s15 =	rddreg [dreg:$0x4]  }
0xad: {  	[tilespmem:s15], [sflag:$0x2] =	stream.indirect.gather [hbm4b:s9+s16], $0x8, s11, s16, $0xb8;
	[tilespmem:$0xDE00] =	vst v63  }
0xae: {  	s24 =	sadd.s32 $0x280, s8;
	s20 =	sadd.s32 $0xAA80, s8  }
0xaf: {  	[tilespmem:s20], [sflag:$0x3] =	stream.indirect.gather [hbm4b:s4+s16], $0x1, s24, s16, $0xb8;
	[tilespmem:$0xDE00] =	vst v63  }
0xb0: {  	s30 =	rddreg [dreg:$0x5];
	s5 =	sadd.s32 $0x3700, s8  }
0xb1: {  	[tilespmem:s30], [sflag:$0x2] =	stream.indirect.gather [hbm4b:s3+s16], $0x8, s5, s16, $0xb8;
	[tilespmem:$0xDE00] =	vst v63  }
0xb2: {  	s6 =	rddreg [dreg:$0x6]  }
0xb3: {  	[tilespmem:s6], [sflag:$0x2] =	stream.indirect.gather [hbm4b:s9+s16], $0x8, s5, s16, $0xb8;
	[tilespmem:$0xDE00] =	vst v63  }
0xb4: {  	s15 =	sadd.s32 $0xAB00, s8;
	s20 =	sadd.s32 $0x300, s8  }
0xb5: {  	[tilespmem:s15], [sflag:$0x3] =	stream.indirect.gather [hbm4b:s4+s16], $0x1, s20, s16, $0xb8;
	[tilespmem:$0xDE00] =	vst v63  }
0xb6: {  	s24 =	rddreg [dreg:$0x7];
	s30 =	sadd.s32 $0x3780, s8  }
0xb7: {  	[tilespmem:s24], [sflag:$0x2] =	stream.indirect.gather [hbm4b:s3+s16], $0x8, s30, s16, $0xb8;
	[tilespmem:$0xDE00] =	vst v63  }
0xb8: {  	s5 =	rddreg [dreg:$0x8]  }
0xb9: {  	[tilespmem:s5], [sflag:$0x2] =	stream.indirect.gather [hbm4b:s9+s16], $0x8, s30, s16, $0xb8;
	[tilespmem:$0xDE00] =	vst v63  }
0xba: {  	s11 =	sadd.s32 $0x380, s8;
	s6 =	sadd.s32 $0xAB80, s8  }
0xbb: {  	[tilespmem:s6], [sflag:$0x3] =	stream.indirect.gather [hbm4b:s4+s16], $0x1, s11, s16, $0xb8;
	[tilespmem:$0xDE00] =	vst v63  }
0xbc: {  	_ =	swait.ge [sflag:s25], $0x400  }
0xbd: {  	[sflag:s25] =	ssyncset.done $0x0  }
0xbe: {  	[sflag:s25] =	ssyncadd.s32 $0xFFFFFC00  }
0xbf: {  	_ =	swait.ge [sflag:s25], $0x400  }
0xc0: {  	[sflag:s25] =	ssyncset.done $0x0  }
0xc1: {  	[sflag:s25] =	ssyncadd.s32 $0xFFFFFC00  }
0xc2: {  	_ =	swait.ge [sflag:s25], $0x400  }
0xc3: {  	[sflag:s25] =	ssyncset.done $0x0  }
0xc4: {  	[sflag:s25] =	ssyncadd.s32 $0xFFFFFC00  }
0xc5: {  	_ =	swait.ge [sflag:s25], $0x400  }
0xc6: {  	[sflag:s25] =	ssyncset.done $0x0  }
0xc7: {  	[sflag:s25] =	ssyncadd.s32 $0xFFFFFC00  }
0xc8: {  	_ =	swait.ge [sflag:s25], $0x400  }
0xc9: {  	[sflag:s25] =	ssyncset.done $0x0  }
0xca: {  	[sflag:s25] =	ssyncadd.s32 $0xFFFFFC00  }
0xcb: {  	_ =	swait.ge [sflag:s25], $0x400  }
0xcc: {  	[sflag:s25] =	ssyncset.done $0x0  }
0xcd: {  	[sflag:s25] =	ssyncadd.s32 $0xFFFFFC00  }
0xce: {  	_ =	swait.ge [sflag:s25], $0x400  }
0xcf: {  	[sflag:s25] =	ssyncset.done $0x0  }
0xd0: {  	[sflag:s25] =	ssyncadd.s32 $0xFFFFFC00  }
0xd1: {  	_ =	swait.ge [sflag:s25], $0x400  }
0xd2: {  	[sflag:s25] =	ssyncset.done $0x0  }
0xd3: {  	s15 =	sadd.s32 s0, s12;
	[sflag:s25] =	ssyncadd.s32 $0xFFFFFC00  }
0xd4: {  	[hbm4b:s15+s2] =	stream.linear.scatter [tilespmem:s17], [sflag:$0x4], $0x1000, $0x38;
	[tilespmem:$0xDE00] =	vst v63  }
0xd5: {  	_ =	swait.ge [sflag:s14], $0x1000  }
0xd6: {  	[sflag:s14] =	ssyncset.done $0x0  }
0xd7: {  	s20 =	sadd.s32 s1, s12;
	[sflag:s14] =	ssyncadd.s32 $0xFFFFF000  }
0xd8: {  	[hbm4b:s20+s2] =	stream.linear.scatter [tilespmem:s18], [sflag:$0x4], $0x1000, $0x38;
	[tilespmem:$0xDE00] =	vst v63  }
0xd9: {  	p1 =	seq.s32 s21, $0xC000;
	_ =	swait.ge [sflag:s14], $0x1000  }
0xda: {  	s10 =	simm.s32 @!p1 $0x6800;
	s8 =	sshra.s32 @!p1 s21, $0x2;
	[sflag:s14] =	ssyncset.done $0x0  }
0xdb: {  	s11 =	sadd.s32 @!p1 $0x3800, s8;
	s20 =	simm.s32 @!p1 $0x80;
	[sflag:s14] =	ssyncadd.s32 $0xFFFFF000  }
0xdc: {  	[tilespmem:s10], [sflag:$0x1] =	stream.indirect.gather @!p1 [hbm4b:s3+s20], $0x8, s11, s20, $0xb8;
	[tilespmem:$0xDE00] =	vst v63  }
0xdd: {  	s10 =	simm.s32 @!p1 $0x8800  }
0xde: {  	[tilespmem:s10], [sflag:$0x1] =	stream.indirect.gather @!p1 [hbm4b:s9+s20], $0x8, s11, s20, $0xb8;
	[tilespmem:$0xDE00] =	vst v63  }
0xdf: {  	s21 =	sadd.s32 @!p1 $0xAC00, s8;
	s24 =	sadd.s32 @!p1 $0x400, s8  }
0xe0: {  	[tilespmem:s21], [sflag:$0x3] =	stream.indirect.gather @!p1 [hbm4b:s4+s20], $0x1, s24, s20, $0xb8;
	[tilespmem:$0xDE00] =	vst v63  }
0xe1: {  	s21 =	sadd.s32 @!p1 $0x3880, s8;
	s24 =	simm.s32 @!p1 $0x6C00  }
0xe2: {  	[tilespmem:s24], [sflag:$0x1] =	stream.indirect.gather @!p1 [hbm4b:s3+s20], $0x8, s21, s20, $0xb8;
	[tilespmem:$0xDE00] =	vst v63  }
0xe3: {  	s24 =	simm.s32 @!p1 $0x8C00  }
0xe4: {  	[tilespmem:s24], [sflag:$0x1] =	stream.indirect.gather @!p1 [hbm4b:s9+s20], $0x8, s21, s20, $0xb8;
	[tilespmem:$0xDE00] =	vst v63  }
0xe5: {  	s7 =	smov.u32 s29;
	s10 =	sadd.s32 @!p1 $0xAC80, s8;
	s11 =	sadd.s32 @!p1 $0x480, s8  }
0xe6: {  	[tilespmem:s10], [sflag:$0x3] =	stream.indirect.gather @!p1 [hbm4b:s4+s20], $0x1, s11, s20, $0xb8;
	[tilespmem:$0xDE00] =	vst v63  }
0xe7: {  	s21 =	smov.u32 s7;
	s7 =	sadd.s32 @!p1 $0x3900, s8;
	s10 =	simm.s32 @!p1 $0x7000  }
0xe8: {  	[tilespmem:s10], [sflag:$0x1] =	stream.indirect.gather @!p1 [hbm4b:s3+s20], $0x8, s7, s20, $0xb8;
	[tilespmem:$0xDE00] =	vst v63  }
0xe9: {  	s10 =	simm.s32 @!p1 $0x9000  }
0xea: {  	[tilespmem:s10], [sflag:$0x1] =	stream.indirect.gather @!p1 [hbm4b:s9+s20], $0x8, s7, s20, $0xb8;
	[tilespmem:$0xDE00] =	vst v63  }
0xeb: {  	s30 =	sadd.s32 @!p1 $0xAD00, s8;
	s5 =	sadd.s32 @!p1 $0xAD80, s8;
	s15 =	sadd.s32 @!p1 $0x500, s8  }
0xec: {  	[tilespmem:s30], [sflag:$0x3] =	stream.indirect.gather @!p1 [hbm4b:s4+s20], $0x1, s15, s20, $0xb8;
	[tilespmem:$0xDE00] =	vst v63  }
0xed: {  	s6 =	sadd.s32 @!p1 $0x580, s8;
	s7 =	sadd.s32 @!p1 $0x3980, s8;
	s8 =	simm.s32 @!p1 $0x7400  }
0xee: {  	[tilespmem:s8], [sflag:$0x1] =	stream.indirect.gather @!p1 [hbm4b:s3+s20], $0x8, s7, s20, $0xb8;
	[tilespmem:$0xDE00] =	vst v63  }
0xef: {  	s8 =	simm.s32 @!p1 $0x9400  }
0xf0: {  	[tilespmem:s8], [sflag:$0x1] =	stream.indirect.gather @!p1 [hbm4b:s9+s20], $0x8, s7, s20, $0xb8;
	[tilespmem:$0xDE00] =	vst v63  }
0xf1: {  	_ = 	snop  }
0xf2: {  	[tilespmem:s5], [sflag:$0x3] =	stream.indirect.gather @!p1 [hbm4b:s4+s20], $0x1, s6, s20, $0xb8;
	[tilespmem:$0xDE00] =	vst v63  }
0xf3: {  	_ =	swait.ge [sflag:s26], $0x400  }
0xf4: {  	[sflag:s26] =	ssyncset.done $0x0  }
0xf5: {  	[sflag:s26] =	ssyncadd.s32 $0xFFFFFC00  }
0xf6: {  	_ =	swait.ge [sflag:s26], $0x400  }
0xf7: {  	[sflag:s26] =	ssyncset.done $0x0  }
0xf8: {  	[sflag:s26] =	ssyncadd.s32 $0xFFFFFC00  }
0xf9: {  	_ =	swait.ge [sflag:s26], $0x400  }
0xfa: {  	[sflag:s26] =	ssyncset.done $0x0  }
0xfb: {  	[sflag:s26] =	ssyncadd.s32 $0xFFFFFC00  }
0xfc: {  	_ =	swait.ge [sflag:s26], $0x400  }
0xfd: {  	[sflag:s26] =	ssyncset.done $0x0  }
0xfe: {  	[sflag:s26] =	ssyncadd.s32 $0xFFFFFC00  }
0xff: {  	_ =	swait.ge [sflag:s26], $0x400  }
0x100: {  	[sflag:s26] =	ssyncset.done $0x0  }
0x101: {  	[sflag:s26] =	ssyncadd.s32 $0xFFFFFC00  }
0x102: {  	_ =	swait.ge [sflag:s26], $0x400  }
0x103: {  	[sflag:s26] =	ssyncset.done $0x0  }
0x104: {  	[sflag:s26] =	ssyncadd.s32 $0xFFFFFC00  }
0x105: {  	_ =	swait.ge [sflag:s26], $0x400  }
0x106: {  	[sflag:s26] =	ssyncset.done $0x0  }
0x107: {  	[sflag:s26] =	ssyncadd.s32 $0xFFFFFC00  }
0x108: {  	_ =	swait.ge [sflag:s26], $0x400  }
0x109: {  	[sflag:s26] =	ssyncset.done $0x0  }
0x10a: {  	s29 =	sadd.s32 $0x1000, s29;
	s24 =	sadd.s32 s0, s13;
	[sflag:s26] =	ssyncadd.s32 $0xFFFFFC00  }
0x10b: {  	[hbm4b:s24+s2] =	stream.linear.scatter [tilespmem:s22], [sflag:$0x4], $0x1000, $0x38;
	[tilespmem:$0xDE00] =	vst v63  }
0x10c: {  	p0 =	sne.s32 s29, $0xD000;
	_ =	swait.ge [sflag:s14], $0x1000  }
.Ltmp0:
0x10d: {  	[sflag:s14] =	ssyncset.done $0x0;
	(pc) =	sbr.rel @p0 .LBB2_2-.Ltmp0, $4  }
0x10e: {  	s30 =	sadd.s32 s1, s13;
	[sflag:s14] =	ssyncadd.s32 $0xFFFFF000  }
0x10f: {  	[hbm4b:s30+s2] =	stream.linear.scatter [tilespmem:s23], [sflag:$0x4], $0x1000, $0x38;
	[tilespmem:$0xDE00] =	vst v63  }
0x110: {  	s0 =	sadd.s32 $0x400, s0;
	_ =	swait.ge [sflag:s14], $0x1000  }
0x111: {  	s1 =	sadd.s32 $0x400, s1;
	s8 =	sshra.s32 s21, $0x2;
	[sflag:s14] =	ssyncset.done $0x0  }
0x112: {  	s5 =	sadd.s32 $0x3600, s8;
	[sflag:s14] =	ssyncadd.s32 $0xFFFFF000  }
0x113: {  	[tilespmem:s22], [sflag:$0x2] =	stream.indirect.gather [hbm4b:s3+s16], $0x8, s5, s16, $0xb8;
	[tilespmem:$0xDE00] =	vst v63  }
0x114: {  	_ = 	snop  }
0x115: {  	[tilespmem:s23], [sflag:$0x2] =	stream.indirect.gather [hbm4b:s9+s16], $0x8, s5, s16, $0xb8;
	[tilespmem:$0xDE00] =	vst v63  }
0x116: {  	s24 =	sadd.s32 $0xAA00, s8;
	s6 =	sadd.s32 $0x200, s8  }
0x117: {  	[tilespmem:s24], [sflag:$0x3] =	stream.indirect.gather [hbm4b:s4+s16], $0x1, s6, s16, $0xb8;
	[tilespmem:$0xDE00] =	vst v63  }
0x118: {  	s7 =	rddreg [dreg:$0x3];
	s29 =	sadd.s32 $0x3680, s8  }
0x119: {  	[tilespmem:s7], [sflag:$0x2] =	stream.indirect.gather [hbm4b:s3+s16], $0x8, s29, s16, $0xb8;
	[tilespmem:$0xDE00] =	vst v63  }
0x11a: {  	s30 =	rddreg [dreg:$0x4]  }
0x11b: {  	[tilespmem:s30], [sflag:$0x2] =	stream.indirect.gather [hbm4b:s9+s16], $0x8, s29, s16, $0xb8;
	[tilespmem:$0xDE00] =	vst v63  }
0x11c: {  	s10 =	sadd.s32 $0x280, s8;
	s7 =	sadd.s32 $0xAA80, s8  }
0x11d: {  	[tilespmem:s7], [sflag:$0x3] =	stream.indirect.gather [hbm4b:s4+s16], $0x1, s10, s16, $0xb8;
	[tilespmem:$0xDE00] =	vst v63  }
0x11e: {  	s11 =	rddreg [dreg:$0x5];
	s15 =	sadd.s32 $0x3700, s8  }
0x11f: {  	[tilespmem:s11], [sflag:$0x2] =	stream.indirect.gather [hbm4b:s3+s16], $0x8, s15, s16, $0xb8;
	[tilespmem:$0xDE00] =	vst v63  }
0x120: {  	s20 =	rddreg [dreg:$0x6]  }
0x121: {  	[tilespmem:s20], [sflag:$0x2] =	stream.indirect.gather [hbm4b:s9+s16], $0x8, s15, s16, $0xb8;
	[tilespmem:$0xDE00] =	vst v63  }
0x122: {  	s24 =	sadd.s32 $0xAB00, s8;
	s29 =	sadd.s32 $0x300, s8  }
0x123: {  	[tilespmem:s24], [sflag:$0x3] =	stream.indirect.gather [hbm4b:s4+s16], $0x1, s29, s16, $0xb8;
	[tilespmem:$0xDE00] =	vst v63  }
0x124: {  	s6 =	sadd.s32 $0x3780, s8;
	s30 =	rddreg [dreg:$0x7]  }
0x125: {  	[tilespmem:s30], [sflag:$0x2] =	stream.indirect.gather [hbm4b:s3+s16], $0x8, s6, s16, $0xb8;
	[tilespmem:$0xDE00] =	vst v63  }
0x126: {  	s10 =	rddreg [dreg:$0x8]  }
0x127: {  	[tilespmem:s10], [sflag:$0x2] =	stream.indirect.gather [hbm4b:s9+s16], $0x8, s6, s16, $0xb8;
	[tilespmem:$0xDE00] =	vst v63  }
0x128: {  	s11 =	sadd.s32 $0xAB80, s8;
	s15 =	sadd.s32 $0x380, s8  }
0x129: {  	[tilespmem:s11], [sflag:$0x3] =	stream.indirect.gather [hbm4b:s4+s16], $0x1, s15, s16, $0xb8;
	[tilespmem:$0xDE00] =	vst v63  }
0x12a: {  	_ =	swait.ge [sflag:s25], $0x400  }
0x12b: {  	[sflag:s25] =	ssyncset.done $0x0  }
0x12c: {  	[sflag:s25] =	ssyncadd.s32 $0xFFFFFC00  }
0x12d: {  	_ =	swait.ge [sflag:s25], $0x400  }
0x12e: {  	[sflag:s25] =	ssyncset.done $0x0  }
0x12f: {  	[sflag:s25] =	ssyncadd.s32 $0xFFFFFC00  }
0x130: {  	_ =	swait.ge [sflag:s25], $0x400  }
0x131: {  	[sflag:s25] =	ssyncset.done $0x0  }
0x132: {  	[sflag:s25] =	ssyncadd.s32 $0xFFFFFC00  }
0x133: {  	_ =	swait.ge [sflag:s25], $0x400  }
0x134: {  	[sflag:s25] =	ssyncset.done $0x0  }
0x135: {  	[sflag:s25] =	ssyncadd.s32 $0xFFFFFC00  }
0x136: {  	_ =	swait.ge [sflag:s25], $0x400  }
0x137: {  	[sflag:s25] =	ssyncset.done $0x0  }
0x138: {  	[sflag:s25] =	ssyncadd.s32 $0xFFFFFC00  }
0x139: {  	_ =	swait.ge [sflag:s25], $0x400  }
0x13a: {  	[sflag:s25] =	ssyncset.done $0x0  }
0x13b: {  	[sflag:s25] =	ssyncadd.s32 $0xFFFFFC00  }
0x13c: {  	_ =	swait.ge [sflag:s25], $0x400  }
0x13d: {  	[sflag:s25] =	ssyncset.done $0x0  }
0x13e: {  	[sflag:s25] =	ssyncadd.s32 $0xFFFFFC00  }
0x13f: {  	_ =	swait.ge [sflag:s25], $0x400  }
0x140: {  	[sflag:s25] =	ssyncset.done $0x0  }
0x141: {  	s20 =	sadd.s32 s0, s12;
	[sflag:s25] =	ssyncadd.s32 $0xFFFFFC00  }
0x142: {  	[hbm4b:s20+s2] =	stream.linear.scatter [tilespmem:s17], [sflag:$0x4], $0x1000, $0x38;
	[tilespmem:$0xDE00] =	vst v63  }
0x143: {  	_ =	swait.ge [sflag:s14], $0x1000  }
0x144: {  	[sflag:s14] =	ssyncset.done $0x0  }
0x145: {  	p0 =	seq.s32 s21, $0xC000;
	s24 =	sadd.s32 s1, s12;
	[sflag:s14] =	ssyncadd.s32 $0xFFFFF000  }
0x146: {  	[hbm4b:s24+s2] =	stream.linear.scatter [tilespmem:s18], [sflag:$0x4], $0x1000, $0x38;
	[tilespmem:$0xDE00] =	vst v63  }
0x147: {  	s5 =	sshra.s32 @!p0 s21, $0x2;
	_ =	swait.ge [sflag:s14], $0x1000  }
0x148: {  	s7 =	sadd.s32 @!p0 $0x3800, s5;
	[sflag:s14] =	ssyncset.done $0x0  }
0x149: {  	s8 =	simm.s32 @!p0 $0x80;
	s6 =	simm.s32 @!p0 $0x6800;
	[sflag:s14] =	ssyncadd.s32 $0xFFFFF000  }
0x14a: {  	[tilespmem:s6], [sflag:$0x1] =	stream.indirect.gather @!p0 [hbm4b:s3+s8], $0x8, s7, s8, $0xb8;
	[tilespmem:$0xDE00] =	vst v63  }
0x14b: {  	s6 =	simm.s32 @!p0 $0x8800  }
0x14c: {  	[tilespmem:s6], [sflag:$0x1] =	stream.indirect.gather @!p0 [hbm4b:s9+s8], $0x8, s7, s8, $0xb8;
	[tilespmem:$0xDE00] =	vst v63  }
0x14d: {  	s6 =	sadd.s32 @!p0 $0xAC00, s5;
	s7 =	sadd.s32 @!p0 $0x400, s5  }
0x14e: {  	[tilespmem:s6], [sflag:$0x3] =	stream.indirect.gather @!p0 [hbm4b:s4+s8], $0x1, s7, s8, $0xb8;
	[tilespmem:$0xDE00] =	vst v63  }
0x14f: {  	s6 =	sadd.s32 @!p0 $0x3880, s5;
	s7 =	simm.s32 @!p0 $0x6C00  }
0x150: {  	[tilespmem:s7], [sflag:$0x1] =	stream.indirect.gather @!p0 [hbm4b:s3+s8], $0x8, s6, s8, $0xb8;
	[tilespmem:$0xDE00] =	vst v63  }
0x151: {  	s7 =	simm.s32 @!p0 $0x8C00  }
0x152: {  	[tilespmem:s7], [sflag:$0x1] =	stream.indirect.gather @!p0 [hbm4b:s9+s8], $0x8, s6, s8, $0xb8;
	[tilespmem:$0xDE00] =	vst v63  }
0x153: {  	s6 =	sadd.s32 @!p0 $0xAC80, s5;
	s7 =	sadd.s32 @!p0 $0x480, s5  }
0x154: {  	[tilespmem:s6], [sflag:$0x3] =	stream.indirect.gather @!p0 [hbm4b:s4+s8], $0x1, s7, s8, $0xb8;
	[tilespmem:$0xDE00] =	vst v63  }
0x155: {  	s6 =	sadd.s32 @!p0 $0x3900, s5;
	s7 =	simm.s32 @!p0 $0x7000  }
0x156: {  	[tilespmem:s7], [sflag:$0x1] =	stream.indirect.gather @!p0 [hbm4b:s3+s8], $0x8, s6, s8, $0xb8;
	[tilespmem:$0xDE00] =	vst v63  }
0x157: {  	s7 =	simm.s32 @!p0 $0x9000  }
0x158: {  	[tilespmem:s7], [sflag:$0x1] =	stream.indirect.gather @!p0 [hbm4b:s9+s8], $0x8, s6, s8, $0xb8;
	[tilespmem:$0xDE00] =	vst v63  }
0x159: {  	s6 =	sadd.s32 @!p0 $0xAD00, s5;
	s7 =	sadd.s32 @!p0 $0x500, s5  }
0x15a: {  	[tilespmem:s6], [sflag:$0x3] =	stream.indirect.gather @!p0 [hbm4b:s4+s8], $0x1, s7, s8, $0xb8;
	[tilespmem:$0xDE00] =	vst v63  }
0x15b: {  	s6 =	sadd.s32 @!p0 $0x3980, s5;
	s7 =	simm.s32 @!p0 $0x7400  }
0x15c: {  	[tilespmem:s7], [sflag:$0x1] =	stream.indirect.gather @!p0 [hbm4b:s3+s8], $0x8, s6, s8, $0xb8;
	[tilespmem:$0xDE00] =	vst v63  }
0x15d: {  	s7 =	simm.s32 @!p0 $0x9400  }
0x15e: {  	[tilespmem:s7], [sflag:$0x1] =	stream.indirect.gather @!p0 [hbm4b:s9+s8], $0x8, s6, s8, $0xb8;
	[tilespmem:$0xDE00] =	vst v63  }
0x15f: {  	s6 =	sadd.s32 @!p0 $0xAD80, s5;
	s5 =	sadd.s32 @!p0 $0x580, s5  }
0x160: {  	[tilespmem:s6], [sflag:$0x3] =	stream.indirect.gather @!p0 [hbm4b:s4+s8], $0x1, s5, s8, $0xb8;
	[tilespmem:$0xDE00] =	vst v63  }
0x161: {  	_ =	swait.ge [sflag:s26], $0x400  }
0x162: {  	[sflag:s26] =	ssyncset.done $0x0  }
0x163: {  	[sflag:s26] =	ssyncadd.s32 $0xFFFFFC00  }
0x164: {  	_ =	swait.ge [sflag:s26], $0x400  }
0x165: {  	[sflag:s26] =	ssyncset.done $0x0  }
0x166: {  	[sflag:s26] =	ssyncadd.s32 $0xFFFFFC00  }
0x167: {  	_ =	swait.ge [sflag:s26], $0x400  }
0x168: {  	[sflag:s26] =	ssyncset.done $0x0  }
0x169: {  	[sflag:s26] =	ssyncadd.s32 $0xFFFFFC00  }
0x16a: {  	_ =	swait.ge [sflag:s26], $0x400  }
0x16b: {  	[sflag:s26] =	ssyncset.done $0x0  }
0x16c: {  	[sflag:s26] =	ssyncadd.s32 $0xFFFFFC00  }
0x16d: {  	_ =	swait.ge [sflag:s26], $0x400  }
0x16e: {  	[sflag:s26] =	ssyncset.done $0x0  }
0x16f: {  	[sflag:s26] =	ssyncadd.s32 $0xFFFFFC00  }
0x170: {  	_ =	swait.ge [sflag:s26], $0x400  }
0x171: {  	[sflag:s26] =	ssyncset.done $0x0  }
0x172: {  	[sflag:s26] =	ssyncadd.s32 $0xFFFFFC00  }
0x173: {  	_ =	swait.ge [sflag:s26], $0x400  }
0x174: {  	[sflag:s26] =	ssyncset.done $0x0  }
0x175: {  	[sflag:s26] =	ssyncadd.s32 $0xFFFFFC00  }
0x176: {  	_ =	swait.ge [sflag:s26], $0x400  }
0x177: {  	[sflag:s26] =	ssyncset.done $0x0  }
0x178: {  	s29 =	sadd.s32 s0, s13;
	[sflag:s26] =	ssyncadd.s32 $0xFFFFFC00  }
0x179: {  	[hbm4b:s29+s2] =	stream.linear.scatter [tilespmem:s22], [sflag:$0x4], $0x1000, $0x38;
	[tilespmem:$0xDE00] =	vst v63  }
0x17a: {  	_ =	swait.ge [sflag:s14], $0x1000  }
0x17b: {  	[sflag:s14] =	ssyncset.done $0x0  }
0x17c: {  	s30 =	sadd.s32 s1, s13;
	[sflag:s14] =	ssyncadd.s32 $0xFFFFF000  }
0x17d: {  	[hbm4b:s30+s2] =	stream.linear.scatter [tilespmem:s23], [sflag:$0x4], $0x1000, $0x38;
	[tilespmem:$0xDE00] =	vst v63  }
0x17e: {  	_ =	swait.ge [sflag:s14], $0x1000  }
0x17f: {  	[sflag:s14] =	ssyncset.done $0x0  }
0x180: {  	s0 =	simm.s32 $0x68;
	[sflag:s14] =	ssyncadd.s32 $0xFFFFF000  }
.LBB2_4:
0x181: {  	p0 =	sne.s32 s0, $0x1  }
.Ltmp1:
0x182: {  	_ = 	snop;
	(pc) =	sbr.rel @p0 .LBB2_4-.Ltmp1, $4  }
0x183: {  	_ = 	snop  }
0x184: {  	_ =	swait.ge [sflag:s28], $0x80  }
0x185: {  	[sflag:s28] =	ssyncset.done $0x0  }
0x186: {  	s0 =	sadd.s32 $0xFFFFFFFF, s0;
	[sflag:s28] =	ssyncadd.s32 $0xFFFFFF80  }
0x187: {  	s0 =	simm.s32 $0x0  }
0x188: {  	v34 =	vmov s0  }
0x189: {  	v34 =	vmul.u32 $0x1A, v34;
	_ =	sdelay $0x1  }
0x18a: {  	v34 =	vbroadcast v34, $0x0;
	_ =	sdelay $0x1  }
0x18b: {  	v35 =	vadd.s32 v0, v34  }
0x18c: {  	v35 =	vand.u32 $0xFFFFFFF8, v35  }
0x18d: {  	v36 =	vadd.s32 v2, v34;
	v35 =	vor.u32 v1, v35  }
0x18e: {  	v36 =	vand.u32 $0xFFFFFFF8, v36  }
0x18f: {  	v37 =	vadd.s32 v4, v34;
	v36 =	vor.u32 v3, v36  }
0x190: {  	v37 =	vand.u32 $0xFFFFFFF8, v37  }
0x191: {  	v38 =	vadd.s32 v6, v34;
	v37 =	vor.u32 v5, v37  }
0x192: {  	v38 =	vand.u32 $0xFFFFFFF8, v38;
	v35 =	vld.idx.msk [tilespmem:v35+s19+$0x0], $0xffff  }
0x193: {  	v39 =	vadd.s32 v8, v34;
	v38 =	vor.u32 v7, v38  }
0x194: {  	v39 =	vand.u32 $0xFFFFFFF8, v39;
	v36 =	vld.idx.msk [tilespmem:v36+s19+$0x0], $0xffff  }
0x195: {  	v40 =	vadd.s32 v10, v34;
	v39 =	vor.u32 v9, v39  }
0x196: {  	v40 =	vand.u32 $0xFFFFFFF8, v40;
	v37 =	vld.idx.msk [tilespmem:v37+s19+$0x0], $0xffff  }
0x197: {  	v41 =	vadd.s32 v12, v34;
	v40 =	vor.u32 v11, v40;
	v35 =	vadd.f32 $0.0e+00, v35  }
0x198: {  	v41 =	vand.u32 $0xFFFFFFF8, v41;
	v38 =	vld.idx.msk [tilespmem:v38+s19+$0x0], $0xffff  }
0x199: {  	v42 =	vadd.s32 v14, v34;
	v41 =	vor.u32 v13, v41;
	v35 =	vadd.f32 v36, v35  }
0x19a: {  	v47 =	vand.u32 $0xFFFFFFF8, v42;
	v46 =	vld.idx.msk [tilespmem:v39+s19+$0x0], $0xffff  }
0x19b: {  	v48 =	vadd.s32 v16, v34;
	v39 =	vor.u32 v15, v47;
	v35 =	vadd.f32 v37, v35  }
0x19c: {  	v50 =	vand.u32 $0xFFFFFFF8, v48;
	v49 =	vld.idx.msk [tilespmem:v40+s19+$0x0], $0xffff  }
0x19d: {  	v51 =	vadd.s32 v17, v34;
	v40 =	vor.u32 v1, v50;
	v35 =	vadd.f32 v38, v35  }
0x19e: {  	v53 =	vand.u32 $0xFFFFFFF8, v51;
	v52 =	vld.idx.msk [tilespmem:v41+s19+$0x0], $0xffff  }
0x19f: {  	v54 =	vadd.s32 v18, v34;
	v41 =	vor.u32 v3, v53;
	v35 =	vadd.f32 v46, v35  }
0x1a0: {  	v56 =	vand.u32 $0xFFFFFFF8, v54;
	v55 =	vld.idx.msk [tilespmem:v39+s19+$0x0], $0xffff  }
0x1a1: {  	v57 =	vadd.s32 v19, v34;
	v39 =	vor.u32 v5, v56;
	v35 =	vadd.f32 v49, v35  }
0x1a2: {  	v59 =	vand.u32 $0xFFFFFFF8, v57;
	v58 =	vld.idx.msk [tilespmem:v40+s19+$0x0], $0xffff  }
0x1a3: {  	v60 =	vadd.s32 v20, v34;
	v40 =	vor.u32 v7, v59;
	v35 =	vadd.f32 v52, v35  }
0x1a4: {  	v62 =	vand.u32 $0xFFFFFFF8, v60;
	v61 =	vld.idx.msk [tilespmem:v41+s19+$0x0], $0xffff  }
0x1a5: {  	v63 =	vadd.s32 v21, v34;
	v41 =	vor.u32 v9, v62;
	v35 =	vadd.f32 v55, v35  }
0x1a6: {  	v45 =	vld.idx.msk [tilespmem:v39+s19+$0x0], $0xffff;
	v46 =	vand.u32 $0xFFFFFFF8, v63  }
0x1a7: {  	v47 =	vadd.s32 v22, v34;
	v39 =	vor.u32 v11, v46;
	v35 =	vadd.f32 v58, v35  }
0x1a8: {  	v48 =	vld.idx.msk [tilespmem:v40+s19+$0x0], $0xffff;
	v49 =	vand.u32 $0xFFFFFFF8, v47  }
0x1a9: {  	v50 =	vadd.s32 v23, v34;
	v40 =	vor.u32 v13, v49;
	v35 =	vadd.f32 v61, v35  }
0x1aa: {  	v51 =	vld.idx.msk [tilespmem:v41+s19+$0x0], $0xffff;
	v52 =	vand.u32 $0xFFFFFFF8, v50  }
0x1ab: {  	v53 =	vadd.s32 v24, v34;
	v41 =	vor.u32 v15, v52;
	v35 =	vadd.f32 v45, v35  }
0x1ac: {  	v54 =	vld.idx.msk [tilespmem:v39+s19+$0x0], $0xffff;
	v55 =	vand.u32 $0xFFFFFFF8, v53  }
0x1ad: {  	v56 =	vadd.s32 v25, v34;
	v39 =	vor.u32 v1, v55;
	v35 =	vadd.f32 v48, v35  }
0x1ae: {  	v57 =	vld.idx.msk [tilespmem:v40+s19+$0x0], $0xffff;
	v58 =	vand.u32 $0xFFFFFFF8, v56  }
0x1af: {  	v59 =	vadd.s32 v26, v34;
	v40 =	vor.u32 v3, v58;
	v35 =	vadd.f32 v51, v35  }
0x1b0: {  	v60 =	vld.idx.msk [tilespmem:v41+s19+$0x0], $0xffff;
	v61 =	vand.u32 $0xFFFFFFF8, v59  }
0x1b1: {  	v62 =	vadd.s32 v27, v34;
	v41 =	vor.u32 v5, v61;
	v35 =	vadd.f32 v54, v35  }
0x1b2: {  	v44 =	vand.u32 $0xFFFFFFF8, v62;
	v63 =	vld.idx.msk [tilespmem:v39+s19+$0x0], $0xffff  }
0x1b3: {  	v39 =	vor.u32 v7, v44;
	v45 =	vadd.s32 v28, v34;
	v35 =	vadd.f32 v57, v35  }
0x1b4: {  	v47 =	vand.u32 $0xFFFFFFF8, v45;
	v46 =	vld.idx.msk [tilespmem:v40+s19+$0x0], $0xffff  }
0x1b5: {  	v40 =	vor.u32 v9, v47;
	v48 =	vadd.s32 v29, v34;
	v35 =	vadd.f32 v60, v35  }
0x1b6: {  	v50 =	vand.u32 $0xFFFFFFF8, v48;
	v49 =	vld.idx.msk [tilespmem:v41+s19+$0x0], $0xffff  }
0x1b7: {  	v41 =	vor.u32 v11, v50;
	v51 =	vadd.s32 v30, v34;
	v35 =	vadd.f32 v63, v35  }
0x1b8: {  	v52 =	vld.idx.msk [tilespmem:v39+s19+$0x0], $0xffff;
	v53 =	vand.u32 $0xFFFFFFF8, v51  }
0x1b9: {  	v39 =	vor.u32 v13, v53;
	v54 =	vadd.s32 v31, v34;
	v35 =	vadd.f32 v46, v35  }
0x1ba: {  	v55 =	vld.idx.msk [tilespmem:v40+s19+$0x0], $0xffff;
	v56 =	vand.u32 $0xFFFFFFF8, v54  }
0x1bb: {  	v40 =	vor.u32 v15, v56;
	v57 =	vadd.s32 v32, v34;
	v35 =	vadd.f32 v49, v35  }
0x1bc: {  	v58 =	vld.idx.msk [tilespmem:v41+s19+$0x0], $0xffff;
	v59 =	vand.u32 $0xFFFFFFF8, v57  }
0x1bd: {  	v34 =	vadd.s32 v33, v34;
	v41 =	vor.u32 v1, v59;
	v35 =	vadd.f32 v52, v35  }
0x1be: {  	v34 =	vand.u32 $0xFFFFFFF8, v34;
	v60 =	vld.idx.msk [tilespmem:v39+s19+$0x0], $0xffff  }
0x1bf: {  	s30 =	simm.s32 $0x10;
	v34 =	vor.u32 v3, v34;
	v35 =	vadd.f32 v55, v35  }
0x1c0: {  	v62 =	vmov s30;
	v61 =	vld.idx.msk [tilespmem:v40+s19+$0x0], $0xffff  }
0x1c1: {  	v39 =	vmul.u32 $0x1A, v62;
	v35 =	vadd.f32 v58, v35  }
0x1c2: {  	v63 =	vld.idx.msk [tilespmem:v41+s19+$0x0], $0xffff  }
0x1c3: {  	v39 =	vbroadcast v39, $0x0;
	v35 =	vadd.f32 v60, v35  }
0x1c4: {  	v34 =	vld.idx.msk [tilespmem:v34+s19+$0x0], $0xffff  }
0x1c5: {  	v42 =	vadd.s32 v0, v39;
	v35 =	vadd.f32 v61, v35  }
0x1c6: {  	v36 =	vand.u32 $0xFFFFFFF8, v42  }
0x1c7: {  	v43 =	vadd.s32 v2, v39;
	v36 =	vor.u32 v1, v36;
	v35 =	vadd.f32 v63, v35  }
0x1c8: {  	v37 =	vand.u32 $0xFFFFFFF8, v43  }
0x1c9: {  	v44 =	vadd.s32 v4, v39;
	v37 =	vor.u32 v3, v37;
	v34 =	vadd.f32 v34, v35  }
0x1ca: {  	s0 =	simm.s32 $0xDC00;
	v45 =	vand.u32 $0xFFFFFFF8, v44  }
0x1cb: {  	v46 =	vadd.s32 v6, v39;
	v35 =	vor.u32 v5, v45;
	[tilespmem:s0+$0x0] =	vst v34  }
0x1cc: {  	v47 =	vand.u32 $0xFFFFFFF8, v46;
	v34 =	vld.idx.msk [tilespmem:v36+s19+$0x0], $0xffff  }
0x1cd: {  	v48 =	vadd.s32 v8, v39;
	v36 =	vor.u32 v7, v47  }
0x1ce: {  	v38 =	vand.u32 $0xFFFFFFF8, v48;
	v37 =	vld.idx.msk [tilespmem:v37+s19+$0x0], $0xffff  }
0x1cf: {  	v49 =	vadd.s32 v10, v39;
	v38 =	vor.u32 v9, v38  }
0x1d0: {  	v40 =	vand.u32 $0xFFFFFFF8, v49;
	v35 =	vld.idx.msk [tilespmem:v35+s19+$0x0], $0xffff  }
0x1d1: {  	v50 =	vadd.s32 v12, v39;
	v40 =	vor.u32 v11, v40;
	v34 =	vadd.f32 $0.0e+00, v34  }
0x1d2: {  	v41 =	vand.u32 $0xFFFFFFF8, v50;
	v36 =	vld.idx.msk [tilespmem:v36+s19+$0x0], $0xffff  }
0x1d3: {  	v51 =	vadd.s32 v14, v39;
	v41 =	vor.u32 v13, v41;
	v34 =	vadd.f32 v37, v34  }
0x1d4: {  	v53 =	vand.u32 $0xFFFFFFF8, v51;
	v52 =	vld.idx.msk [tilespmem:v38+s19+$0x0], $0xffff  }
0x1d5: {  	v54 =	vadd.s32 v16, v39;
	v38 =	vor.u32 v15, v53;
	v34 =	vadd.f32 v35, v34  }
0x1d6: {  	v56 =	vand.u32 $0xFFFFFFF8, v54;
	v55 =	vld.idx.msk [tilespmem:v40+s19+$0x0], $0xffff  }
0x1d7: {  	v57 =	vadd.s32 v17, v39;
	v40 =	vor.u32 v1, v56;
	v34 =	vadd.f32 v36, v34  }
0x1d8: {  	v59 =	vand.u32 $0xFFFFFFF8, v57;
	v58 =	vld.idx.msk [tilespmem:v41+s19+$0x0], $0xffff  }
0x1d9: {  	v60 =	vadd.s32 v18, v39;
	v41 =	vor.u32 v3, v59;
	v34 =	vadd.f32 v52, v34  }
0x1da: {  	v62 =	vand.u32 $0xFFFFFFF8, v60;
	v61 =	vld.idx.msk [tilespmem:v38+s19+$0x0], $0xffff  }
0x1db: {  	v63 =	vadd.s32 v19, v39;
	v38 =	vor.u32 v5, v62;
	v34 =	vadd.f32 v55, v34  }
0x1dc: {  	v46 =	vand.u32 $0xFFFFFFF8, v63;
	v45 =	vld.idx.msk [tilespmem:v40+s19+$0x0], $0xffff  }
0x1dd: {  	v47 =	vadd.s32 v20, v39;
	v40 =	vor.u32 v7, v46;
	v34 =	vadd.f32 v58, v34  }
0x1de: {  	v49 =	vand.u32 $0xFFFFFFF8, v47;
	v48 =	vld.idx.msk [tilespmem:v41+s19+$0x0], $0xffff  }
0x1df: {  	v50 =	vadd.s32 v21, v39;
	v41 =	vor.u32 v9, v49;
	v34 =	vadd.f32 v61, v34  }
0x1e0: {  	v51 =	vld.idx.msk [tilespmem:v38+s19+$0x0], $0xffff;
	v52 =	vand.u32 $0xFFFFFFF8, v50  }
0x1e1: {  	v53 =	vadd.s32 v22, v39;
	v38 =	vor.u32 v11, v52;
	v34 =	vadd.f32 v45, v34  }
0x1e2: {  	v54 =	vld.idx.msk [tilespmem:v40+s19+$0x0], $0xffff;
	v55 =	vand.u32 $0xFFFFFFF8, v53  }
0x1e3: {  	v56 =	vadd.s32 v23, v39;
	v40 =	vor.u32 v13, v55;
	v34 =	vadd.f32 v48, v34  }
0x1e4: {  	v57 =	vld.idx.msk [tilespmem:v41+s19+$0x0], $0xffff;
	v58 =	vand.u32 $0xFFFFFFF8, v56  }
0x1e5: {  	v59 =	vadd.s32 v24, v39;
	v41 =	vor.u32 v15, v58;
	v34 =	vadd.f32 v51, v34  }
0x1e6: {  	v60 =	vld.idx.msk [tilespmem:v38+s19+$0x0], $0xffff;
	v61 =	vand.u32 $0xFFFFFFF8, v59  }
0x1e7: {  	v62 =	vadd.s32 v25, v39;
	v38 =	vor.u32 v1, v61;
	v34 =	vadd.f32 v54, v34  }
0x1e8: {  	v63 =	vld.idx.msk [tilespmem:v40+s19+$0x0], $0xffff;
	v45 =	vand.u32 $0xFFFFFFF8, v62  }
0x1e9: {  	v46 =	vadd.s32 v26, v39;
	v40 =	vor.u32 v3, v45;
	v34 =	vadd.f32 v57, v34  }
0x1ea: {  	v47 =	vld.idx.msk [tilespmem:v41+s19+$0x0], $0xffff;
	v48 =	vand.u32 $0xFFFFFFF8, v46  }
0x1eb: {  	v49 =	vadd.s32 v27, v39;
	v41 =	vor.u32 v5, v48;
	v34 =	vadd.f32 v60, v34  }
0x1ec: {  	v50 =	vld.idx.msk [tilespmem:v38+s19+$0x0], $0xffff;
	v51 =	vand.u32 $0xFFFFFFF8, v49  }
0x1ed: {  	v52 =	vadd.s32 v28, v39;
	v38 =	vor.u32 v7, v51;
	v34 =	vadd.f32 v63, v34  }
0x1ee: {  	v53 =	vld.idx.msk [tilespmem:v40+s19+$0x0], $0xffff;
	v54 =	vand.u32 $0xFFFFFFF8, v52  }
0x1ef: {  	v55 =	vadd.s32 v29, v39;
	v40 =	vor.u32 v9, v54;
	v34 =	vadd.f32 v47, v34  }
0x1f0: {  	v36 =	vand.u32 $0xFFFFFFF8, v55;
	v41 =	vld.idx.msk [tilespmem:v41+s19+$0x0], $0xffff  }
0x1f1: {  	v56 =	vadd.s32 v30, v39;
	v36 =	vor.u32 v11, v36;
	v34 =	vadd.f32 v50, v34  }
0x1f2: {  	v58 =	vand.u32 $0xFFFFFFF8, v56;
	v57 =	vld.idx.msk [tilespmem:v38+s19+$0x0], $0xffff  }
0x1f3: {  	v59 =	vadd.s32 v31, v39;
	v38 =	vor.u32 v13, v58;
	v34 =	vadd.f32 v53, v34  }
0x1f4: {  	v61 =	vadd.s32 v32, v39;
	v60 =	vand.u32 $0xFFFFFFF8, v59;
	v40 =	vld.idx.msk [tilespmem:v40+s19+$0x0], $0xffff  }
0x1f5: {  	v62 =	vand.u32 $0xFFFFFFF8, v61;
	v42 =	vor.u32 v15, v60;
	v34 =	vadd.f32 v41, v34  }
0x1f6: {  	v39 =	vadd.s32 v33, v39;
	v37 =	vor.u32 v1, v62;
	v35 =	vld.idx.msk [tilespmem:v36+s19+$0x0], $0xffff  }
0x1f7: {  	v63 =	vand.u32 $0xFFFFFFF8, v39;
	v34 =	vadd.f32 v57, v34  }
0x1f8: {  	v39 =	vor.u32 v3, v63;
	v36 =	vld.idx.msk [tilespmem:v38+s19+$0x0], $0xffff  }
0x1f9: {  	s1 =	simm.s32 $0x20;
	v34 =	vadd.f32 v40, v34  }
0x1fa: {  	v38 =	vld.idx.msk [tilespmem:v42+s19+$0x0], $0xffff;
	v40 =	vmov s1;
	s1 =	simm.s32 $0x30  }
.LBB2_6:
0x1fb: {  	p0 =	sne.s32 s1, $0x1F0;
	v40 =	vmul.u32 $0x1A, v40;
	v35 =	vadd.f32 v35, v34;
	v37 =	vld.idx.msk [tilespmem:v37+s19+$0x0], $0xffff;
	_ =	sdelay $0x1  }
0x1fc: {  	v34 =	vbroadcast v40, $0x0;
	v35 =	vadd.f32 v36, v35;
	v36 =	vld.idx.msk [tilespmem:v39+s19+$0x0], $0xffff;
	_ =	sdelay $0x1  }
0x1fd: {  	v39 =	vadd.s32 v0, v34;
	v35 =	vadd.f32 v38, v35  }
0x1fe: {  	v38 =	vand.u32 $0xFFFFFFF8, v39  }
0x1ff: {  	v39 =	vadd.s32 v2, v34;
	v38 =	vor.u32 v1, v38;
	v35 =	vadd.f32 v37, v35  }
0x200: {  	v37 =	vand.u32 $0xFFFFFFF8, v39  }
0x201: {  	v39 =	vadd.s32 v4, v34;
	v37 =	vor.u32 v3, v37;
	v35 =	vadd.f32 v36, v35  }
0x202: {  	s0 =	sadd.s32 $0x10, s0;
	v36 =	vand.u32 $0xFFFFFFF8, v39  }
0x203: {  	v39 =	vadd.s32 v6, v34;
	v36 =	vor.u32 v5, v36;
	[tilespmem:s0+$0x0] =	vst v35  }
0x204: {  	v35 =	vld.idx.msk [tilespmem:v38+s19+$0x0], $0xffff;
	v38 =	vand.u32 $0xFFFFFFF8, v39  }
0x205: {  	v39 =	vadd.s32 v8, v34;
	v38 =	vor.u32 v7, v38  }
0x206: {  	v39 =	vand.u32 $0xFFFFFFF8, v39;
	v37 =	vld.idx.msk [tilespmem:v37+s19+$0x0], $0xffff  }
0x207: {  	v40 =	vadd.s32 v10, v34;
	v39 =	vor.u32 v9, v39  }
0x208: {  	v40 =	vand.u32 $0xFFFFFFF8, v40;
	v36 =	vld.idx.msk [tilespmem:v36+s19+$0x0], $0xffff  }
0x209: {  	v41 =	vadd.s32 v12, v34;
	v40 =	vor.u32 v11, v40  }
0x20a: {  	v41 =	vand.u32 $0xFFFFFFF8, v41;
	v35 =	vadd.f32 $0.0e+00, v35;
	v38 =	vld.idx.msk [tilespmem:v38+s19+$0x0], $0xffff  }
0x20b: {  	v42 =	vadd.s32 v14, v34;
	v41 =	vor.u32 v13, v41  }
0x20c: {  	v35 =	vadd.f32 v37, v35;
	v37 =	vld.idx.msk [tilespmem:v39+s19+$0x0], $0xffff;
	v39 =	vand.u32 $0xFFFFFFF8, v42  }
0x20d: {  	v42 =	vadd.s32 v16, v34;
	v39 =	vor.u32 v15, v39  }
0x20e: {  	v35 =	vadd.f32 v36, v35;
	v36 =	vld.idx.msk [tilespmem:v40+s19+$0x0], $0xffff;
	v40 =	vand.u32 $0xFFFFFFF8, v42  }
0x20f: {  	v42 =	vadd.s32 v17, v34;
	v40 =	vor.u32 v1, v40  }
0x210: {  	v35 =	vadd.f32 v38, v35;
	v38 =	vld.idx.msk [tilespmem:v41+s19+$0x0], $0xffff;
	v41 =	vand.u32 $0xFFFFFFF8, v42  }
0x211: {  	v42 =	vadd.s32 v18, v34;
	v41 =	vor.u32 v3, v41  }
0x212: {  	v35 =	vadd.f32 v37, v35;
	v37 =	vld.idx.msk [tilespmem:v39+s19+$0x0], $0xffff;
	v39 =	vand.u32 $0xFFFFFFF8, v42  }
0x213: {  	v42 =	vadd.s32 v19, v34;
	v39 =	vor.u32 v5, v39  }
0x214: {  	v35 =	vadd.f32 v36, v35;
	v36 =	vld.idx.msk [tilespmem:v40+s19+$0x0], $0xffff;
	v40 =	vand.u32 $0xFFFFFFF8, v42  }
0x215: {  	v42 =	vadd.s32 v20, v34;
	v40 =	vor.u32 v7, v40  }
0x216: {  	v35 =	vadd.f32 v38, v35;
	v38 =	vld.idx.msk [tilespmem:v41+s19+$0x0], $0xffff;
	v41 =	vand.u32 $0xFFFFFFF8, v42  }
0x217: {  	v42 =	vadd.s32 v21, v34;
	v41 =	vor.u32 v9, v41  }
0x218: {  	v35 =	vadd.f32 v37, v35;
	v37 =	vld.idx.msk [tilespmem:v39+s19+$0x0], $0xffff;
	v39 =	vand.u32 $0xFFFFFFF8, v42  }
0x219: {  	v42 =	vadd.s32 v22, v34;
	v39 =	vor.u32 v11, v39  }
0x21a: {  	v35 =	vadd.f32 v36, v35;
	v36 =	vld.idx.msk [tilespmem:v40+s19+$0x0], $0xffff;
	v40 =	vand.u32 $0xFFFFFFF8, v42  }
0x21b: {  	v42 =	vadd.s32 v23, v34;
	v40 =	vor.u32 v13, v40  }
0x21c: {  	v35 =	vadd.f32 v38, v35;
	v38 =	vld.idx.msk [tilespmem:v41+s19+$0x0], $0xffff;
	v41 =	vand.u32 $0xFFFFFFF8, v42  }
0x21d: {  	v42 =	vadd.s32 v24, v34;
	v41 =	vor.u32 v15, v41  }
0x21e: {  	v35 =	vadd.f32 v37, v35;
	v37 =	vld.idx.msk [tilespmem:v39+s19+$0x0], $0xffff;
	v39 =	vand.u32 $0xFFFFFFF8, v42  }
0x21f: {  	v42 =	vadd.s32 v25, v34;
	v39 =	vor.u32 v1, v39  }
0x220: {  	v35 =	vadd.f32 v36, v35;
	v36 =	vld.idx.msk [tilespmem:v40+s19+$0x0], $0xffff;
	v40 =	vand.u32 $0xFFFFFFF8, v42  }
0x221: {  	v42 =	vadd.s32 v26, v34;
	v40 =	vor.u32 v3, v40  }
0x222: {  	v35 =	vadd.f32 v38, v35;
	v38 =	vld.idx.msk [tilespmem:v41+s19+$0x0], $0xffff;
	v41 =	vand.u32 $0xFFFFFFF8, v42  }
0x223: {  	v42 =	vadd.s32 v27, v34;
	v41 =	vor.u32 v5, v41  }
0x224: {  	v35 =	vadd.f32 v37, v35;
	v37 =	vld.idx.msk [tilespmem:v39+s19+$0x0], $0xffff;
	v39 =	vand.u32 $0xFFFFFFF8, v42  }
0x225: {  	v42 =	vadd.s32 v28, v34;
	v39 =	vor.u32 v7, v39  }
0x226: {  	v35 =	vadd.f32 v36, v35;
	v36 =	vld.idx.msk [tilespmem:v40+s19+$0x0], $0xffff;
	v40 =	vand.u32 $0xFFFFFFF8, v42  }
0x227: {  	v42 =	vadd.s32 v29, v34;
	v40 =	vor.u32 v9, v40  }
0x228: {  	v35 =	vadd.f32 v38, v35;
	v38 =	vld.idx.msk [tilespmem:v41+s19+$0x0], $0xffff;
	v41 =	vand.u32 $0xFFFFFFF8, v42  }
0x229: {  	v42 =	vadd.s32 v30, v34;
	v41 =	vor.u32 v11, v41  }
0x22a: {  	v35 =	vadd.f32 v37, v35;
	v37 =	vand.u32 $0xFFFFFFF8, v42;
	v39 =	vld.idx.msk [tilespmem:v39+s19+$0x0], $0xffff  }
0x22b: {  	v42 =	vor.u32 v13, v37;
	v37 =	vadd.s32 v31, v34  }
0x22c: {  	v35 =	vadd.f32 v36, v35;
	v36 =	vand.u32 $0xFFFFFFF8, v37;
	v40 =	vld.idx.msk [tilespmem:v40+s19+$0x0], $0xffff  }
0x22d: {  	v43 =	vor.u32 v15, v36;
	v36 =	vadd.s32 v32, v34  }
0x22e: {  	v38 =	vadd.f32 v38, v35;
	v36 =	vand.u32 $0xFFFFFFF8, v36;
	v35 =	vld.idx.msk [tilespmem:v41+s19+$0x0], $0xffff  }
.Ltmp2:
0x22f: {  	v34 =	vadd.s32 v33, v34;
	v37 =	vor.u32 v1, v36;
	(pc) =	sbr.rel @p0 .LBB2_6-.Ltmp2, $4  }
0x230: {  	v34 =	vand.u32 $0xFFFFFFF8, v34;
	v38 =	vadd.f32 v39, v38;
	v36 =	vld.idx.msk [tilespmem:v42+s19+$0x0], $0xffff  }
0x231: {  	v39 =	vor.u32 v3, v34  }
0x232: {  	v34 =	vadd.f32 v40, v38;
	v38 =	vld.idx.msk [tilespmem:v43+s19+$0x0], $0xffff  }
0x233: {  	v40 =	vmov s1;
	s1 =	sadd.s32 $0x10, s1  }
0x234: {  	_ =	sdelay $0x2  }
0x235: {  	v40 =	vmul.u32 $0x1A, v40;
	v34 =	vadd.f32 v35, v34  }
0x236: {  	v57 =	vld.idx.msk [tilespmem:v37+s19+$0x0], $0xffff  }
0x237: {  	v37 =	vbroadcast v40, $0x0;
	v34 =	vadd.f32 v36, v34  }
0x238: {  	v58 =	vld.idx.msk [tilespmem:v39+s19+$0x0], $0xffff  }
0x239: {  	v59 =	vadd.s32 v0, v37;
	v34 =	vadd.f32 v38, v34  }
0x23a: {  	v60 =	vand.u32 $0xFFFFFFF8, v59  }
0x23b: {  	v61 =	vadd.s32 v2, v37;
	v38 =	vor.u32 v1, v60;
	v34 =	vadd.f32 v57, v34  }
0x23c: {  	v62 =	vand.u32 $0xFFFFFFF8, v61  }
0x23d: {  	v63 =	vadd.s32 v4, v37;
	v35 =	vor.u32 v3, v62;
	v34 =	vadd.f32 v58, v34  }
0x23e: {  	s0 =	sadd.s32 $0x10, s0;
	v42 =	vand.u32 $0xFFFFFFF8, v63  }
0x23f: {  	v43 =	vadd.s32 v6, v37;
	v36 =	vor.u32 v5, v42;
	[tilespmem:s0+$0x0] =	vst v34  }
0x240: {  	v44 =	vand.u32 $0xFFFFFFF8, v43;
	v34 =	vld.idx.msk [tilespmem:v38+s19+$0x0], $0xffff  }
0x241: {  	v45 =	vadd.s32 v8, v37;
	v38 =	vor.u32 v7, v44  }
0x242: {  	v39 =	vand.u32 $0xFFFFFFF8, v45;
	v35 =	vld.idx.msk [tilespmem:v35+s19+$0x0], $0xffff  }
0x243: {  	v40 =	vadd.s32 v10, v37;
	v39 =	vor.u32 v9, v39  }
0x244: {  	v40 =	vand.u32 $0xFFFFFFF8, v40;
	v36 =	vld.idx.msk [tilespmem:v36+s19+$0x0], $0xffff  }
0x245: {  	v41 =	vadd.s32 v12, v37;
	v40 =	vor.u32 v11, v40;
	v34 =	vadd.f32 $0.0e+00, v34  }
0x246: {  	v41 =	vand.u32 $0xFFFFFFF8, v41;
	v38 =	vld.idx.msk [tilespmem:v38+s19+$0x0], $0xffff  }
0x247: {  	v41 =	vor.u32 v13, v41;
	v42 =	vadd.s32 v14, v37;
	v34 =	vadd.f32 v35, v34  }
0x248: {  	v47 =	vand.u32 $0xFFFFFFF8, v42;
	v46 =	vld.idx.msk [tilespmem:v39+s19+$0x0], $0xffff  }
0x249: {  	v48 =	vadd.s32 v16, v37;
	v39 =	vor.u32 v15, v47;
	v34 =	vadd.f32 v36, v34  }
0x24a: {  	v50 =	vand.u32 $0xFFFFFFF8, v48;
	v49 =	vld.idx.msk [tilespmem:v40+s19+$0x0], $0xffff  }
0x24b: {  	v51 =	vadd.s32 v17, v37;
	v40 =	vor.u32 v1, v50;
	v34 =	vadd.f32 v38, v34  }
0x24c: {  	v53 =	vand.u32 $0xFFFFFFF8, v51;
	v52 =	vld.idx.msk [tilespmem:v41+s19+$0x0], $0xffff  }
0x24d: {  	v54 =	vadd.s32 v18, v37;
	v41 =	vor.u32 v3, v53;
	v34 =	vadd.f32 v46, v34  }
0x24e: {  	v56 =	vand.u32 $0xFFFFFFF8, v54;
	v55 =	vld.idx.msk [tilespmem:v39+s19+$0x0], $0xffff  }
0x24f: {  	v57 =	vadd.s32 v19, v37;
	v39 =	vor.u32 v5, v56;
	v34 =	vadd.f32 v49, v34  }
0x250: {  	v59 =	vand.u32 $0xFFFFFFF8, v57;
	v58 =	vld.idx.msk [tilespmem:v40+s19+$0x0], $0xffff  }
0x251: {  	v60 =	vadd.s32 v20, v37;
	v40 =	vor.u32 v7, v59;
	v34 =	vadd.f32 v52, v34  }
0x252: {  	v62 =	vand.u32 $0xFFFFFFF8, v60;
	v61 =	vld.idx.msk [tilespmem:v41+s19+$0x0], $0xffff  }
0x253: {  	v63 =	vadd.s32 v21, v37;
	v41 =	vor.u32 v9, v62;
	v34 =	vadd.f32 v55, v34  }
0x254: {  	v45 =	vld.idx.msk [tilespmem:v39+s19+$0x0], $0xffff;
	v46 =	vand.u32 $0xFFFFFFF8, v63  }
0x255: {  	v47 =	vadd.s32 v22, v37;
	v39 =	vor.u32 v11, v46;
	v34 =	vadd.f32 v58, v34  }
0x256: {  	v48 =	vld.idx.msk [tilespmem:v40+s19+$0x0], $0xffff;
	v49 =	vand.u32 $0xFFFFFFF8, v47  }
0x257: {  	v50 =	vadd.s32 v23, v37;
	v40 =	vor.u32 v13, v49;
	v34 =	vadd.f32 v61, v34  }
0x258: {  	v51 =	vld.idx.msk [tilespmem:v41+s19+$0x0], $0xffff;
	v52 =	vand.u32 $0xFFFFFFF8, v50  }
0x259: {  	v53 =	vadd.s32 v24, v37;
	v41 =	vor.u32 v15, v52;
	v34 =	vadd.f32 v45, v34  }
0x25a: {  	v54 =	vld.idx.msk [tilespmem:v39+s19+$0x0], $0xffff;
	v55 =	vand.u32 $0xFFFFFFF8, v53  }
0x25b: {  	v56 =	vadd.s32 v25, v37;
	v39 =	vor.u32 v1, v55;
	v34 =	vadd.f32 v48, v34  }
0x25c: {  	v57 =	vld.idx.msk [tilespmem:v40+s19+$0x0], $0xffff;
	v58 =	vand.u32 $0xFFFFFFF8, v56  }
0x25d: {  	v59 =	vadd.s32 v26, v37;
	v40 =	vor.u32 v3, v58;
	v34 =	vadd.f32 v51, v34  }
0x25e: {  	v60 =	vld.idx.msk [tilespmem:v41+s19+$0x0], $0xffff;
	v61 =	vand.u32 $0xFFFFFFF8, v59  }
0x25f: {  	v62 =	vadd.s32 v27, v37;
	v41 =	vor.u32 v5, v61;
	v34 =	vadd.f32 v54, v34  }
0x260: {  	v44 =	vand.u32 $0xFFFFFFF8, v62;
	v63 =	vld.idx.msk [tilespmem:v39+s19+$0x0], $0xffff  }
0x261: {  	v39 =	vor.u32 v7, v44;
	v45 =	vadd.s32 v28, v37;
	v34 =	vadd.f32 v57, v34  }
0x262: {  	v47 =	vand.u32 $0xFFFFFFF8, v45;
	v46 =	vld.idx.msk [tilespmem:v40+s19+$0x0], $0xffff  }
0x263: {  	v40 =	vor.u32 v9, v47;
	v48 =	vadd.s32 v29, v37;
	v34 =	vadd.f32 v60, v34  }
0x264: {  	v50 =	vand.u32 $0xFFFFFFF8, v48;
	v49 =	vld.idx.msk [tilespmem:v41+s19+$0x0], $0xffff  }
0x265: {  	v41 =	vor.u32 v11, v50;
	v51 =	vadd.s32 v30, v37;
	v34 =	vadd.f32 v63, v34  }
0x266: {  	v52 =	vld.idx.msk [tilespmem:v39+s19+$0x0], $0xffff;
	v53 =	vand.u32 $0xFFFFFFF8, v51  }
0x267: {  	v39 =	vor.u32 v13, v53;
	v54 =	vadd.s32 v31, v37;
	v34 =	vadd.f32 v46, v34  }
0x268: {  	v55 =	vld.idx.msk [tilespmem:v40+s19+$0x0], $0xffff;
	v56 =	vand.u32 $0xFFFFFFF8, v54  }
0x269: {  	v40 =	vor.u32 v15, v56;
	v57 =	vadd.s32 v32, v37;
	v34 =	vadd.f32 v49, v34  }
0x26a: {  	v58 =	vld.idx.msk [tilespmem:v41+s19+$0x0], $0xffff;
	v59 =	vand.u32 $0xFFFFFFF8, v57  }
0x26b: {  	v37 =	vadd.s32 v33, v37;
	v41 =	vor.u32 v1, v59;
	v34 =	vadd.f32 v52, v34  }
0x26c: {  	v37 =	vand.u32 $0xFFFFFFF8, v37;
	v60 =	vld.idx.msk [tilespmem:v39+s19+$0x0], $0xffff  }
0x26d: {  	v37 =	vor.u32 v3, v37;
	v34 =	vadd.f32 v55, v34  }
0x26e: {  	v61 =	vld.idx.msk [tilespmem:v40+s19+$0x0], $0xffff  }
0x26f: {  	v34 =	vadd.f32 v58, v34  }
0x270: {  	v62 =	vld.idx.msk [tilespmem:v41+s19+$0x0], $0xffff  }
0x271: {  	v34 =	vadd.f32 v60, v34  }
0x272: {  	v63 =	vld.idx.msk [tilespmem:v37+s19+$0x0], $0xffff  }
0x273: {  	v34 =	vadd.f32 v61, v34;
	_ =	sdelay $0x1  }
0x274: {  	v34 =	vadd.f32 v62, v34;
	_ =	sdelay $0x1  }
0x275: {  	v34 =	vadd.f32 v63, v34  }
0x276: {  	s0 =	sadd.s32 $0x10, s0  }
0x277: {  	s29 =	rddreg [dreg:$0xd];
	s1 =	simm.s32 $0xDC00;
	[tilespmem:s0+$0x0] =	vst v34  }
0x278: {  	[hbm4b:s29+s2] =	stream.linear.scatter [tilespmem:s1], [sflag:$0x4], $0x200, $0x38;
	[tilespmem:$0xDE00] =	vst v63  }
0x279: {  	_ =	swait.ge [sflag:s14], $0x200  }
0x27a: {  	s31 =	sadd.s32 $0x1, s31;
	s30 =	rddreg [dreg:$0xe]  }
0x27b: {  	p0 =	sne.s32 s31, s30  }
.Ltmp3:
0x27c: {  	_ = 	snop;
	(pc) =	sbr.rel @p0 .LBB2_1-.Ltmp3, $3  }
0x27d: {  	_ =	sdelay $0x1  }
0x27e: {  	[sflag:s14] =	ssyncset.done $0x0  }
0x27f: {  	[sflag:s14] =	ssyncadd.s32 $0xFFFFFE00  }
0x280: {  	_ =	sfence.sel $0x180000  }
0x281: {  	[bflag:$0x0] =	sbarrier.arrive $0xFFFF  }
0x282: {  	_ =	strace $0x90000047  }
0x283: {  	s0 =	stileid.u32;
	[bflag:$0x2] =	sbarrier.arrive $0xFFFF  }
0x284: {  	p0 =	sne.s32 s0, $0x0;
	s0 =	rddreg [dreg:$0x2]  }
0x285: {  	s0 =	sadd.s32 @!p0 $0x100000, s0  }
0x286: {  	[sflag:s0] =	ssyncadd.tile.s32 @!p0 $0x1;
	_ =	shalt  }
.Lfunc_end2:
_tile_overlayer_lowered:
.L_overlay_start_2:
0x287: {  	(tag) =	ssettag $0x2  }
0x288: {  	s0 =	rddreg [dreg:$0x0];
	s2 =	stileid.u32  }
0x289: {  	s1 =	rddreg [dreg:$0x1];
	p0 =	sne.s32 s2, $0x0  }
0x28a: {  	s3 =	rddreg [dreg:$0x2];
	[bflag:$0x3] =	sbarrier.arrive $0xFFFF;
	s2 =	simm.s32 @!p0 $0x1C04  }
0x28b: {  	[timem:s3], [sflag:s2] =	dma.local @!p0 [hbm:s0], s1  }
0x28c: {  	s0 =	simm.s32 @!p0 $0x4  }
0x28d: {  	_ =	swait.ge @!p0 [sflag:s0], s1  }
0x28e: {  	s1 =	ssub.s32 @!p0 $0x0, s1;
	[sflag:s0] =	ssyncset.done @!p0 $0x0  }
0x28f: {  	[sflag:s0] =	ssyncadd.s32 @!p0 s1  }
0x290: {  	[bflag:$0x3] =	sbarrier.arrive $0xFFFF  }
0x291: {  	_ =	shalt  }

</sc_bundles>
